<compile_context>
chip_gen: v7x
topology: tpu7x:2x2x1
jax: 0.10.2.dev20260603
libtpu: 0.0.44.dev20260713+nightly
codegen_flags: <defaults>
</compile_context>

<pallas_src>
import functools

import jax
import jax.numpy as jnp
from jax import lax
from jax.experimental import pallas as pl
from jax.experimental.pallas import tpu as pltpu
from jax.experimental.pallas import tpu_sc as plsc

V = 1000000
B = 16384
H = 20
D = 32
NC = 2
NS = 16
NW = NC * NS

NCOL = V // 128
VTAIL = V - NCOL * 128
COLS_W = NCOL // NW
COL_REM = NCOL - COLS_W * NW
NGRP = NCOL // 4

ROWS_W = B // NW
CHUNK = 128
NCHUNK = ROWS_W // CHUNK
IPG = 128
GATHERS = CHUNK * H // IPG
IDX_ROWS_W = ROWS_W * H // IPG


def _relayout_body(tt_hbm, tail_hbm, tflat_hbm, tin0, tin1, tout0, tout1,
                   tailv, in_sem0, in_sem1, out_sem0, out_sem1):
    tins = (tin0, tin1)
    touts = (tout0, tout1)
    wid = lax.axis_index("s") * NC + lax.axis_index("c")
    start = wid * COLS_W + jnp.minimum(wid, 2) * 2
    cnt = COLS_W + jnp.where(wid < 2, 2, 0)
    iota32 = lax.iota(jnp.int32, 16) * 32
    in_sems = (in_sem0, in_sem1)
    out_sems = (out_sem0, out_sem1)

    def col_in(j, s):
        return pltpu.make_async_copy(
            tt_hbm.at[:, pl.ds(j * 128, 128)], tins[s], in_sems[s])

    def col_out(j, s):
        return pltpu.make_async_copy(
            touts[s], tflat_hbm.at[pl.ds(j * 4096, 4096)], out_sems[s])

    col_in(start, 0).start()

    def pair_body(p, carry):
        for s in range(2):
            k = p * 2 + s
            j = start + k
            col_in(j, s).wait()

            @pl.when(k + 1 < cnt)
            def _():
                col_in(j + 1, s ^ 1).start()

            @pl.when(k >= 2)
            def _():
                col_out(j - 2, s).wait()

            @plsc.parallel_loop(0, 128 * D // 16, unroll=8)
            def _(i):
                g = i >> 5
                d = i & 31
                v = tins[s][d, pl.ds(g * 16, 16)]
                plsc.store_scatter(touts[s], [iota32 + (g * 512 + d)], v)

            col_out(j, s).start()
        return carry

    lax.fori_loop(0, cnt // 2, pair_body, 0)
    col_out(start + cnt - 2, 0).wait()
    col_out(start + cnt - 1, 1).wait()

    @pl.when(wid == NW - 1)
    def _():
        pltpu.sync_copy(tail_hbm, tailv)
        for r in range(VTAIL):
            for h in range(2):
                tout0[pl.ds(r * D + h * 16, 16)] = tailv[r, pl.ds(h * 16, 16)]
        pltpu.sync_copy(tout0.at[pl.ds(0, VTAIL * D)],
                        tflat_hbm.at[pl.ds(NCOL * 4096, VTAIL * D)])


_relayout = functools.partial(
    pl.kernel,
    out_type=jax.ShapeDtypeStruct((V * D,), jnp.float32),
    mesh=plsc.VectorSubcoreMesh(core_axis_name="c", subcore_axis_name="s"),
    compiler_params=pltpu.CompilerParams(
        use_tc_tiling_on_sc=True, needs_layout_passes=False),
    scratch_types=[
        pltpu.VMEM((D, 128), jnp.float32),
        pltpu.VMEM((D, 128), jnp.float32),
        pltpu.VMEM((128 * D,), jnp.float32),
        pltpu.VMEM((128 * D,), jnp.float32),
        pltpu.VMEM((VTAIL, 128), jnp.float32),
        pltpu.SemaphoreType.DMA,
        pltpu.SemaphoreType.DMA,
        pltpu.SemaphoreType.DMA,
        pltpu.SemaphoreType.DMA,
    ],
)(_relayout_body)


def _embed_body(idx_hbm, table_hbm, out_hbm, idx_v, buf, outbuf, sem):
    wid = lax.axis_index("s") * NC + lax.axis_index("c")
    base = wid * ROWS_W

    pltpu.sync_copy(idx_hbm.at[pl.ds(wid * IDX_ROWS_W, IDX_ROWS_W)], idx_v)

    def chunk_body(c, carry):
        copies = []
        for k in range(GATHERS):
            copies.append(pltpu.async_copy(
                table_hbm.at[idx_v.at[c * GATHERS + k]],
                buf.at[pl.ds(k * IPG, IPG)],
                sem))
        for cp in copies:
            cp.wait()

        def red_body(r, carry2):
            for half in range(2):
                sl = pl.ds(half * 16, 16)
                v = buf[r * H, sl]
                for j in range(1, H):
                    v = v + buf[r * H + j, sl]
                outbuf[r, sl] = v * (1.0 / H)
            return carry2

        lax.fori_loop(0, CHUNK, red_body, 0)
        pltpu.sync_copy(outbuf, out_hbm.at[pl.ds(base + c * CHUNK, CHUNK)])
        return carry

    lax.fori_loop(0, NCHUNK, chunk_body, 0)


_embed = functools.partial(
    pl.kernel,
    out_type=jax.ShapeDtypeStruct((B, D), jnp.float32),
    mesh=plsc.VectorSubcoreMesh(core_axis_name="c", subcore_axis_name="s"),
    compiler_params=pltpu.CompilerParams(use_tc_tiling_on_sc=False),
    scratch_types=[
        pltpu.VMEM((B * H // IPG // NW, IPG), jnp.int32),
        pltpu.VMEM((CHUNK * H, D), jnp.float32),
        pltpu.VMEM((CHUNK, D), jnp.float32),
        pltpu.SemaphoreType.DMA,
    ],
)(_embed_body)


def kernel(label_lists, table):
    idx = label_lists.astype(jnp.int32).reshape(B * H // IPG, IPG)
    tailpad = jnp.pad(table[NCOL * 128:, :], ((0, 0), (0, 128 - D)))
    tflat = _relayout(table.T, tailpad)
    return _embed(idx, tflat.reshape(V, D))

# --- scband reference (transcript-rebuilt; emitter-appended) ---
"""Pipeline reference for scband-multi-label-embedding-88184268521790 (READ-ONLY COPY).

The authoritative reference and input builder live on the scoring server;
editing this copy changes nothing except your own understanding.
"""

import jax, jax.numpy as jnp
import numpy as np

NUM_LABELS = 1000000
EMBED_DIM = 32
BATCH = 16384
HIST = 20

def setup_inputs(seed: int = 0) -> dict:
    key = jax.random.key(seed)
    k1, k2 = jax.random.split(key)
    label_lists = jax.random.randint(k1, (BATCH, HIST), 0, NUM_LABELS, dtype=jnp.int64 if jax.config.jax_enable_x64 else jnp.int32)
    table = jax.random.normal(k2, (NUM_LABELS, EMBED_DIM), dtype=jnp.float32)
    return {"label_lists": label_lists, "table": table}

def reference(label_lists, table):
    # Faithful translation: embed each label in each list, mean-pool over the
    # labels in the list, stack over the batch. All lists here are non-empty
    # (fixed length HIST), matching the padded-tensor production equivalent.
    emb = jnp.take(table, label_lists, axis=0)  # [B, L, D]
    out = emb.mean(axis=1)                      # [B, D]
    return out

if __name__ == "__main__":
    import jax
    _d = setup_inputs()
    print(jax.jit(kernel)(*tuple(_d.values())))

</pallas_src>

<mosaic_0001>
#map = affine_map<(d0, d1) -> (0, 0)>
#map1 = affine_map<(d0, d1) -> (0)>
module attributes {stable_mosaic.version = 14 : i64} {
  func.func @_relayout_body(%arg0: i32, %arg1: i32, %arg2: memref<32x1000000xf32, #tpu.memory_space<hbm>>, %arg3: memref<64x128xf32, #tpu.memory_space<hbm>>, %arg4: memref<32000000xf32, #tpu.memory_space<hbm>>, %arg5: memref<32x128xf32, #tpu.memory_space<vmem>>, %arg6: memref<32x128xf32, #tpu.memory_space<vmem>>, %arg7: memref<4096xf32, #tpu.memory_space<vmem>>, %arg8: memref<4096xf32, #tpu.memory_space<vmem>>, %arg9: memref<64x128xf32, #tpu.memory_space<vmem>>, %arg10: memref<!tpu.dma_semaphore, #tpu.memory_space<semaphore_mem>>, %arg11: memref<!tpu.dma_semaphore, #tpu.memory_space<semaphore_mem>>, %arg12: memref<!tpu.dma_semaphore, #tpu.memory_space<semaphore_mem>>, %arg13: memref<!tpu.dma_semaphore, #tpu.memory_space<semaphore_mem>>) attributes {dimension_semantics = [#tpu.dimension_semantics<core_parallel>, #tpu.dimension_semantics<subcore_parallel>], iteration_bounds = array<i64: 2, 16>, scalar_prefetch = 0 : i64, scratch_operands = 9 : i64, tpu.core_type = #tpu.core_type<sc_vector_subcore>, window_params = [{transform_indices = #map}, {transform_indices = #map}, {transform_indices = #map1}]} {
    %mul3A = arith.constant 2 : i32
    %mul3A_0 = arith.muli %arg1, %mul3A : i32
    %add3A = arith.addi %mul3A_0, %arg0 : i32
    %mul3A_1 = arith.constant 244 : i32
    %mul3A_2 = arith.muli %add3A, %mul3A_1 : i32
    %min3A = arith.constant 2 : i32
    %min3A_3 = arith.minsi %add3A, %min3A : i32
    %mul3A_4 = arith.constant 2 : i32
    %mul3A_5 = arith.muli %min3A_3, %mul3A_4 : i32
    %add3A_6 = arith.addi %mul3A_2, %mul3A_5 : i32
    %lt3A = arith.constant 2 : i32
    %lt3A_7 = arith.cmpi slt, %add3A, %lt3A : i32
    %jit3A = arith.constant 2 : i32
    %jit3A_8 = arith.constant 0 : i32
    %select_n3A = arith.select %lt3A_7, %jit3A, %jit3A_8 : i32
    %add3A_9 = arith.constant 244 : i32
    %add3A_10 = arith.addi %add3A_9, %select_n3A : i32
    %iota3A = tpu.iota {dimensions = array<i32: 0>} : vector<16xi32>
    %mul3A_11 = arith.constant 32 : i32
    %mul3A_12 = vector.broadcast %mul3A_11 : i32 to vector<16xi32>
    %mul3A_13 = arith.muli %iota3A, %mul3A_12 : vector<16xi32>
    %mul3A_14 = arith.constant 128 : i32
    %mul3A_15 = arith.muli %add3A_6, %mul3A_14 : i32
    %dma_start3A = arith.constant 0 : i32
    %dma_start3A_16 = tpu.memref_slice %arg2[%dma_start3A, %mul3A_15] : memref<32x1000000xf32, #tpu.memory_space<hbm>> -> memref<32x128xf32, #tpu.memory_space<hbm>>
    %dma_start3A_17 = arith.constant 0 : i32
    %dma_start3A_18 = tpu.memref_slice %arg2[%dma_start3A_17, %mul3A_15] : memref<32x1000000xf32, #tpu.memory_space<hbm>> -> memref<32x128xf32, #tpu.memory_space<hbm>>
    tpu.enqueue_dma source(%dma_start3A_18 : memref<32x128xf32, #tpu.memory_space<hbm>>) target(%arg5 : memref<32x128xf32, #tpu.memory_space<vmem>>) target_semaphore(%arg10 : memref<!tpu.dma_semaphore, #tpu.memory_space<semaphore_mem>>)
    %jit3A_19 = arith.constant 2 : i32
    %div3A = arith.divsi %add3A_10, %jit3A_19 : i32
    %sign3A = arith.constant 0 : i32
    %sign3A_20 = arith.cmpi sgt, %add3A_10, %sign3A : i32
    %sign3A_21 = arith.extui %sign3A_20 : i1 to i32
    %sign3A_22 = arith.constant 0 : i32
    %sign3A_23 = arith.cmpi slt, %add3A_10, %sign3A_22 : i32
    %sign3A_24 = arith.extui %sign3A_23 : i1 to i32
    %sign3A_25 = arith.subi %sign3A_21, %sign3A_24 : i32
    %sign3A_26 = arith.constant 0 : i32
    %sign3A_27 = arith.cmpi sgt, %jit3A_19, %sign3A_26 : i32
    %sign3A_28 = arith.extui %sign3A_27 : i1 to i32
    %sign3A_29 = arith.constant 0 : i32
    %sign3A_30 = arith.cmpi slt, %jit3A_19, %sign3A_29 : i32
    %sign3A_31 = arith.extui %sign3A_30 : i1 to i32
    %sign3A_32 = arith.subi %sign3A_28, %sign3A_31 : i32
    %ne3A = arith.cmpi ne, %sign3A_25, %sign3A_32 : i32
    %rem3A = arith.remsi %add3A_10, %jit3A_19 : i32
    %ne3A_33 = arith.constant 0 : i32
    %ne3A_34 = arith.cmpi ne, %rem3A, %ne3A_33 : i32
    %and3A = arith.andi %ne3A, %ne3A_34 : i1
    %sub3A = arith.constant 1 : i32
    %sub3A_35 = arith.subi %div3A, %sub3A : i32
    %select_n3A_36 = arith.select %and3A, %sub3A_35, %div3A : i32
    %while3A = arith.constant 0 : i32
    %while3A_37 = arith.constant 0 : i32
    %while3A_38 = arith.subi %select_n3A_36, %while3A_37 : i32
    %while3A_39 = arith.addi %while3A_37, %while3A_38 : i32
    %while3A_40 = arith.constant 1 : i32
    %while3A_41 = arith.divsi %while3A_38, %while3A_40 : i32
    %while3A_42 = arith.muli %while3A_41, %while3A_40 : i32
    %while3A_43 = arith.addi %while3A_37, %while3A_42 : i32
    %while3A_44 = arith.constant 1 : i32
    scf.for %while3A_61 = %while3A_37 to %while3A_43 step %while3A_44  : i32 {
      %mul3A_62 = arith.constant 2 : i32
      %mul3A_63 = arith.muli %while3A_61, %mul3A_62 : i32
      %add3A_64 = arith.constant 0 : i32
      %add3A_65 = arith.addi %mul3A_63, %add3A_64 : i32
      %add3A_66 = arith.addi %add3A_6, %add3A_65 : i32
      %mul3A_67 = arith.constant 128 : i32
      %mul3A_68 = arith.muli %add3A_66, %mul3A_67 : i32
      %dma_wait3A_69 = arith.constant 0 : i32
      %dma_wait3A_70 = tpu.memref_slice %arg2[%dma_wait3A_69, %mul3A_68] : memref<32x1000000xf32, #tpu.memory_space<hbm>> -> memref<32x128xf32, #tpu.memory_space<hbm>>
      %dma_wait3A_71 = arith.constant 0 : i32
      %dma_wait3A_72 = tpu.memref_slice %arg2[%dma_wait3A_71, %mul3A_68] : memref<32x1000000xf32, #tpu.memory_space<hbm>> -> memref<32x128xf32, #tpu.memory_space<hbm>>
      tpu.wait_dma2 semaphore(%arg10 : memref<!tpu.dma_semaphore, #tpu.memory_space<semaphore_mem>>) src(%dma_wait3A_72 : memref<32x128xf32, #tpu.memory_space<hbm>>) dst(%arg5 : memref<32x128xf32, #tpu.memory_space<vmem>>)
      %add3A_73 = arith.constant 1 : i32
      %add3A_74 = arith.addi %add3A_65, %add3A_73 : i32
      %lt3A_75 = arith.cmpi slt, %add3A_74, %add3A_10 : i32
      %convert_element_type3A_76 = arith.extui %lt3A_75 : i1 to i32
      %cond3A_77 = arith.constant 0 : i32
      %cond3A_78 = arith.cmpi ne, %convert_element_type3A_76, %cond3A_77 : i32
      scf.if %cond3A_78 {
        %add3A_118 = arith.constant 1 : i32
        %add3A_119 = arith.addi %add3A_66, %add3A_118 : i32
        %mul3A_120 = arith.constant 128 : i32
        %mul3A_121 = arith.muli %add3A_119, %mul3A_120 : i32
        %dma_start3A_122 = arith.constant 0 : i32
        %dma_start3A_123 = tpu.memref_slice %arg2[%dma_start3A_122, %mul3A_121] : memref<32x1000000xf32, #tpu.memory_space<hbm>> -> memref<32x128xf32, #tpu.memory_space<hbm>>
        %dma_start3A_124 = arith.constant 0 : i32
        %dma_start3A_125 = tpu.memref_slice %arg2[%dma_start3A_124, %mul3A_121] : memref<32x1000000xf32, #tpu.memory_space<hbm>> -> memref<32x128xf32, #tpu.memory_space<hbm>>
        tpu.enqueue_dma source(%dma_start3A_125 : memref<32x128xf32, #tpu.memory_space<hbm>>) target(%arg6 : memref<32x128xf32, #tpu.memory_space<vmem>>) target_semaphore(%arg11 : memref<!tpu.dma_semaphore, #tpu.memory_space<semaphore_mem>>)
      } else {
      }
      %ge3A = arith.constant 2 : i32
      %ge3A_79 = arith.cmpi sge, %add3A_65, %ge3A : i32
      %convert_element_type3A_80 = arith.extui %ge3A_79 : i1 to i32
      %cond3A_81 = arith.constant 0 : i32
      %cond3A_82 = arith.cmpi ne, %convert_element_type3A_80, %cond3A_81 : i32
      scf.if %cond3A_82 {
        %sub3A_118 = arith.constant 2 : i32
        %sub3A_119 = arith.subi %add3A_66, %sub3A_118 : i32
        %mul3A_120 = arith.constant 4096 : i32
        %mul3A_121 = arith.muli %sub3A_119, %mul3A_120 : i32
        %dma_wait3A_122 = tpu.memref_slice %arg4[%mul3A_121] : memref<32000000xf32, #tpu.memory_space<hbm>> -> memref<4096xf32, #tpu.memory_space<hbm>>
        %dma_wait3A_123 = tpu.memref_slice %arg4[%mul3A_121] : memref<32000000xf32, #tpu.memory_space<hbm>> -> memref<4096xf32, #tpu.memory_space<hbm>>
        tpu.wait_dma2 semaphore(%arg12 : memref<!tpu.dma_semaphore, #tpu.memory_space<semaphore_mem>>) src(%arg7 : memref<4096xf32, #tpu.memory_space<vmem>>) dst(%dma_wait3A_123 : memref<4096xf32, #tpu.memory_space<hbm>>)
      } else {
      }
      %parallel_loop3A = arith.constant 0 : i32
      %parallel_loop3A_83 = arith.constant 256 : i32
      %parallel_loop3A_84 = arith.constant 1 : i32
      scf.for %parallel_loop3A_118 = %parallel_loop3A to %parallel_loop3A_83 step %parallel_loop3A_84  : i32 {
        %parallel_loop3A_119 = arith.constant 5 : i32
        %parallel_loop3A_120 = arith.shrsi %parallel_loop3A_118, %parallel_loop3A_119 : i32
        %parallel_loop3A_121 = arith.constant 31 : i32
        %parallel_loop3A_122 = arith.andi %parallel_loop3A_118, %parallel_loop3A_121 : i32
        %parallel_loop3A_123 = arith.constant 16 : i32
        %parallel_loop3A_124 = arith.muli %parallel_loop3A_120, %parallel_loop3A_123 : i32
        %parallel_loop3A_125 = arith.index_cast %parallel_loop3A_122 : i32 to index
        %parallel_loop3A_126 = arith.index_cast %parallel_loop3A_124 : i32 to index
        %parallel_loop3A_127 = tpu.vector_load %arg5[%parallel_loop3A_125, %parallel_loop3A_126] {strides = array<i32>} : memref<32x128xf32, #tpu.memory_space<vmem>>, vector<16xf32>,
        %parallel_loop3A_128 = arith.constant 512 : i32
        %parallel_loop3A_129 = arith.muli %parallel_loop3A_120, %parallel_loop3A_128 : i32
        %parallel_loop3A_130 = arith.addi %parallel_loop3A_129, %parallel_loop3A_122 : i32
        %parallel_loop3A_131 = vector.broadcast %parallel_loop3A_130 : i32 to vector<16xi32>
        %parallel_loop3A_132 = arith.addi %mul3A_13, %parallel_loop3A_131 : vector<16xi32>
        tpu.vector_store_idx %arg7[%parallel_loop3A_132], %parallel_loop3A_127 : memref<4096xf32, #tpu.memory_space<vmem>>[vector<16xi32>], vector<16xf32>,
      } {sc.loop_unroll_factor = 8 : i64, sc.parallel_access}
      %mul3A_85 = arith.constant 4096 : i32
      %mul3A_86 = arith.muli %add3A_66, %mul3A_85 : i32
      %dma_start3A_87 = tpu.memref_slice %arg4[%mul3A_86] : memref<32000000xf32, #tpu.memory_space<hbm>> -> memref<4096xf32, #tpu.memory_space<hbm>>
      %dma_start3A_88 = tpu.memref_slice %arg4[%mul3A_86] : memref<32000000xf32, #tpu.memory_space<hbm>> -> memref<4096xf32, #tpu.memory_space<hbm>>
      tpu.enqueue_dma source(%arg7 : memref<4096xf32, #tpu.memory_space<vmem>>) target(%dma_start3A_88 : memref<4096xf32, #tpu.memory_space<hbm>>) target_semaphore(%arg12 : memref<!tpu.dma_semaphore, #tpu.memory_space<semaphore_mem>>)
      %mul3A_89 = arith.constant 2 : i32
      %mul3A_90 = arith.muli %while3A_61, %mul3A_89 : i32
      %add3A_91 = arith.constant 1 : i32
      %add3A_92 = arith.addi %mul3A_90, %add3A_91 : i32
      %add3A_93 = arith.addi %add3A_6, %add3A_92 : i32
      %mul3A_94 = arith.constant 128 : i32
      %mul3A_95 = arith.muli %add3A_93, %mul3A_94 : i32
      %dma_wait3A_96 = arith.constant 0 : i32
      %dma_wait3A_97 = tpu.memref_slice %arg2[%dma_wait3A_96, %mul3A_95] : memref<32x1000000xf32, #tpu.memory_space<hbm>> -> memref<32x128xf32, #tpu.memory_space<hbm>>
      %dma_wait3A_98 = arith.constant 0 : i32
      %dma_wait3A_99 = tpu.memref_slice %arg2[%dma_wait3A_98, %mul3A_95] : memref<32x1000000xf32, #tpu.memory_space<hbm>> -> memref<32x128xf32, #tpu.memory_space<hbm>>
      tpu.wait_dma2 semaphore(%arg11 : memref<!tpu.dma_semaphore, #tpu.memory_space<semaphore_mem>>) src(%dma_wait3A_99 : memref<32x128xf32, #tpu.memory_space<hbm>>) dst(%arg6 : memref<32x128xf32, #tpu.memory_space<vmem>>)
      %add3A_100 = arith.constant 1 : i32
      %add3A_101 = arith.addi %add3A_92, %add3A_100 : i32
      %lt3A_102 = arith.cmpi slt, %add3A_101, %add3A_10 : i32
      %convert_element_type3A_103 = arith.extui %lt3A_102 : i1 to i32
      %cond3A_104 = arith.constant 0 : i32
      %cond3A_105 = arith.cmpi ne, %convert_element_type3A_103, %cond3A_104 : i32
      scf.if %cond3A_105 {
        %add3A_118 = arith.constant 1 : i32
        %add3A_119 = arith.addi %add3A_93, %add3A_118 : i32
        %mul3A_120 = arith.constant 128 : i32
        %mul3A_121 = arith.muli %add3A_119, %mul3A_120 : i32
        %dma_start3A_122 = arith.constant 0 : i32
        %dma_start3A_123 = tpu.memref_slice %arg2[%dma_start3A_122, %mul3A_121] : memref<32x1000000xf32, #tpu.memory_space<hbm>> -> memref<32x128xf32, #tpu.memory_space<hbm>>
        %dma_start3A_124 = arith.constant 0 : i32
        %dma_start3A_125 = tpu.memref_slice %arg2[%dma_start3A_124, %mul3A_121] : memref<32x1000000xf32, #tpu.memory_space<hbm>> -> memref<32x128xf32, #tpu.memory_space<hbm>>
        tpu.enqueue_dma source(%dma_start3A_125 : memref<32x128xf32, #tpu.memory_space<hbm>>) target(%arg5 : memref<32x128xf32, #tpu.memory_space<vmem>>) target_semaphore(%arg10 : memref<!tpu.dma_semaphore, #tpu.memory_space<semaphore_mem>>)
      } else {
      }
      %ge3A_106 = arith.constant 2 : i32
      %ge3A_107 = arith.cmpi sge, %add3A_92, %ge3A_106 : i32
      %convert_element_type3A_108 = arith.extui %ge3A_107 : i1 to i32
      %cond3A_109 = arith.constant 0 : i32
      %cond3A_110 = arith.cmpi ne, %convert_element_type3A_108, %cond3A_109 : i32
      scf.if %cond3A_110 {
        %sub3A_118 = arith.constant 2 : i32
        %sub3A_119 = arith.subi %add3A_93, %sub3A_118 : i32
        %mul3A_120 = arith.constant 4096 : i32
        %mul3A_121 = arith.muli %sub3A_119, %mul3A_120 : i32
        %dma_wait3A_122 = tpu.memref_slice %arg4[%mul3A_121] : memref<32000000xf32, #tpu.memory_space<hbm>> -> memref<4096xf32, #tpu.memory_space<hbm>>
        %dma_wait3A_123 = tpu.memref_slice %arg4[%mul3A_121] : memref<32000000xf32, #tpu.memory_space<hbm>> -> memref<4096xf32, #tpu.memory_space<hbm>>
        tpu.wait_dma2 semaphore(%arg13 : memref<!tpu.dma_semaphore, #tpu.memory_space<semaphore_mem>>) src(%arg8 : memref<4096xf32, #tpu.memory_space<vmem>>) dst(%dma_wait3A_123 : memref<4096xf32, #tpu.memory_space<hbm>>)
      } else {
      }
      %parallel_loop3A_111 = arith.constant 0 : i32
      %parallel_loop3A_112 = arith.constant 256 : i32
      %parallel_loop3A_113 = arith.constant 1 : i32
      scf.for %parallel_loop3A_118 = %parallel_loop3A_111 to %parallel_loop3A_112 step %parallel_loop3A_113  : i32 {
        %parallel_loop3A_119 = arith.constant 5 : i32
        %parallel_loop3A_120 = arith.shrsi %parallel_loop3A_118, %parallel_loop3A_119 : i32
        %parallel_loop3A_121 = arith.constant 31 : i32
        %parallel_loop3A_122 = arith.andi %parallel_loop3A_118, %parallel_loop3A_121 : i32
        %parallel_loop3A_123 = arith.constant 16 : i32
        %parallel_loop3A_124 = arith.muli %parallel_loop3A_120, %parallel_loop3A_123 : i32
        %parallel_loop3A_125 = arith.index_cast %parallel_loop3A_122 : i32 to index
        %parallel_loop3A_126 = arith.index_cast %parallel_loop3A_124 : i32 to index
        %parallel_loop3A_127 = tpu.vector_load %arg6[%parallel_loop3A_125, %parallel_loop3A_126] {strides = array<i32>} : memref<32x128xf32, #tpu.memory_space<vmem>>, vector<16xf32>,
        %parallel_loop3A_128 = arith.constant 512 : i32
        %parallel_loop3A_129 = arith.muli %parallel_loop3A_120, %parallel_loop3A_128 : i32
        %parallel_loop3A_130 = arith.addi %parallel_loop3A_129, %parallel_loop3A_122 : i32
        %parallel_loop3A_131 = vector.broadcast %parallel_loop3A_130 : i32 to vector<16xi32>
        %parallel_loop3A_132 = arith.addi %mul3A_13, %parallel_loop3A_131 : vector<16xi32>
        tpu.vector_store_idx %arg8[%parallel_loop3A_132], %parallel_loop3A_127 : memref<4096xf32, #tpu.memory_space<vmem>>[vector<16xi32>], vector<16xf32>,
      } {sc.loop_unroll_factor = 8 : i64, sc.parallel_access}
      %mul3A_114 = arith.constant 4096 : i32
      %mul3A_115 = arith.muli %add3A_93, %mul3A_114 : i32
      %dma_start3A_116 = tpu.memref_slice %arg4[%mul3A_115] : memref<32000000xf32, #tpu.memory_space<hbm>> -> memref<4096xf32, #tpu.memory_space<hbm>>
      %dma_start3A_117 = tpu.memref_slice %arg4[%mul3A_115] : memref<32000000xf32, #tpu.memory_space<hbm>> -> memref<4096xf32, #tpu.memory_space<hbm>>
      tpu.enqueue_dma source(%arg8 : memref<4096xf32, #tpu.memory_space<vmem>>) target(%dma_start3A_117 : memref<4096xf32, #tpu.memory_space<hbm>>) target_semaphore(%arg13 : memref<!tpu.dma_semaphore, #tpu.memory_space<semaphore_mem>>)
    }
    %while3A_45 = arith.constant 1 : i32
    scf.for %while3A_61 = %while3A_43 to %while3A_39 step %while3A_45  : i32 {
      %mul3A_62 = arith.constant 2 : i32
      %mul3A_63 = arith.muli %while3A_61, %mul3A_62 : i32
      %add3A_64 = arith.constant 0 : i32
      %add3A_65 = arith.addi %mul3A_63, %add3A_64 : i32
      %add3A_66 = arith.addi %add3A_6, %add3A_65 : i32
      %mul3A_67 = arith.constant 128 : i32
      %mul3A_68 = arith.muli %add3A_66, %mul3A_67 : i32
      %dma_wait3A_69 = arith.constant 0 : i32
      %dma_wait3A_70 = tpu.memref_slice %arg2[%dma_wait3A_69, %mul3A_68] : memref<32x1000000xf32, #tpu.memory_space<hbm>> -> memref<32x128xf32, #tpu.memory_space<hbm>>
      %dma_wait3A_71 = arith.constant 0 : i32
      %dma_wait3A_72 = tpu.memref_slice %arg2[%dma_wait3A_71, %mul3A_68] : memref<32x1000000xf32, #tpu.memory_space<hbm>> -> memref<32x128xf32, #tpu.memory_space<hbm>>
      tpu.wait_dma2 semaphore(%arg10 : memref<!tpu.dma_semaphore, #tpu.memory_space<semaphore_mem>>) src(%dma_wait3A_72 : memref<32x128xf32, #tpu.memory_space<hbm>>) dst(%arg5 : memref<32x128xf32, #tpu.memory_space<vmem>>)
      %add3A_73 = arith.constant 1 : i32
      %add3A_74 = arith.addi %add3A_65, %add3A_73 : i32
      %lt3A_75 = arith.cmpi slt, %add3A_74, %add3A_10 : i32
      %convert_element_type3A_76 = arith.extui %lt3A_75 : i1 to i32
      %cond3A_77 = arith.constant 0 : i32
      %cond3A_78 = arith.cmpi ne, %convert_element_type3A_76, %cond3A_77 : i32
      scf.if %cond3A_78 {
        %add3A_118 = arith.constant 1 : i32
        %add3A_119 = arith.addi %add3A_66, %add3A_118 : i32
        %mul3A_120 = arith.constant 128 : i32
        %mul3A_121 = arith.muli %add3A_119, %mul3A_120 : i32
        %dma_start3A_122 = arith.constant 0 : i32
        %dma_start3A_123 = tpu.memref_slice %arg2[%dma_start3A_122, %mul3A_121] : memref<32x1000000xf32, #tpu.memory_space<hbm>> -> memref<32x128xf32, #tpu.memory_space<hbm>>
        %dma_start3A_124 = arith.constant 0 : i32
        %dma_start3A_125 = tpu.memref_slice %arg2[%dma_start3A_124, %mul3A_121] : memref<32x1000000xf32, #tpu.memory_space<hbm>> -> memref<32x128xf32, #tpu.memory_space<hbm>>
        tpu.enqueue_dma source(%dma_start3A_125 : memref<32x128xf32, #tpu.memory_space<hbm>>) target(%arg6 : memref<32x128xf32, #tpu.memory_space<vmem>>) target_semaphore(%arg11 : memref<!tpu.dma_semaphore, #tpu.memory_space<semaphore_mem>>)
      } else {
      }
      %ge3A = arith.constant 2 : i32
      %ge3A_79 = arith.cmpi sge, %add3A_65, %ge3A : i32
      %convert_element_type3A_80 = arith.extui %ge3A_79 : i1 to i32
      %cond3A_81 = arith.constant 0 : i32
      %cond3A_82 = arith.cmpi ne, %convert_element_type3A_80, %cond3A_81 : i32
      scf.if %cond3A_82 {
        %sub3A_118 = arith.constant 2 : i32
        %sub3A_119 = arith.subi %add3A_66, %sub3A_118 : i32
        %mul3A_120 = arith.constant 4096 : i32
        %mul3A_121 = arith.muli %sub3A_119, %mul3A_120 : i32
        %dma_wait3A_122 = tpu.memref_slice %arg4[%mul3A_121] : memref<32000000xf32, #tpu.memory_space<hbm>> -> memref<4096xf32, #tpu.memory_space<hbm>>
        %dma_wait3A_123 = tpu.memref_slice %arg4[%mul3A_121] : memref<32000000xf32, #tpu.memory_space<hbm>> -> memref<4096xf32, #tpu.memory_space<hbm>>
        tpu.wait_dma2 semaphore(%arg12 : memref<!tpu.dma_semaphore, #tpu.memory_space<semaphore_mem>>) src(%arg7 : memref<4096xf32, #tpu.memory_space<vmem>>) dst(%dma_wait3A_123 : memref<4096xf32, #tpu.memory_space<hbm>>)
      } else {
      }
      %parallel_loop3A = arith.constant 0 : i32
      %parallel_loop3A_83 = arith.constant 256 : i32
      %parallel_loop3A_84 = arith.constant 1 : i32
      scf.for %parallel_loop3A_118 = %parallel_loop3A to %parallel_loop3A_83 step %parallel_loop3A_84  : i32 {
        %parallel_loop3A_119 = arith.constant 5 : i32
        %parallel_loop3A_120 = arith.shrsi %parallel_loop3A_118, %parallel_loop3A_119 : i32
        %parallel_loop3A_121 = arith.constant 31 : i32
        %parallel_loop3A_122 = arith.andi %parallel_loop3A_118, %parallel_loop3A_121 : i32
        %parallel_loop3A_123 = arith.constant 16 : i32
        %parallel_loop3A_124 = arith.muli %parallel_loop3A_120, %parallel_loop3A_123 : i32
        %parallel_loop3A_125 = arith.index_cast %parallel_loop3A_122 : i32 to index
        %parallel_loop3A_126 = arith.index_cast %parallel_loop3A_124 : i32 to index
        %parallel_loop3A_127 = tpu.vector_load %arg5[%parallel_loop3A_125, %parallel_loop3A_126] {strides = array<i32>} : memref<32x128xf32, #tpu.memory_space<vmem>>, vector<16xf32>,
        %parallel_loop3A_128 = arith.constant 512 : i32
        %parallel_loop3A_129 = arith.muli %parallel_loop3A_120, %parallel_loop3A_128 : i32
        %parallel_loop3A_130 = arith.addi %parallel_loop3A_129, %parallel_loop3A_122 : i32
        %parallel_loop3A_131 = vector.broadcast %parallel_loop3A_130 : i32 to vector<16xi32>
        %parallel_loop3A_132 = arith.addi %mul3A_13, %parallel_loop3A_131 : vector<16xi32>
        tpu.vector_store_idx %arg7[%parallel_loop3A_132], %parallel_loop3A_127 : memref<4096xf32, #tpu.memory_space<vmem>>[vector<16xi32>], vector<16xf32>,
      } {sc.loop_unroll_factor = 8 : i64, sc.parallel_access}
      %mul3A_85 = arith.constant 4096 : i32
      %mul3A_86 = arith.muli %add3A_66, %mul3A_85 : i32
      %dma_start3A_87 = tpu.memref_slice %arg4[%mul3A_86] : memref<32000000xf32, #tpu.memory_space<hbm>> -> memref<4096xf32, #tpu.memory_space<hbm>>
      %dma_start3A_88 = tpu.memref_slice %arg4[%mul3A_86] : memref<32000000xf32, #tpu.memory_space<hbm>> -> memref<4096xf32, #tpu.memory_space<hbm>>
      tpu.enqueue_dma source(%arg7 : memref<4096xf32, #tpu.memory_space<vmem>>) target(%dma_start3A_88 : memref<4096xf32, #tpu.memory_space<hbm>>) target_semaphore(%arg12 : memref<!tpu.dma_semaphore, #tpu.memory_space<semaphore_mem>>)
      %mul3A_89 = arith.constant 2 : i32
      %mul3A_90 = arith.muli %while3A_61, %mul3A_89 : i32
      %add3A_91 = arith.constant 1 : i32
      %add3A_92 = arith.addi %mul3A_90, %add3A_91 : i32
      %add3A_93 = arith.addi %add3A_6, %add3A_92 : i32
      %mul3A_94 = arith.constant 128 : i32
      %mul3A_95 = arith.muli %add3A_93, %mul3A_94 : i32
      %dma_wait3A_96 = arith.constant 0 : i32
      %dma_wait3A_97 = tpu.memref_slice %arg2[%dma_wait3A_96, %mul3A_95] : memref<32x1000000xf32, #tpu.memory_space<hbm>> -> memref<32x128xf32, #tpu.memory_space<hbm>>
      %dma_wait3A_98 = arith.constant 0 : i32
      %dma_wait3A_99 = tpu.memref_slice %arg2[%dma_wait3A_98, %mul3A_95] : memref<32x1000000xf32, #tpu.memory_space<hbm>> -> memref<32x128xf32, #tpu.memory_space<hbm>>
      tpu.wait_dma2 semaphore(%arg11 : memref<!tpu.dma_semaphore, #tpu.memory_space<semaphore_mem>>) src(%dma_wait3A_99 : memref<32x128xf32, #tpu.memory_space<hbm>>) dst(%arg6 : memref<32x128xf32, #tpu.memory_space<vmem>>)
      %add3A_100 = arith.constant 1 : i32
      %add3A_101 = arith.addi %add3A_92, %add3A_100 : i32
      %lt3A_102 = arith.cmpi slt, %add3A_101, %add3A_10 : i32
      %convert_element_type3A_103 = arith.extui %lt3A_102 : i1 to i32
      %cond3A_104 = arith.constant 0 : i32
      %cond3A_105 = arith.cmpi ne, %convert_element_type3A_103, %cond3A_104 : i32
      scf.if %cond3A_105 {
        %add3A_118 = arith.constant 1 : i32
        %add3A_119 = arith.addi %add3A_93, %add3A_118 : i32
        %mul3A_120 = arith.constant 128 : i32
        %mul3A_121 = arith.muli %add3A_119, %mul3A_120 : i32
        %dma_start3A_122 = arith.constant 0 : i32
        %dma_start3A_123 = tpu.memref_slice %arg2[%dma_start3A_122, %mul3A_121] : memref<32x1000000xf32, #tpu.memory_space<hbm>> -> memref<32x128xf32, #tpu.memory_space<hbm>>
        %dma_start3A_124 = arith.constant 0 : i32
        %dma_start3A_125 = tpu.memref_slice %arg2[%dma_start3A_124, %mul3A_121] : memref<32x1000000xf32, #tpu.memory_space<hbm>> -> memref<32x128xf32, #tpu.memory_space<hbm>>
        tpu.enqueue_dma source(%dma_start3A_125 : memref<32x128xf32, #tpu.memory_space<hbm>>) target(%arg5 : memref<32x128xf32, #tpu.memory_space<vmem>>) target_semaphore(%arg10 : memref<!tpu.dma_semaphore, #tpu.memory_space<semaphore_mem>>)
      } else {
      }
      %ge3A_106 = arith.constant 2 : i32
      %ge3A_107 = arith.cmpi sge, %add3A_92, %ge3A_106 : i32
      %convert_element_type3A_108 = arith.extui %ge3A_107 : i1 to i32
      %cond3A_109 = arith.constant 0 : i32
      %cond3A_110 = arith.cmpi ne, %convert_element_type3A_108, %cond3A_109 : i32
      scf.if %cond3A_110 {
        %sub3A_118 = arith.constant 2 : i32
        %sub3A_119 = arith.subi %add3A_93, %sub3A_118 : i32
        %mul3A_120 = arith.constant 4096 : i32
        %mul3A_121 = arith.muli %sub3A_119, %mul3A_120 : i32
        %dma_wait3A_122 = tpu.memref_slice %arg4[%mul3A_121] : memref<32000000xf32, #tpu.memory_space<hbm>> -> memref<4096xf32, #tpu.memory_space<hbm>>
        %dma_wait3A_123 = tpu.memref_slice %arg4[%mul3A_121] : memref<32000000xf32, #tpu.memory_space<hbm>> -> memref<4096xf32, #tpu.memory_space<hbm>>
        tpu.wait_dma2 semaphore(%arg13 : memref<!tpu.dma_semaphore, #tpu.memory_space<semaphore_mem>>) src(%arg8 : memref<4096xf32, #tpu.memory_space<vmem>>) dst(%dma_wait3A_123 : memref<4096xf32, #tpu.memory_space<hbm>>)
      } else {
      }
      %parallel_loop3A_111 = arith.constant 0 : i32
      %parallel_loop3A_112 = arith.constant 256 : i32
      %parallel_loop3A_113 = arith.constant 1 : i32
      scf.for %parallel_loop3A_118 = %parallel_loop3A_111 to %parallel_loop3A_112 step %parallel_loop3A_113  : i32 {
        %parallel_loop3A_119 = arith.constant 5 : i32
        %parallel_loop3A_120 = arith.shrsi %parallel_loop3A_118, %parallel_loop3A_119 : i32
        %parallel_loop3A_121 = arith.constant 31 : i32
        %parallel_loop3A_122 = arith.andi %parallel_loop3A_118, %parallel_loop3A_121 : i32
        %parallel_loop3A_123 = arith.constant 16 : i32
        %parallel_loop3A_124 = arith.muli %parallel_loop3A_120, %parallel_loop3A_123 : i32
        %parallel_loop3A_125 = arith.index_cast %parallel_loop3A_122 : i32 to index
        %parallel_loop3A_126 = arith.index_cast %parallel_loop3A_124 : i32 to index
        %parallel_loop3A_127 = tpu.vector_load %arg6[%parallel_loop3A_125, %parallel_loop3A_126] {strides = array<i32>} : memref<32x128xf32, #tpu.memory_space<vmem>>, vector<16xf32>,
        %parallel_loop3A_128 = arith.constant 512 : i32
        %parallel_loop3A_129 = arith.muli %parallel_loop3A_120, %parallel_loop3A_128 : i32
        %parallel_loop3A_130 = arith.addi %parallel_loop3A_129, %parallel_loop3A_122 : i32
        %parallel_loop3A_131 = vector.broadcast %parallel_loop3A_130 : i32 to vector<16xi32>
        %parallel_loop3A_132 = arith.addi %mul3A_13, %parallel_loop3A_131 : vector<16xi32>
        tpu.vector_store_idx %arg8[%parallel_loop3A_132], %parallel_loop3A_127 : memref<4096xf32, #tpu.memory_space<vmem>>[vector<16xi32>], vector<16xf32>,
      } {sc.loop_unroll_factor = 8 : i64, sc.parallel_access}
      %mul3A_114 = arith.constant 4096 : i32
      %mul3A_115 = arith.muli %add3A_93, %mul3A_114 : i32
      %dma_start3A_116 = tpu.memref_slice %arg4[%mul3A_115] : memref<32000000xf32, #tpu.memory_space<hbm>> -> memref<4096xf32, #tpu.memory_space<hbm>>
      %dma_start3A_117 = tpu.memref_slice %arg4[%mul3A_115] : memref<32000000xf32, #tpu.memory_space<hbm>> -> memref<4096xf32, #tpu.memory_space<hbm>>
      tpu.enqueue_dma source(%arg8 : memref<4096xf32, #tpu.memory_space<vmem>>) target(%dma_start3A_117 : memref<4096xf32, #tpu.memory_space<hbm>>) target_semaphore(%arg13 : memref<!tpu.dma_semaphore, #tpu.memory_space<semaphore_mem>>)
    }
    %add3A_46 = arith.addi %add3A_6, %add3A_10 : i32
    %sub3A_47 = arith.constant 2 : i32
    %sub3A_48 = arith.subi %add3A_46, %sub3A_47 : i32
    %mul3A_49 = arith.constant 4096 : i32
    %mul3A_50 = arith.muli %sub3A_48, %mul3A_49 : i32
    %dma_wait3A = tpu.memref_slice %arg4[%mul3A_50] : memref<32000000xf32, #tpu.memory_space<hbm>> -> memref<4096xf32, #tpu.memory_space<hbm>>
    %dma_wait3A_51 = tpu.memref_slice %arg4[%mul3A_50] : memref<32000000xf32, #tpu.memory_space<hbm>> -> memref<4096xf32, #tpu.memory_space<hbm>>
    tpu.wait_dma2 semaphore(%arg12 : memref<!tpu.dma_semaphore, #tpu.memory_space<semaphore_mem>>) src(%arg7 : memref<4096xf32, #tpu.memory_space<vmem>>) dst(%dma_wait3A_51 : memref<4096xf32, #tpu.memory_space<hbm>>)
    %add3A_52 = arith.addi %add3A_6, %add3A_10 : i32
    %sub3A_53 = arith.constant 1 : i32
    %sub3A_54 = arith.subi %add3A_52, %sub3A_53 : i32
    %mul3A_55 = arith.constant 4096 : i32
    %mul3A_56 = arith.muli %sub3A_54, %mul3A_55 : i32
    %dma_wait3A_57 = tpu.memref_slice %arg4[%mul3A_56] : memref<32000000xf32, #tpu.memory_space<hbm>> -> memref<4096xf32, #tpu.memory_space<hbm>>
    %dma_wait3A_58 = tpu.memref_slice %arg4[%mul3A_56] : memref<32000000xf32, #tpu.memory_space<hbm>> -> memref<4096xf32, #tpu.memory_space<hbm>>
    tpu.wait_dma2 semaphore(%arg13 : memref<!tpu.dma_semaphore, #tpu.memory_space<semaphore_mem>>) src(%arg8 : memref<4096xf32, #tpu.memory_space<vmem>>) dst(%dma_wait3A_58 : memref<4096xf32, #tpu.memory_space<hbm>>)
    %eq3A = arith.constant 31 : i32
    %eq3A_59 = arith.cmpi eq, %add3A, %eq3A : i32
    %convert_element_type3A = arith.extui %eq3A_59 : i1 to i32
    %cond3A = arith.constant 0 : i32
    %cond3A_60 = arith.cmpi ne, %convert_element_type3A, %cond3A : i32
    scf.if %cond3A_60 {
      "tpu.region"() ({
        %run_scoped3A = tpu.sem_alloc : memref<!tpu.dma_semaphore, #tpu.memory_space<semaphore_mem>>
        tpu.enqueue_dma source(%arg3 : memref<64x128xf32, #tpu.memory_space<hbm>>) target(%arg9 : memref<64x128xf32, #tpu.memory_space<vmem>>) target_semaphore(%run_scoped3A : memref<!tpu.dma_semaphore, #tpu.memory_space<semaphore_mem>>)
        tpu.wait_dma2 semaphore(%run_scoped3A : memref<!tpu.dma_semaphore, #tpu.memory_space<semaphore_mem>>) src(%arg3 : memref<64x128xf32, #tpu.memory_space<hbm>>) dst(%arg9 : memref<64x128xf32, #tpu.memory_space<vmem>>)
        tpu.yield
      }) : () -> ()
      %get3A = arith.constant 0 : i32
      %get3A_61 = arith.index_cast %get3A : i32 to index
      %get3A_62 = arith.constant 0 : index
      %get3A_63 = tpu.vector_load %arg9[%get3A_61, %get3A_62] {strides = array<i32>} : memref<64x128xf32, #tpu.memory_space<vmem>>, vector<16xf32>,
      %swap3A = arith.constant 0 : index
      %swap3A_64 = tpu.vector_load %arg7[%swap3A] {strides = array<i32>} : memref<4096xf32, #tpu.memory_space<vmem>>, vector<16xf32>,
      tpu.vector_store %arg7[%swap3A], %get3A_63 {strides = array<i32>} : memref<4096xf32, #tpu.memory_space<vmem>>, vector<16xf32>,
      %get3A_65 = arith.constant 0 : i32
      %get3A_66 = arith.index_cast %get3A_65 : i32 to index
      %get3A_67 = arith.constant 16 : index
      %get3A_68 = tpu.vector_load %arg9[%get3A_66, %get3A_67] {strides = array<i32>} : memref<64x128xf32, #tpu.memory_space<vmem>>, vector<16xf32>,
      %swap3A_69 = arith.constant 16 : index
      %swap3A_70 = tpu.vector_load %arg7[%swap3A_69] {strides = array<i32>} : memref<4096xf32, #tpu.memory_space<vmem>>, vector<16xf32>,
      tpu.vector_store %arg7[%swap3A_69], %get3A_68 {strides = array<i32>} : memref<4096xf32, #tpu.memory_space<vmem>>, vector<16xf32>,
      %get3A_71 = arith.constant 1 : i32
      %get3A_72 = arith.index_cast %get3A_71 : i32 to index
      %get3A_73 = arith.constant 0 : index
      %get3A_74 = tpu.vector_load %arg9[%get3A_72, %get3A_73] {strides = array<i32>} : memref<64x128xf32, #tpu.memory_space<vmem>>, vector<16xf32>,
      %swap3A_75 = arith.constant 32 : index
      %swap3A_76 = tpu.vector_load %arg7[%swap3A_75] {strides = array<i32>} : memref<4096xf32, #tpu.memory_space<vmem>>, vector<16xf32>,
      tpu.vector_store %arg7[%swap3A_75], %get3A_74 {strides = array<i32>} : memref<4096xf32, #tpu.memory_space<vmem>>, vector<16xf32>,
      %get3A_77 = arith.constant 1 : i32
      %get3A_78 = arith.index_cast %get3A_77 : i32 to index
      %get3A_79 = arith.constant 16 : index
      %get3A_80 = tpu.vector_load %arg9[%get3A_78, %get3A_79] {strides = array<i32>} : memref<64x128xf32, #tpu.memory_space<vmem>>, vector<16xf32>,
      %swap3A_81 = arith.constant 48 : index
      %swap3A_82 = tpu.vector_load %arg7[%swap3A_81] {strides = array<i32>} : memref<4096xf32, #tpu.memory_space<vmem>>, vector<16xf32>,
      tpu.vector_store %arg7[%swap3A_81], %get3A_80 {strides = array<i32>} : memref<4096xf32, #tpu.memory_space<vmem>>, vector<16xf32>,
      %get3A_83 = arith.constant 2 : i32
      %get3A_84 = arith.index_cast %get3A_83 : i32 to index
      %get3A_85 = arith.constant 0 : index
      %get3A_86 = tpu.vector_load %arg9[%get3A_84, %get3A_85] {strides = array<i32>} : memref<64x128xf32, #tpu.memory_space<vmem>>, vector<16xf32>,
      %swap3A_87 = arith.constant 64 : index
      %swap3A_88 = tpu.vector_load %arg7[%swap3A_87] {strides = array<i32>} : memref<4096xf32, #tpu.memory_space<vmem>>, vector<16xf32>,
      tpu.vector_store %arg7[%swap3A_87], %get3A_86 {strides = array<i32>} : memref<4096xf32, #tpu.memory_space<vmem>>, vector<16xf32>,
      %get3A_89 = arith.constant 2 : i32
      %get3A_90 = arith.index_cast %get3A_89 : i32 to index
      %get3A_91 = arith.constant 16 : index
      %get3A_92 = tpu.vector_load %arg9[%get3A_90, %get3A_91] {strides = array<i32>} : memref<64x128xf32, #tpu.memory_space<vmem>>, vector<16xf32>,
      %swap3A_93 = arith.constant 80 : index
      %swap3A_94 = tpu.vector_load %arg7[%swap3A_93] {strides = array<i32>} : memref<4096xf32, #tpu.memory_space<vmem>>, vector<16xf32>,
      tpu.vector_store %arg7[%swap3A_93], %get3A_92 {strides = array<i32>} : memref<4096xf32, #tpu.memory_space<vmem>>, vector<16xf32>,
      %get3A_95 = arith.constant 3 : i32
      %get3A_96 = arith.index_cast %get3A_95 : i32 to index
      %get3A_97 = arith.constant 0 : index
      %get3A_98 = tpu.vector_load %arg9[%get3A_96, %get3A_97] {strides = array<i32>} : memref<64x128xf32, #tpu.memory_space<vmem>>, vector<16xf32>,
      %swap3A_99 = arith.constant 96 : index
      %swap3A_100 = tpu.vector_load %arg7[%swap3A_99] {strides = array<i32>} : memref<4096xf32, #tpu.memory_space<vmem>>, vector<16xf32>,
      tpu.vector_store %arg7[%swap3A_99], %get3A_98 {strides = array<i32>} : memref<4096xf32, #tpu.memory_space<vmem>>, vector<16xf32>,
      %get3A_101 = arith.constant 3 : i32
      %get3A_102 = arith.index_cast %get3A_101 : i32 to index
      %get3A_103 = arith.constant 16 : index
      %get3A_104 = tpu.vector_load %arg9[%get3A_102, %get3A_103] {strides = array<i32>} : memref<64x128xf32, #tpu.memory_space<vmem>>, vector<16xf32>,
      %swap3A_105 = arith.constant 112 : index
      %swap3A_106 = tpu.vector_load %arg7[%swap3A_105] {strides = array<i32>} : memref<4096xf32, #tpu.memory_space<vmem>>, vector<16xf32>,
      tpu.vector_store %arg7[%swap3A_105], %get3A_104 {strides = array<i32>} : memref<4096xf32, #tpu.memory_space<vmem>>, vector<16xf32>,
      %get3A_107 = arith.constant 4 : i32
      %get3A_108 = arith.index_cast %get3A_107 : i32 to index
      %get3A_109 = arith.constant 0 : index
      %get3A_110 = tpu.vector_load %arg9[%get3A_108, %get3A_109] {strides = array<i32>} : memref<64x128xf32, #tpu.memory_space<vmem>>, vector<16xf32>,
      %swap3A_111 = arith.constant 128 : index
      %swap3A_112 = tpu.vector_load %arg7[%swap3A_111] {strides = array<i32>} : memref<4096xf32, #tpu.memory_space<vmem>>, vector<16xf32>,
      tpu.vector_store %arg7[%swap3A_111], %get3A_110 {strides = array<i32>} : memref<4096xf32, #tpu.memory_space<vmem>>, vector<16xf32>,
      %get3A_113 = arith.constant 4 : i32
      %get3A_114 = arith.index_cast %get3A_113 : i32 to index
      %get3A_115 = arith.constant 16 : index
      %get3A_116 = tpu.vector_load %arg9[%get3A_114, %get3A_115] {strides = array<i32>} : memref<64x128xf32, #tpu.memory_space<vmem>>, vector<16xf32>,
      %swap3A_117 = arith.constant 144 : index
      %swap3A_118 = tpu.vector_load %arg7[%swap3A_117] {strides = array<i32>} : memref<4096xf32, #tpu.memory_space<vmem>>, vector<16xf32>,
      tpu.vector_store %arg7[%swap3A_117], %get3A_116 {strides = array<i32>} : memref<4096xf32, #tpu.memory_space<vmem>>, vector<16xf32>,
      %get3A_119 = arith.constant 5 : i32
      %get3A_120 = arith.index_cast %get3A_119 : i32 to index
      %get3A_121 = arith.constant 0 : index
      %get3A_122 = tpu.vector_load %arg9[%get3A_120, %get3A_121] {strides = array<i32>} : memref<64x128xf32, #tpu.memory_space<vmem>>, vector<16xf32>,
      %swap3A_123 = arith.constant 160 : index
      %swap3A_124 = tpu.vector_load %arg7[%swap3A_123] {strides = array<i32>} : memref<4096xf32, #tpu.memory_space<vmem>>, vector<16xf32>,
      tpu.vector_store %arg7[%swap3A_123], %get3A_122 {strides = array<i32>} : memref<4096xf32, #tpu.memory_space<vmem>>, vector<16xf32>,
      %get3A_125 = arith.constant 5 : i32
      %get3A_126 = arith.index_cast %get3A_125 : i32 to index
      %get3A_127 = arith.constant 16 : index
      %get3A_128 = tpu.vector_load %arg9[%get3A_126, %get3A_127] {strides = array<i32>} : memref<64x128xf32, #tpu.memory_space<vmem>>, vector<16xf32>,
      %swap3A_129 = arith.constant 176 : index
      %swap3A_130 = tpu.vector_load %arg7[%swap3A_129] {strides = array<i32>} : memref<4096xf32, #tpu.memory_space<vmem>>, vector<16xf32>,
      tpu.vector_store %arg7[%swap3A_129], %get3A_128 {strides = array<i32>} : memref<4096xf32, #tpu.memory_space<vmem>>, vector<16xf32>,
      %get3A_131 = arith.constant 6 : i32
      %get3A_132 = arith.index_cast %get3A_131 : i32 to index
      %get3A_133 = arith.constant 0 : index
      %get3A_134 = tpu.vector_load %arg9[%get3A_132, %get3A_133] {strides = array<i32>} : memref<64x128xf32, #tpu.memory_space<vmem>>, vector<16xf32>,
      %swap3A_135 = arith.constant 192 : index
      %swap3A_136 = tpu.vector_load %arg7[%swap3A_135] {strides = array<i32>} : memref<4096xf32, #tpu.memory_space<vmem>>, vector<16xf32>,
      tpu.vector_store %arg7[%swap3A_135], %get3A_134 {strides = array<i32>} : memref<4096xf32, #tpu.memory_space<vmem>>, vector<16xf32>,
      %get3A_137 = arith.constant 6 : i32
      %get3A_138 = arith.index_cast %get3A_137 : i32 to index
      %get3A_139 = arith.constant 16 : index
      %get3A_140 = tpu.vector_load %arg9[%get3A_138, %get3A_139] {strides = array<i32>} : memref<64x128xf32, #tpu.memory_space<vmem>>, vector<16xf32>,
      %swap3A_141 = arith.constant 208 : index
      %swap3A_142 = tpu.vector_load %arg7[%swap3A_141] {strides = array<i32>} : memref<4096xf32, #tpu.memory_space<vmem>>, vector<16xf32>,
      tpu.vector_store %arg7[%swap3A_141], %get3A_140 {strides = array<i32>} : memref<4096xf32, #tpu.memory_space<vmem>>, vector<16xf32>,
      %get3A_143 = arith.constant 7 : i32
      %get3A_144 = arith.index_cast %get3A_143 : i32 to index
      %get3A_145 = arith.constant 0 : index
      %get3A_146 = tpu.vector_load %arg9[%get3A_144, %get3A_145] {strides = array<i32>} : memref<64x128xf32, #tpu.memory_space<vmem>>, vector<16xf32>,
      %swap3A_147 = arith.constant 224 : index
      %swap3A_148 = tpu.vector_load %arg7[%swap3A_147] {strides = array<i32>} : memref<4096xf32, #tpu.memory_space<vmem>>, vector<16xf32>,
      tpu.vector_store %arg7[%swap3A_147], %get3A_146 {strides = array<i32>} : memref<4096xf32, #tpu.memory_space<vmem>>, vector<16xf32>,
      %get3A_149 = arith.constant 7 : i32
      %get3A_150 = arith.index_cast %get3A_149 : i32 to index
      %get3A_151 = arith.constant 16 : index
      %get3A_152 = tpu.vector_load %arg9[%get3A_150, %get3A_151] {strides = array<i32>} : memref<64x128xf32, #tpu.memory_space<vmem>>, vector<16xf32>,
      %swap3A_153 = arith.constant 240 : index
      %swap3A_154 = tpu.vector_load %arg7[%swap3A_153] {strides = array<i32>} : memref<4096xf32, #tpu.memory_space<vmem>>, vector<16xf32>,
      tpu.vector_store %arg7[%swap3A_153], %get3A_152 {strides = array<i32>} : memref<4096xf32, #tpu.memory_space<vmem>>, vector<16xf32>,
      %get3A_155 = arith.constant 8 : i32
      %get3A_156 = arith.index_cast %get3A_155 : i32 to index
      %get3A_157 = arith.constant 0 : index
      %get3A_158 = tpu.vector_load %arg9[%get3A_156, %get3A_157] {strides = array<i32>} : memref<64x128xf32, #tpu.memory_space<vmem>>, vector<16xf32>,
      %swap3A_159 = arith.constant 256 : index
      %swap3A_160 = tpu.vector_load %arg7[%swap3A_159] {strides = array<i32>} : memref<4096xf32, #tpu.memory_space<vmem>>, vector<16xf32>,
      tpu.vector_store %arg7[%swap3A_159], %get3A_158 {strides = array<i32>} : memref<4096xf32, #tpu.memory_space<vmem>>, vector<16xf32>,
      %get3A_161 = arith.constant 8 : i32
      %get3A_162 = arith.index_cast %get3A_161 : i32 to index
      %get3A_163 = arith.constant 16 : index
      %get3A_164 = tpu.vector_load %arg9[%get3A_162, %get3A_163] {strides = array<i32>} : memref<64x128xf32, #tpu.memory_space<vmem>>, vector<16xf32>,
      %swap3A_165 = arith.constant 272 : index
      %swap3A_166 = tpu.vector_load %arg7[%swap3A_165] {strides = array<i32>} : memref<4096xf32, #tpu.memory_space<vmem>>, vector<16xf32>,
      tpu.vector_store %arg7[%swap3A_165], %get3A_164 {strides = array<i32>} : memref<4096xf32, #tpu.memory_space<vmem>>, vector<16xf32>,
      %get3A_167 = arith.constant 9 : i32
      %get3A_168 = arith.index_cast %get3A_167 : i32 to index
      %get3A_169 = arith.constant 0 : index
      %get3A_170 = tpu.vector_load %arg9[%get3A_168, %get3A_169] {strides = array<i32>} : memref<64x128xf32, #tpu.memory_space<vmem>>, vector<16xf32>,
      %swap3A_171 = arith.constant 288 : index
      %swap3A_172 = tpu.vector_load %arg7[%swap3A_171] {strides = array<i32>} : memref<4096xf32, #tpu.memory_space<vmem>>, vector<16xf32>,
      tpu.vector_store %arg7[%swap3A_171], %get3A_170 {strides = array<i32>} : memref<4096xf32, #tpu.memory_space<vmem>>, vector<16xf32>,
      %get3A_173 = arith.constant 9 : i32
      %get3A_174 = arith.index_cast %get3A_173 : i32 to index
      %get3A_175 = arith.constant 16 : index
      %get3A_176 = tpu.vector_load %arg9[%get3A_174, %get3A_175] {strides = array<i32>} : memref<64x128xf32, #tpu.memory_space<vmem>>, vector<16xf32>,
      %swap3A_177 = arith.constant 304 : index
      %swap3A_178 = tpu.vector_load %arg7[%swap3A_177] {strides = array<i32>} : memref<4096xf32, #tpu.memory_space<vmem>>, vector<16xf32>,
      tpu.vector_store %arg7[%swap3A_177], %get3A_176 {strides = array<i32>} : memref<4096xf32, #tpu.memory_space<vmem>>, vector<16xf32>,
      %get3A_179 = arith.constant 10 : i32
      %get3A_180 = arith.index_cast %get3A_179 : i32 to index
      %get3A_181 = arith.constant 0 : index
      %get3A_182 = tpu.vector_load %arg9[%get3A_180, %get3A_181] {strides = array<i32>} : memref<64x128xf32, #tpu.memory_space<vmem>>, vector<16xf32>,
      %swap3A_183 = arith.constant 320 : index
      %swap3A_184 = tpu.vector_load %arg7[%swap3A_183] {strides = array<i32>} : memref<4096xf32, #tpu.memory_space<vmem>>, vector<16xf32>,
      tpu.vector_store %arg7[%swap3A_183], %get3A_182 {strides = array<i32>} : memref<4096xf32, #tpu.memory_space<vmem>>, vector<16xf32>,
      %get3A_185 = arith.constant 10 : i32
      %get3A_186 = arith.index_cast %get3A_185 : i32 to index
      %get3A_187 = arith.constant 16 : index
      %get3A_188 = tpu.vector_load %arg9[%get3A_186, %get3A_187] {strides = array<i32>} : memref<64x128xf32, #tpu.memory_space<vmem>>, vector<16xf32>,
      %swap3A_189 = arith.constant 336 : index
      %swap3A_190 = tpu.vector_load %arg7[%swap3A_189] {strides = array<i32>} : memref<4096xf32, #tpu.memory_space<vmem>>, vector<16xf32>,
      tpu.vector_store %arg7[%swap3A_189], %get3A_188 {strides = array<i32>} : memref<4096xf32, #tpu.memory_space<vmem>>, vector<16xf32>,
      %get3A_191 = arith.constant 11 : i32
      %get3A_192 = arith.index_cast %get3A_191 : i32 to index
      %get3A_193 = arith.constant 0 : index
      %get3A_194 = tpu.vector_load %arg9[%get3A_192, %get3A_193] {strides = array<i32>} : memref<64x128xf32, #tpu.memory_space<vmem>>, vector<16xf32>,
      %swap3A_195 = arith.constant 352 : index
      %swap3A_196 = tpu.vector_load %arg7[%swap3A_195] {strides = array<i32>} : memref<4096xf32, #tpu.memory_space<vmem>>, vector<16xf32>,
      tpu.vector_store %arg7[%swap3A_195], %get3A_194 {strides = array<i32>} : memref<4096xf32, #tpu.memory_space<vmem>>, vector<16xf32>,
      %get3A_197 = arith.constant 11 : i32
      %get3A_198 = arith.index_cast %get3A_197 : i32 to index
      %get3A_199 = arith.constant 16 : index
      %get3A_200 = tpu.vector_load %arg9[%get3A_198, %get3A_199] {strides = array<i32>} : memref<64x128xf32, #tpu.memory_space<vmem>>, vector<16xf32>,
      %swap3A_201 = arith.constant 368 : index
      %swap3A_202 = tpu.vector_load %arg7[%swap3A_201] {strides = array<i32>} : memref<4096xf32, #tpu.memory_space<vmem>>, vector<16xf32>,
      tpu.vector_store %arg7[%swap3A_201], %get3A_200 {strides = array<i32>} : memref<4096xf32, #tpu.memory_space<vmem>>, vector<16xf32>,
      %get3A_203 = arith.constant 12 : i32
      %get3A_204 = arith.index_cast %get3A_203 : i32 to index
      %get3A_205 = arith.constant 0 : index
      %get3A_206 = tpu.vector_load %arg9[%get3A_204, %get3A_205] {strides = array<i32>} : memref<64x128xf32, #tpu.memory_space<vmem>>, vector<16xf32>,
      %swap3A_207 = arith.constant 384 : index
      %swap3A_208 = tpu.vector_load %arg7[%swap3A_207] {strides = array<i32>} : memref<4096xf32, #tpu.memory_space<vmem>>, vector<16xf32>,
      tpu.vector_store %arg7[%swap3A_207], %get3A_206 {strides = array<i32>} : memref<4096xf32, #tpu.memory_space<vmem>>, vector<16xf32>,
      %get3A_209 = arith.constant 12 : i32
      %get3A_210 = arith.index_cast %get3A_209 : i32 to index
      %get3A_211 = arith.constant 16 : index
      %get3A_212 = tpu.vector_load %arg9[%get3A_210, %get3A_211] {strides = array<i32>} : memref<64x128xf32, #tpu.memory_space<vmem>>, vector<16xf32>,
      %swap3A_213 = arith.constant 400 : index
      %swap3A_214 = tpu.vector_load %arg7[%swap3A_213] {strides = array<i32>} : memref<4096xf32, #tpu.memory_space<vmem>>, vector<16xf32>,
      tpu.vector_store %arg7[%swap3A_213], %get3A_212 {strides = array<i32>} : memref<4096xf32, #tpu.memory_space<vmem>>, vector<16xf32>,
      %get3A_215 = arith.constant 13 : i32
      %get3A_216 = arith.index_cast %get3A_215 : i32 to index
      %get3A_217 = arith.constant 0 : index
      %get3A_218 = tpu.vector_load %arg9[%get3A_216, %get3A_217] {strides = array<i32>} : memref<64x128xf32, #tpu.memory_space<vmem>>, vector<16xf32>,
      %swap3A_219 = arith.constant 416 : index
      %swap3A_220 = tpu.vector_load %arg7[%swap3A_219] {strides = array<i32>} : memref<4096xf32, #tpu.memory_space<vmem>>, vector<16xf32>,
      tpu.vector_store %arg7[%swap3A_219], %get3A_218 {strides = array<i32>} : memref<4096xf32, #tpu.memory_space<vmem>>, vector<16xf32>,
      %get3A_221 = arith.constant 13 : i32
      %get3A_222 = arith.index_cast %get3A_221 : i32 to index
      %get3A_223 = arith.constant 16 : index
      %get3A_224 = tpu.vector_load %arg9[%get3A_222, %get3A_223] {strides = array<i32>} : memref<64x128xf32, #tpu.memory_space<vmem>>, vector<16xf32>,
      %swap3A_225 = arith.constant 432 : index
      %swap3A_226 = tpu.vector_load %arg7[%swap3A_225] {strides = array<i32>} : memref<4096xf32, #tpu.memory_space<vmem>>, vector<16xf32>,
      tpu.vector_store %arg7[%swap3A_225], %get3A_224 {strides = array<i32>} : memref<4096xf32, #tpu.memory_space<vmem>>, vector<16xf32>,
      %get3A_227 = arith.constant 14 : i32
      %get3A_228 = arith.index_cast %get3A_227 : i32 to index
      %get3A_229 = arith.constant 0 : index
      %get3A_230 = tpu.vector_load %arg9[%get3A_228, %get3A_229] {strides = array<i32>} : memref<64x128xf32, #tpu.memory_space<vmem>>, vector<16xf32>,
      %swap3A_231 = arith.constant 448 : index
      %swap3A_232 = tpu.vector_load %arg7[%swap3A_231] {strides = array<i32>} : memref<4096xf32, #tpu.memory_space<vmem>>, vector<16xf32>,
      tpu.vector_store %arg7[%swap3A_231], %get3A_230 {strides = array<i32>} : memref<4096xf32, #tpu.memory_space<vmem>>, vector<16xf32>,
      %get3A_233 = arith.constant 14 : i32
      %get3A_234 = arith.index_cast %get3A_233 : i32 to index
      %get3A_235 = arith.constant 16 : index
      %get3A_236 = tpu.vector_load %arg9[%get3A_234, %get3A_235] {strides = array<i32>} : memref<64x128xf32, #tpu.memory_space<vmem>>, vector<16xf32>,
      %swap3A_237 = arith.constant 464 : index
      %swap3A_238 = tpu.vector_load %arg7[%swap3A_237] {strides = array<i32>} : memref<4096xf32, #tpu.memory_space<vmem>>, vector<16xf32>,
      tpu.vector_store %arg7[%swap3A_237], %get3A_236 {strides = array<i32>} : memref<4096xf32, #tpu.memory_space<vmem>>, vector<16xf32>,
      %get3A_239 = arith.constant 15 : i32
      %get3A_240 = arith.index_cast %get3A_239 : i32 to index
      %get3A_241 = arith.constant 0 : index
      %get3A_242 = tpu.vector_load %arg9[%get3A_240, %get3A_241] {strides = array<i32>} : memref<64x128xf32, #tpu.memory_space<vmem>>, vector<16xf32>,
      %swap3A_243 = arith.constant 480 : index
      %swap3A_244 = tpu.vector_load %arg7[%swap3A_243] {strides = array<i32>} : memref<4096xf32, #tpu.memory_space<vmem>>, vector<16xf32>,
      tpu.vector_store %arg7[%swap3A_243], %get3A_242 {strides = array<i32>} : memref<4096xf32, #tpu.memory_space<vmem>>, vector<16xf32>,
      %get3A_245 = arith.constant 15 : i32
      %get3A_246 = arith.index_cast %get3A_245 : i32 to index
      %get3A_247 = arith.constant 16 : index
      %get3A_248 = tpu.vector_load %arg9[%get3A_246, %get3A_247] {strides = array<i32>} : memref<64x128xf32, #tpu.memory_space<vmem>>, vector<16xf32>,
      %swap3A_249 = arith.constant 496 : index
      %swap3A_250 = tpu.vector_load %arg7[%swap3A_249] {strides = array<i32>} : memref<4096xf32, #tpu.memory_space<vmem>>, vector<16xf32>,
      tpu.vector_store %arg7[%swap3A_249], %get3A_248 {strides = array<i32>} : memref<4096xf32, #tpu.memory_space<vmem>>, vector<16xf32>,
      %get3A_251 = arith.constant 16 : i32
      %get3A_252 = arith.index_cast %get3A_251 : i32 to index
      %get3A_253 = arith.constant 0 : index
      %get3A_254 = tpu.vector_load %arg9[%get3A_252, %get3A_253] {strides = array<i32>} : memref<64x128xf32, #tpu.memory_space<vmem>>, vector<16xf32>,
      %swap3A_255 = arith.constant 512 : index
      %swap3A_256 = tpu.vector_load %arg7[%swap3A_255] {strides = array<i32>} : memref<4096xf32, #tpu.memory_space<vmem>>, vector<16xf32>,
      tpu.vector_store %arg7[%swap3A_255], %get3A_254 {strides = array<i32>} : memref<4096xf32, #tpu.memory_space<vmem>>, vector<16xf32>,
      %get3A_257 = arith.constant 16 : i32
      %get3A_258 = arith.index_cast %get3A_257 : i32 to index
      %get3A_259 = arith.constant 16 : index
      %get3A_260 = tpu.vector_load %arg9[%get3A_258, %get3A_259] {strides = array<i32>} : memref<64x128xf32, #tpu.memory_space<vmem>>, vector<16xf32>,
      %swap3A_261 = arith.constant 528 : index
      %swap3A_262 = tpu.vector_load %arg7[%swap3A_261] {strides = array<i32>} : memref<4096xf32, #tpu.memory_space<vmem>>, vector<16xf32>,
      tpu.vector_store %arg7[%swap3A_261], %get3A_260 {strides = array<i32>} : memref<4096xf32, #tpu.memory_space<vmem>>, vector<16xf32>,
      %get3A_263 = arith.constant 17 : i32
      %get3A_264 = arith.index_cast %get3A_263 : i32 to index
      %get3A_265 = arith.constant 0 : index
      %get3A_266 = tpu.vector_load %arg9[%get3A_264, %get3A_265] {strides = array<i32>} : memref<64x128xf32, #tpu.memory_space<vmem>>, vector<16xf32>,
      %swap3A_267 = arith.constant 544 : index
      %swap3A_268 = tpu.vector_load %arg7[%swap3A_267] {strides = array<i32>} : memref<4096xf32, #tpu.memory_space<vmem>>, vector<16xf32>,
      tpu.vector_store %arg7[%swap3A_267], %get3A_266 {strides = array<i32>} : memref<4096xf32, #tpu.memory_space<vmem>>, vector<16xf32>,
      %get3A_269 = arith.constant 17 : i32
      %get3A_270 = arith.index_cast %get3A_269 : i32 to index
      %get3A_271 = arith.constant 16 : index
      %get3A_272 = tpu.vector_load %arg9[%get3A_270, %get3A_271] {strides = array<i32>} : memref<64x128xf32, #tpu.memory_space<vmem>>, vector<16xf32>,
      %swap3A_273 = arith.constant 560 : index
      %swap3A_274 = tpu.vector_load %arg7[%swap3A_273] {strides = array<i32>} : memref<4096xf32, #tpu.memory_space<vmem>>, vector<16xf32>,
      tpu.vector_store %arg7[%swap3A_273], %get3A_272 {strides = array<i32>} : memref<4096xf32, #tpu.memory_space<vmem>>, vector<16xf32>,
      %get3A_275 = arith.constant 18 : i32
      %get3A_276 = arith.index_cast %get3A_275 : i32 to index
      %get3A_277 = arith.constant 0 : index
      %get3A_278 = tpu.vector_load %arg9[%get3A_276, %get3A_277] {strides = array<i32>} : memref<64x128xf32, #tpu.memory_space<vmem>>, vector<16xf32>,
      %swap3A_279 = arith.constant 576 : index
      %swap3A_280 = tpu.vector_load %arg7[%swap3A_279] {strides = array<i32>} : memref<4096xf32, #tpu.memory_space<vmem>>, vector<16xf32>,
      tpu.vector_store %arg7[%swap3A_279], %get3A_278 {strides = array<i32>} : memref<4096xf32, #tpu.memory_space<vmem>>, vector<16xf32>,
      %get3A_281 = arith.constant 18 : i32
      %get3A_282 = arith.index_cast %get3A_281 : i32 to index
      %get3A_283 = arith.constant 16 : index
      %get3A_284 = tpu.vector_load %arg9[%get3A_282, %get3A_283] {strides = array<i32>} : memref<64x128xf32, #tpu.memory_space<vmem>>, vector<16xf32>,
      %swap3A_285 = arith.constant 592 : index
      %swap3A_286 = tpu.vector_load %arg7[%swap3A_285] {strides = array<i32>} : memref<4096xf32, #tpu.memory_space<vmem>>, vector<16xf32>,
      tpu.vector_store %arg7[%swap3A_285], %get3A_284 {strides = array<i32>} : memref<4096xf32, #tpu.memory_space<vmem>>, vector<16xf32>,
      %get3A_287 = arith.constant 19 : i32
      %get3A_288 = arith.index_cast %get3A_287 : i32 to index
      %get3A_289 = arith.constant 0 : index
      %get3A_290 = tpu.vector_load %arg9[%get3A_288, %get3A_289] {strides = array<i32>} : memref<64x128xf32, #tpu.memory_space<vmem>>, vector<16xf32>,
      %swap3A_291 = arith.constant 608 : index
      %swap3A_292 = tpu.vector_load %arg7[%swap3A_291] {strides = array<i32>} : memref<4096xf32, #tpu.memory_space<vmem>>, vector<16xf32>,
      tpu.vector_store %arg7[%swap3A_291], %get3A_290 {strides = array<i32>} : memref<4096xf32, #tpu.memory_space<vmem>>, vector<16xf32>,
      %get3A_293 = arith.constant 19 : i32
      %get3A_294 = arith.index_cast %get3A_293 : i32 to index
      %get3A_295 = arith.constant 16 : index
      %get3A_296 = tpu.vector_load %arg9[%get3A_294, %get3A_295] {strides = array<i32>} : memref<64x128xf32, #tpu.memory_space<vmem>>, vector<16xf32>,
      %swap3A_297 = arith.constant 624 : index
      %swap3A_298 = tpu.vector_load %arg7[%swap3A_297] {strides = array<i32>} : memref<4096xf32, #tpu.memory_space<vmem>>, vector<16xf32>,
      tpu.vector_store %arg7[%swap3A_297], %get3A_296 {strides = array<i32>} : memref<4096xf32, #tpu.memory_space<vmem>>, vector<16xf32>,
      %get3A_299 = arith.constant 20 : i32
      %get3A_300 = arith.index_cast %get3A_299 : i32 to index
      %get3A_301 = arith.constant 0 : index
      %get3A_302 = tpu.vector_load %arg9[%get3A_300, %get3A_301] {strides = array<i32>} : memref<64x128xf32, #tpu.memory_space<vmem>>, vector<16xf32>,
      %swap3A_303 = arith.constant 640 : index
      %swap3A_304 = tpu.vector_load %arg7[%swap3A_303] {strides = array<i32>} : memref<4096xf32, #tpu.memory_space<vmem>>, vector<16xf32>,
      tpu.vector_store %arg7[%swap3A_303], %get3A_302 {strides = array<i32>} : memref<4096xf32, #tpu.memory_space<vmem>>, vector<16xf32>,
      %get3A_305 = arith.constant 20 : i32
      %get3A_306 = arith.index_cast %get3A_305 : i32 to index
      %get3A_307 = arith.constant 16 : index
      %get3A_308 = tpu.vector_load %arg9[%get3A_306, %get3A_307] {strides = array<i32>} : memref<64x128xf32, #tpu.memory_space<vmem>>, vector<16xf32>,
      %swap3A_309 = arith.constant 656 : index
      %swap3A_310 = tpu.vector_load %arg7[%swap3A_309] {strides = array<i32>} : memref<4096xf32, #tpu.memory_space<vmem>>, vector<16xf32>,
      tpu.vector_store %arg7[%swap3A_309], %get3A_308 {strides = array<i32>} : memref<4096xf32, #tpu.memory_space<vmem>>, vector<16xf32>,
      %get3A_311 = arith.constant 21 : i32
      %get3A_312 = arith.index_cast %get3A_311 : i32 to index
      %get3A_313 = arith.constant 0 : index
      %get3A_314 = tpu.vector_load %arg9[%get3A_312, %get3A_313] {strides = array<i32>} : memref<64x128xf32, #tpu.memory_space<vmem>>, vector<16xf32>,
      %swap3A_315 = arith.constant 672 : index
      %swap3A_316 = tpu.vector_load %arg7[%swap3A_315] {strides = array<i32>} : memref<4096xf32, #tpu.memory_space<vmem>>, vector<16xf32>,
      tpu.vector_store %arg7[%swap3A_315], %get3A_314 {strides = array<i32>} : memref<4096xf32, #tpu.memory_space<vmem>>, vector<16xf32>,
      %get3A_317 = arith.constant 21 : i32
      %get3A_318 = arith.index_cast %get3A_317 : i32 to index
      %get3A_319 = arith.constant 16 : index
      %get3A_320 = tpu.vector_load %arg9[%get3A_318, %get3A_319] {strides = array<i32>} : memref<64x128xf32, #tpu.memory_space<vmem>>, vector<16xf32>,
      %swap3A_321 = arith.constant 688 : index
      %swap3A_322 = tpu.vector_load %arg7[%swap3A_321] {strides = array<i32>} : memref<4096xf32, #tpu.memory_space<vmem>>, vector<16xf32>,
      tpu.vector_store %arg7[%swap3A_321], %get3A_320 {strides = array<i32>} : memref<4096xf32, #tpu.memory_space<vmem>>, vector<16xf32>,
      %get3A_323 = arith.constant 22 : i32
      %get3A_324 = arith.index_cast %get3A_323 : i32 to index
      %get3A_325 = arith.constant 0 : index
      %get3A_326 = tpu.vector_load %arg9[%get3A_324, %get3A_325] {strides = array<i32>} : memref<64x128xf32, #tpu.memory_space<vmem>>, vector<16xf32>,
      %swap3A_327 = arith.constant 704 : index
      %swap3A_328 = tpu.vector_load %arg7[%swap3A_327] {strides = array<i32>} : memref<4096xf32, #tpu.memory_space<vmem>>, vector<16xf32>,
      tpu.vector_store %arg7[%swap3A_327], %get3A_326 {strides = array<i32>} : memref<4096xf32, #tpu.memory_space<vmem>>, vector<16xf32>,
      %get3A_329 = arith.constant 22 : i32
      %get3A_330 = arith.index_cast %get3A_329 : i32 to index
      %get3A_331 = arith.constant 16 : index
      %get3A_332 = tpu.vector_load %arg9[%get3A_330, %get3A_331] {strides = array<i32>} : memref<64x128xf32, #tpu.memory_space<vmem>>, vector<16xf32>,
      %swap3A_333 = arith.constant 720 : index
      %swap3A_334 = tpu.vector_load %arg7[%swap3A_333] {strides = array<i32>} : memref<4096xf32, #tpu.memory_space<vmem>>, vector<16xf32>,
      tpu.vector_store %arg7[%swap3A_333], %get3A_332 {strides = array<i32>} : memref<4096xf32, #tpu.memory_space<vmem>>, vector<16xf32>,
      %get3A_335 = arith.constant 23 : i32
      %get3A_336 = arith.index_cast %get3A_335 : i32 to index
      %get3A_337 = arith.constant 0 : index
      %get3A_338 = tpu.vector_load %arg9[%get3A_336, %get3A_337] {strides = array<i32>} : memref<64x128xf32, #tpu.memory_space<vmem>>, vector<16xf32>,
      %swap3A_339 = arith.constant 736 : index
      %swap3A_340 = tpu.vector_load %arg7[%swap3A_339] {strides = array<i32>} : memref<4096xf32, #tpu.memory_space<vmem>>, vector<16xf32>,
      tpu.vector_store %arg7[%swap3A_339], %get3A_338 {strides = array<i32>} : memref<4096xf32, #tpu.memory_space<vmem>>, vector<16xf32>,
      %get3A_341 = arith.constant 23 : i32
      %get3A_342 = arith.index_cast %get3A_341 : i32 to index
      %get3A_343 = arith.constant 16 : index
      %get3A_344 = tpu.vector_load %arg9[%get3A_342, %get3A_343] {strides = array<i32>} : memref<64x128xf32, #tpu.memory_space<vmem>>, vector<16xf32>,
      %swap3A_345 = arith.constant 752 : index
      %swap3A_346 = tpu.vector_load %arg7[%swap3A_345] {strides = array<i32>} : memref<4096xf32, #tpu.memory_space<vmem>>, vector<16xf32>,
      tpu.vector_store %arg7[%swap3A_345], %get3A_344 {strides = array<i32>} : memref<4096xf32, #tpu.memory_space<vmem>>, vector<16xf32>,
      %get3A_347 = arith.constant 24 : i32
      %get3A_348 = arith.index_cast %get3A_347 : i32 to index
      %get3A_349 = arith.constant 0 : index
      %get3A_350 = tpu.vector_load %arg9[%get3A_348, %get3A_349] {strides = array<i32>} : memref<64x128xf32, #tpu.memory_space<vmem>>, vector<16xf32>,
      %swap3A_351 = arith.constant 768 : index
      %swap3A_352 = tpu.vector_load %arg7[%swap3A_351] {strides = array<i32>} : memref<4096xf32, #tpu.memory_space<vmem>>, vector<16xf32>,
      tpu.vector_store %arg7[%swap3A_351], %get3A_350 {strides = array<i32>} : memref<4096xf32, #tpu.memory_space<vmem>>, vector<16xf32>,
      %get3A_353 = arith.constant 24 : i32
      %get3A_354 = arith.index_cast %get3A_353 : i32 to index
      %get3A_355 = arith.constant 16 : index
      %get3A_356 = tpu.vector_load %arg9[%get3A_354, %get3A_355] {strides = array<i32>} : memref<64x128xf32, #tpu.memory_space<vmem>>, vector<16xf32>,
      %swap3A_357 = arith.constant 784 : index
      %swap3A_358 = tpu.vector_load %arg7[%swap3A_357] {strides = array<i32>} : memref<4096xf32, #tpu.memory_space<vmem>>, vector<16xf32>,
      tpu.vector_store %arg7[%swap3A_357], %get3A_356 {strides = array<i32>} : memref<4096xf32, #tpu.memory_space<vmem>>, vector<16xf32>,
      %get3A_359 = arith.constant 25 : i32
      %get3A_360 = arith.index_cast %get3A_359 : i32 to index
      %get3A_361 = arith.constant 0 : index
      %get3A_362 = tpu.vector_load %arg9[%get3A_360, %get3A_361] {strides = array<i32>} : memref<64x128xf32, #tpu.memory_space<vmem>>, vector<16xf32>,
      %swap3A_363 = arith.constant 800 : index
      %swap3A_364 = tpu.vector_load %arg7[%swap3A_363] {strides = array<i32>} : memref<4096xf32, #tpu.memory_space<vmem>>, vector<16xf32>,
      tpu.vector_store %arg7[%swap3A_363], %get3A_362 {strides = array<i32>} : memref<4096xf32, #tpu.memory_space<vmem>>, vector<16xf32>,
      %get3A_365 = arith.constant 25 : i32
      %get3A_366 = arith.index_cast %get3A_365 : i32 to index
      %get3A_367 = arith.constant 16 : index
      %get3A_368 = tpu.vector_load %arg9[%get3A_366, %get3A_367] {strides = array<i32>} : memref<64x128xf32, #tpu.memory_space<vmem>>, vector<16xf32>,
      %swap3A_369 = arith.constant 816 : index
      %swap3A_370 = tpu.vector_load %arg7[%swap3A_369] {strides = array<i32>} : memref<4096xf32, #tpu.memory_space<vmem>>, vector<16xf32>,
      tpu.vector_store %arg7[%swap3A_369], %get3A_368 {strides = array<i32>} : memref<4096xf32, #tpu.memory_space<vmem>>, vector<16xf32>,
      %get3A_371 = arith.constant 26 : i32
      %get3A_372 = arith.index_cast %get3A_371 : i32 to index
      %get3A_373 = arith.constant 0 : index
      %get3A_374 = tpu.vector_load %arg9[%get3A_372, %get3A_373] {strides = array<i32>} : memref<64x128xf32, #tpu.memory_space<vmem>>, vector<16xf32>,
      %swap3A_375 = arith.constant 832 : index
      %swap3A_376 = tpu.vector_load %arg7[%swap3A_375] {strides = array<i32>} : memref<4096xf32, #tpu.memory_space<vmem>>, vector<16xf32>,
      tpu.vector_store %arg7[%swap3A_375], %get3A_374 {strides = array<i32>} : memref<4096xf32, #tpu.memory_space<vmem>>, vector<16xf32>,
      %get3A_377 = arith.constant 26 : i32
      %get3A_378 = arith.index_cast %get3A_377 : i32 to index
      %get3A_379 = arith.constant 16 : index
      %get3A_380 = tpu.vector_load %arg9[%get3A_378, %get3A_379] {strides = array<i32>} : memref<64x128xf32, #tpu.memory_space<vmem>>, vector<16xf32>,
      %swap3A_381 = arith.constant 848 : index
      %swap3A_382 = tpu.vector_load %arg7[%swap3A_381] {strides = array<i32>} : memref<4096xf32, #tpu.memory_space<vmem>>, vector<16xf32>,
      tpu.vector_store %arg7[%swap3A_381], %get3A_380 {strides = array<i32>} : memref<4096xf32, #tpu.memory_space<vmem>>, vector<16xf32>,
      %get3A_383 = arith.constant 27 : i32
      %get3A_384 = arith.index_cast %get3A_383 : i32 to index
      %get3A_385 = arith.constant 0 : index
      %get3A_386 = tpu.vector_load %arg9[%get3A_384, %get3A_385] {strides = array<i32>} : memref<64x128xf32, #tpu.memory_space<vmem>>, vector<16xf32>,
      %swap3A_387 = arith.constant 864 : index
      %swap3A_388 = tpu.vector_load %arg7[%swap3A_387] {strides = array<i32>} : memref<4096xf32, #tpu.memory_space<vmem>>, vector<16xf32>,
      tpu.vector_store %arg7[%swap3A_387], %get3A_386 {strides = array<i32>} : memref<4096xf32, #tpu.memory_space<vmem>>, vector<16xf32>,
      %get3A_389 = arith.constant 27 : i32
      %get3A_390 = arith.index_cast %get3A_389 : i32 to index
      %get3A_391 = arith.constant 16 : index
      %get3A_392 = tpu.vector_load %arg9[%get3A_390, %get3A_391] {strides = array<i32>} : memref<64x128xf32, #tpu.memory_space<vmem>>, vector<16xf32>,
      %swap3A_393 = arith.constant 880 : index
      %swap3A_394 = tpu.vector_load %arg7[%swap3A_393] {strides = array<i32>} : memref<4096xf32, #tpu.memory_space<vmem>>, vector<16xf32>,
      tpu.vector_store %arg7[%swap3A_393], %get3A_392 {strides = array<i32>} : memref<4096xf32, #tpu.memory_space<vmem>>, vector<16xf32>,
      %get3A_395 = arith.constant 28 : i32
      %get3A_396 = arith.index_cast %get3A_395 : i32 to index
      %get3A_397 = arith.constant 0 : index
      %get3A_398 = tpu.vector_load %arg9[%get3A_396, %get3A_397] {strides = array<i32>} : memref<64x128xf32, #tpu.memory_space<vmem>>, vector<16xf32>,
      %swap3A_399 = arith.constant 896 : index
      %swap3A_400 = tpu.vector_load %arg7[%swap3A_399] {strides = array<i32>} : memref<4096xf32, #tpu.memory_space<vmem>>, vector<16xf32>,
      tpu.vector_store %arg7[%swap3A_399], %get3A_398 {strides = array<i32>} : memref<4096xf32, #tpu.memory_space<vmem>>, vector<16xf32>,
      %get3A_401 = arith.constant 28 : i32
      %get3A_402 = arith.index_cast %get3A_401 : i32 to index
      %get3A_403 = arith.constant 16 : index
      %get3A_404 = tpu.vector_load %arg9[%get3A_402, %get3A_403] {strides = array<i32>} : memref<64x128xf32, #tpu.memory_space<vmem>>, vector<16xf32>,
      %swap3A_405 = arith.constant 912 : index
      %swap3A_406 = tpu.vector_load %arg7[%swap3A_405] {strides = array<i32>} : memref<4096xf32, #tpu.memory_space<vmem>>, vector<16xf32>,
      tpu.vector_store %arg7[%swap3A_405], %get3A_404 {strides = array<i32>} : memref<4096xf32, #tpu.memory_space<vmem>>, vector<16xf32>,
      %get3A_407 = arith.constant 29 : i32
      %get3A_408 = arith.index_cast %get3A_407 : i32 to index
      %get3A_409 = arith.constant 0 : index
      %get3A_410 = tpu.vector_load %arg9[%get3A_408, %get3A_409] {strides = array<i32>} : memref<64x128xf32, #tpu.memory_space<vmem>>, vector<16xf32>,
      %swap3A_411 = arith.constant 928 : index
      %swap3A_412 = tpu.vector_load %arg7[%swap3A_411] {strides = array<i32>} : memref<4096xf32, #tpu.memory_space<vmem>>, vector<16xf32>,
      tpu.vector_store %arg7[%swap3A_411], %get3A_410 {strides = array<i32>} : memref<4096xf32, #tpu.memory_space<vmem>>, vector<16xf32>,
      %get3A_413 = arith.constant 29 : i32
      %get3A_414 = arith.index_cast %get3A_413 : i32 to index
      %get3A_415 = arith.constant 16 : index
      %get3A_416 = tpu.vector_load %arg9[%get3A_414, %get3A_415] {strides = array<i32>} : memref<64x128xf32, #tpu.memory_space<vmem>>, vector<16xf32>,
      %swap3A_417 = arith.constant 944 : index
      %swap3A_418 = tpu.vector_load %arg7[%swap3A_417] {strides = array<i32>} : memref<4096xf32, #tpu.memory_space<vmem>>, vector<16xf32>,
      tpu.vector_store %arg7[%swap3A_417], %get3A_416 {strides = array<i32>} : memref<4096xf32, #tpu.memory_space<vmem>>, vector<16xf32>,
      %get3A_419 = arith.constant 30 : i32
      %get3A_420 = arith.index_cast %get3A_419 : i32 to index
      %get3A_421 = arith.constant 0 : index
      %get3A_422 = tpu.vector_load %arg9[%get3A_420, %get3A_421] {strides = array<i32>} : memref<64x128xf32, #tpu.memory_space<vmem>>, vector<16xf32>,
      %swap3A_423 = arith.constant 960 : index
      %swap3A_424 = tpu.vector_load %arg7[%swap3A_423] {strides = array<i32>} : memref<4096xf32, #tpu.memory_space<vmem>>, vector<16xf32>,
      tpu.vector_store %arg7[%swap3A_423], %get3A_422 {strides = array<i32>} : memref<4096xf32, #tpu.memory_space<vmem>>, vector<16xf32>,
      %get3A_425 = arith.constant 30 : i32
      %get3A_426 = arith.index_cast %get3A_425 : i32 to index
      %get3A_427 = arith.constant 16 : index
      %get3A_428 = tpu.vector_load %arg9[%get3A_426, %get3A_427] {strides = array<i32>} : memref<64x128xf32, #tpu.memory_space<vmem>>, vector<16xf32>,
      %swap3A_429 = arith.constant 976 : index
      %swap3A_430 = tpu.vector_load %arg7[%swap3A_429] {strides = array<i32>} : memref<4096xf32, #tpu.memory_space<vmem>>, vector<16xf32>,
      tpu.vector_store %arg7[%swap3A_429], %get3A_428 {strides = array<i32>} : memref<4096xf32, #tpu.memory_space<vmem>>, vector<16xf32>,
      %get3A_431 = arith.constant 31 : i32
      %get3A_432 = arith.index_cast %get3A_431 : i32 to index
      %get3A_433 = arith.constant 0 : index
      %get3A_434 = tpu.vector_load %arg9[%get3A_432, %get3A_433] {strides = array<i32>} : memref<64x128xf32, #tpu.memory_space<vmem>>, vector<16xf32>,
      %swap3A_435 = arith.constant 992 : index
      %swap3A_436 = tpu.vector_load %arg7[%swap3A_435] {strides = array<i32>} : memref<4096xf32, #tpu.memory_space<vmem>>, vector<16xf32>,
      tpu.vector_store %arg7[%swap3A_435], %get3A_434 {strides = array<i32>} : memref<4096xf32, #tpu.memory_space<vmem>>, vector<16xf32>,
      %get3A_437 = arith.constant 31 : i32
      %get3A_438 = arith.index_cast %get3A_437 : i32 to index
      %get3A_439 = arith.constant 16 : index
      %get3A_440 = tpu.vector_load %arg9[%get3A_438, %get3A_439] {strides = array<i32>} : memref<64x128xf32, #tpu.memory_space<vmem>>, vector<16xf32>,
      %swap3A_441 = arith.constant 1008 : index
      %swap3A_442 = tpu.vector_load %arg7[%swap3A_441] {strides = array<i32>} : memref<4096xf32, #tpu.memory_space<vmem>>, vector<16xf32>,
      tpu.vector_store %arg7[%swap3A_441], %get3A_440 {strides = array<i32>} : memref<4096xf32, #tpu.memory_space<vmem>>, vector<16xf32>,
      %get3A_443 = arith.constant 32 : i32
      %get3A_444 = arith.index_cast %get3A_443 : i32 to index
      %get3A_445 = arith.constant 0 : index
      %get3A_446 = tpu.vector_load %arg9[%get3A_444, %get3A_445] {strides = array<i32>} : memref<64x128xf32, #tpu.memory_space<vmem>>, vector<16xf32>,
      %swap3A_447 = arith.constant 1024 : index
      %swap3A_448 = tpu.vector_load %arg7[%swap3A_447] {strides = array<i32>} : memref<4096xf32, #tpu.memory_space<vmem>>, vector<16xf32>,
      tpu.vector_store %arg7[%swap3A_447], %get3A_446 {strides = array<i32>} : memref<4096xf32, #tpu.memory_space<vmem>>, vector<16xf32>,
      %get3A_449 = arith.constant 32 : i32
      %get3A_450 = arith.index_cast %get3A_449 : i32 to index
      %get3A_451 = arith.constant 16 : index
      %get3A_452 = tpu.vector_load %arg9[%get3A_450, %get3A_451] {strides = array<i32>} : memref<64x128xf32, #tpu.memory_space<vmem>>, vector<16xf32>,
      %swap3A_453 = arith.constant 1040 : index
      %swap3A_454 = tpu.vector_load %arg7[%swap3A_453] {strides = array<i32>} : memref<4096xf32, #tpu.memory_space<vmem>>, vector<16xf32>,
      tpu.vector_store %arg7[%swap3A_453], %get3A_452 {strides = array<i32>} : memref<4096xf32, #tpu.memory_space<vmem>>, vector<16xf32>,
      %get3A_455 = arith.constant 33 : i32
      %get3A_456 = arith.index_cast %get3A_455 : i32 to index
      %get3A_457 = arith.constant 0 : index
      %get3A_458 = tpu.vector_load %arg9[%get3A_456, %get3A_457] {strides = array<i32>} : memref<64x128xf32, #tpu.memory_space<vmem>>, vector<16xf32>,
      %swap3A_459 = arith.constant 1056 : index
      %swap3A_460 = tpu.vector_load %arg7[%swap3A_459] {strides = array<i32>} : memref<4096xf32, #tpu.memory_space<vmem>>, vector<16xf32>,
      tpu.vector_store %arg7[%swap3A_459], %get3A_458 {strides = array<i32>} : memref<4096xf32, #tpu.memory_space<vmem>>, vector<16xf32>,
      %get3A_461 = arith.constant 33 : i32
      %get3A_462 = arith.index_cast %get3A_461 : i32 to index
      %get3A_463 = arith.constant 16 : index
      %get3A_464 = tpu.vector_load %arg9[%get3A_462, %get3A_463] {strides = array<i32>} : memref<64x128xf32, #tpu.memory_space<vmem>>, vector<16xf32>,
      %swap3A_465 = arith.constant 1072 : index
      %swap3A_466 = tpu.vector_load %arg7[%swap3A_465] {strides = array<i32>} : memref<4096xf32, #tpu.memory_space<vmem>>, vector<16xf32>,
      tpu.vector_store %arg7[%swap3A_465], %get3A_464 {strides = array<i32>} : memref<4096xf32, #tpu.memory_space<vmem>>, vector<16xf32>,
      %get3A_467 = arith.constant 34 : i32
      %get3A_468 = arith.index_cast %get3A_467 : i32 to index
      %get3A_469 = arith.constant 0 : index
      %get3A_470 = tpu.vector_load %arg9[%get3A_468, %get3A_469] {strides = array<i32>} : memref<64x128xf32, #tpu.memory_space<vmem>>, vector<16xf32>,
      %swap3A_471 = arith.constant 1088 : index
      %swap3A_472 = tpu.vector_load %arg7[%swap3A_471] {strides = array<i32>} : memref<4096xf32, #tpu.memory_space<vmem>>, vector<16xf32>,
      tpu.vector_store %arg7[%swap3A_471], %get3A_470 {strides = array<i32>} : memref<4096xf32, #tpu.memory_space<vmem>>, vector<16xf32>,
      %get3A_473 = arith.constant 34 : i32
      %get3A_474 = arith.index_cast %get3A_473 : i32 to index
      %get3A_475 = arith.constant 16 : index
      %get3A_476 = tpu.vector_load %arg9[%get3A_474, %get3A_475] {strides = array<i32>} : memref<64x128xf32, #tpu.memory_space<vmem>>, vector<16xf32>,
      %swap3A_477 = arith.constant 1104 : index
      %swap3A_478 = tpu.vector_load %arg7[%swap3A_477] {strides = array<i32>} : memref<4096xf32, #tpu.memory_space<vmem>>, vector<16xf32>,
      tpu.vector_store %arg7[%swap3A_477], %get3A_476 {strides = array<i32>} : memref<4096xf32, #tpu.memory_space<vmem>>, vector<16xf32>,
      %get3A_479 = arith.constant 35 : i32
      %get3A_480 = arith.index_cast %get3A_479 : i32 to index
      %get3A_481 = arith.constant 0 : index
      %get3A_482 = tpu.vector_load %arg9[%get3A_480, %get3A_481] {strides = array<i32>} : memref<64x128xf32, #tpu.memory_space<vmem>>, vector<16xf32>,
      %swap3A_483 = arith.constant 1120 : index
      %swap3A_484 = tpu.vector_load %arg7[%swap3A_483] {strides = array<i32>} : memref<4096xf32, #tpu.memory_space<vmem>>, vector<16xf32>,
      tpu.vector_store %arg7[%swap3A_483], %get3A_482 {strides = array<i32>} : memref<4096xf32, #tpu.memory_space<vmem>>, vector<16xf32>,
      %get3A_485 = arith.constant 35 : i32
      %get3A_486 = arith.index_cast %get3A_485 : i32 to index
      %get3A_487 = arith.constant 16 : index
      %get3A_488 = tpu.vector_load %arg9[%get3A_486, %get3A_487] {strides = array<i32>} : memref<64x128xf32, #tpu.memory_space<vmem>>, vector<16xf32>,
      %swap3A_489 = arith.constant 1136 : index
      %swap3A_490 = tpu.vector_load %arg7[%swap3A_489] {strides = array<i32>} : memref<4096xf32, #tpu.memory_space<vmem>>, vector<16xf32>,
      tpu.vector_store %arg7[%swap3A_489], %get3A_488 {strides = array<i32>} : memref<4096xf32, #tpu.memory_space<vmem>>, vector<16xf32>,
      %get3A_491 = arith.constant 36 : i32
      %get3A_492 = arith.index_cast %get3A_491 : i32 to index
      %get3A_493 = arith.constant 0 : index
      %get3A_494 = tpu.vector_load %arg9[%get3A_492, %get3A_493] {strides = array<i32>} : memref<64x128xf32, #tpu.memory_space<vmem>>, vector<16xf32>,
      %swap3A_495 = arith.constant 1152 : index
      %swap3A_496 = tpu.vector_load %arg7[%swap3A_495] {strides = array<i32>} : memref<4096xf32, #tpu.memory_space<vmem>>, vector<16xf32>,
      tpu.vector_store %arg7[%swap3A_495], %get3A_494 {strides = array<i32>} : memref<4096xf32, #tpu.memory_space<vmem>>, vector<16xf32>,
      %get3A_497 = arith.constant 36 : i32
      %get3A_498 = arith.index_cast %get3A_497 : i32 to index
      %get3A_499 = arith.constant 16 : index
      %get3A_500 = tpu.vector_load %arg9[%get3A_498, %get3A_499] {strides = array<i32>} : memref<64x128xf32, #tpu.memory_space<vmem>>, vector<16xf32>,
      %swap3A_501 = arith.constant 1168 : index
      %swap3A_502 = tpu.vector_load %arg7[%swap3A_501] {strides = array<i32>} : memref<4096xf32, #tpu.memory_space<vmem>>, vector<16xf32>,
      tpu.vector_store %arg7[%swap3A_501], %get3A_500 {strides = array<i32>} : memref<4096xf32, #tpu.memory_space<vmem>>, vector<16xf32>,
      %get3A_503 = arith.constant 37 : i32
      %get3A_504 = arith.index_cast %get3A_503 : i32 to index
      %get3A_505 = arith.constant 0 : index
      %get3A_506 = tpu.vector_load %arg9[%get3A_504, %get3A_505] {strides = array<i32>} : memref<64x128xf32, #tpu.memory_space<vmem>>, vector<16xf32>,
      %swap3A_507 = arith.constant 1184 : index
      %swap3A_508 = tpu.vector_load %arg7[%swap3A_507] {strides = array<i32>} : memref<4096xf32, #tpu.memory_space<vmem>>, vector<16xf32>,
      tpu.vector_store %arg7[%swap3A_507], %get3A_506 {strides = array<i32>} : memref<4096xf32, #tpu.memory_space<vmem>>, vector<16xf32>,
      %get3A_509 = arith.constant 37 : i32
      %get3A_510 = arith.index_cast %get3A_509 : i32 to index
      %get3A_511 = arith.constant 16 : index
      %get3A_512 = tpu.vector_load %arg9[%get3A_510, %get3A_511] {strides = array<i32>} : memref<64x128xf32, #tpu.memory_space<vmem>>, vector<16xf32>,
      %swap3A_513 = arith.constant 1200 : index
      %swap3A_514 = tpu.vector_load %arg7[%swap3A_513] {strides = array<i32>} : memref<4096xf32, #tpu.memory_space<vmem>>, vector<16xf32>,
      tpu.vector_store %arg7[%swap3A_513], %get3A_512 {strides = array<i32>} : memref<4096xf32, #tpu.memory_space<vmem>>, vector<16xf32>,
      %get3A_515 = arith.constant 38 : i32
      %get3A_516 = arith.index_cast %get3A_515 : i32 to index
      %get3A_517 = arith.constant 0 : index
      %get3A_518 = tpu.vector_load %arg9[%get3A_516, %get3A_517] {strides = array<i32>} : memref<64x128xf32, #tpu.memory_space<vmem>>, vector<16xf32>,
      %swap3A_519 = arith.constant 1216 : index
      %swap3A_520 = tpu.vector_load %arg7[%swap3A_519] {strides = array<i32>} : memref<4096xf32, #tpu.memory_space<vmem>>, vector<16xf32>,
      tpu.vector_store %arg7[%swap3A_519], %get3A_518 {strides = array<i32>} : memref<4096xf32, #tpu.memory_space<vmem>>, vector<16xf32>,
      %get3A_521 = arith.constant 38 : i32
      %get3A_522 = arith.index_cast %get3A_521 : i32 to index
      %get3A_523 = arith.constant 16 : index
      %get3A_524 = tpu.vector_load %arg9[%get3A_522, %get3A_523] {strides = array<i32>} : memref<64x128xf32, #tpu.memory_space<vmem>>, vector<16xf32>,
      %swap3A_525 = arith.constant 1232 : index
      %swap3A_526 = tpu.vector_load %arg7[%swap3A_525] {strides = array<i32>} : memref<4096xf32, #tpu.memory_space<vmem>>, vector<16xf32>,
      tpu.vector_store %arg7[%swap3A_525], %get3A_524 {strides = array<i32>} : memref<4096xf32, #tpu.memory_space<vmem>>, vector<16xf32>,
      %get3A_527 = arith.constant 39 : i32
      %get3A_528 = arith.index_cast %get3A_527 : i32 to index
      %get3A_529 = arith.constant 0 : index
      %get3A_530 = tpu.vector_load %arg9[%get3A_528, %get3A_529] {strides = array<i32>} : memref<64x128xf32, #tpu.memory_space<vmem>>, vector<16xf32>,
      %swap3A_531 = arith.constant 1248 : index
      %swap3A_532 = tpu.vector_load %arg7[%swap3A_531] {strides = array<i32>} : memref<4096xf32, #tpu.memory_space<vmem>>, vector<16xf32>,
      tpu.vector_store %arg7[%swap3A_531], %get3A_530 {strides = array<i32>} : memref<4096xf32, #tpu.memory_space<vmem>>, vector<16xf32>,
      %get3A_533 = arith.constant 39 : i32
      %get3A_534 = arith.index_cast %get3A_533 : i32 to index
      %get3A_535 = arith.constant 16 : index
      %get3A_536 = tpu.vector_load %arg9[%get3A_534, %get3A_535] {strides = array<i32>} : memref<64x128xf32, #tpu.memory_space<vmem>>, vector<16xf32>,
      %swap3A_537 = arith.constant 1264 : index
      %swap3A_538 = tpu.vector_load %arg7[%swap3A_537] {strides = array<i32>} : memref<4096xf32, #tpu.memory_space<vmem>>, vector<16xf32>,
      tpu.vector_store %arg7[%swap3A_537], %get3A_536 {strides = array<i32>} : memref<4096xf32, #tpu.memory_space<vmem>>, vector<16xf32>,
      %get3A_539 = arith.constant 40 : i32
      %get3A_540 = arith.index_cast %get3A_539 : i32 to index
      %get3A_541 = arith.constant 0 : index
      %get3A_542 = tpu.vector_load %arg9[%get3A_540, %get3A_541] {strides = array<i32>} : memref<64x128xf32, #tpu.memory_space<vmem>>, vector<16xf32>,
      %swap3A_543 = arith.constant 1280 : index
      %swap3A_544 = tpu.vector_load %arg7[%swap3A_543] {strides = array<i32>} : memref<4096xf32, #tpu.memory_space<vmem>>, vector<16xf32>,
      tpu.vector_store %arg7[%swap3A_543], %get3A_542 {strides = array<i32>} : memref<4096xf32, #tpu.memory_space<vmem>>, vector<16xf32>,
      %get3A_545 = arith.constant 40 : i32
      %get3A_546 = arith.index_cast %get3A_545 : i32 to index
      %get3A_547 = arith.constant 16 : index
      %get3A_548 = tpu.vector_load %arg9[%get3A_546, %get3A_547] {strides = array<i32>} : memref<64x128xf32, #tpu.memory_space<vmem>>, vector<16xf32>,
      %swap3A_549 = arith.constant 1296 : index
      %swap3A_550 = tpu.vector_load %arg7[%swap3A_549] {strides = array<i32>} : memref<4096xf32, #tpu.memory_space<vmem>>, vector<16xf32>,
      tpu.vector_store %arg7[%swap3A_549], %get3A_548 {strides = array<i32>} : memref<4096xf32, #tpu.memory_space<vmem>>, vector<16xf32>,
      %get3A_551 = arith.constant 41 : i32
      %get3A_552 = arith.index_cast %get3A_551 : i32 to index
      %get3A_553 = arith.constant 0 : index
      %get3A_554 = tpu.vector_load %arg9[%get3A_552, %get3A_553] {strides = array<i32>} : memref<64x128xf32, #tpu.memory_space<vmem>>, vector<16xf32>,
      %swap3A_555 = arith.constant 1312 : index
      %swap3A_556 = tpu.vector_load %arg7[%swap3A_555] {strides = array<i32>} : memref<4096xf32, #tpu.memory_space<vmem>>, vector<16xf32>,
      tpu.vector_store %arg7[%swap3A_555], %get3A_554 {strides = array<i32>} : memref<4096xf32, #tpu.memory_space<vmem>>, vector<16xf32>,
      %get3A_557 = arith.constant 41 : i32
      %get3A_558 = arith.index_cast %get3A_557 : i32 to index
      %get3A_559 = arith.constant 16 : index
      %get3A_560 = tpu.vector_load %arg9[%get3A_558, %get3A_559] {strides = array<i32>} : memref<64x128xf32, #tpu.memory_space<vmem>>, vector<16xf32>,
      %swap3A_561 = arith.constant 1328 : index
      %swap3A_562 = tpu.vector_load %arg7[%swap3A_561] {strides = array<i32>} : memref<4096xf32, #tpu.memory_space<vmem>>, vector<16xf32>,
      tpu.vector_store %arg7[%swap3A_561], %get3A_560 {strides = array<i32>} : memref<4096xf32, #tpu.memory_space<vmem>>, vector<16xf32>,
      %get3A_563 = arith.constant 42 : i32
      %get3A_564 = arith.index_cast %get3A_563 : i32 to index
      %get3A_565 = arith.constant 0 : index
      %get3A_566 = tpu.vector_load %arg9[%get3A_564, %get3A_565] {strides = array<i32>} : memref<64x128xf32, #tpu.memory_space<vmem>>, vector<16xf32>,
      %swap3A_567 = arith.constant 1344 : index
      %swap3A_568 = tpu.vector_load %arg7[%swap3A_567] {strides = array<i32>} : memref<4096xf32, #tpu.memory_space<vmem>>, vector<16xf32>,
      tpu.vector_store %arg7[%swap3A_567], %get3A_566 {strides = array<i32>} : memref<4096xf32, #tpu.memory_space<vmem>>, vector<16xf32>,
      %get3A_569 = arith.constant 42 : i32
      %get3A_570 = arith.index_cast %get3A_569 : i32 to index
      %get3A_571 = arith.constant 16 : index
      %get3A_572 = tpu.vector_load %arg9[%get3A_570, %get3A_571] {strides = array<i32>} : memref<64x128xf32, #tpu.memory_space<vmem>>, vector<16xf32>,
      %swap3A_573 = arith.constant 1360 : index
      %swap3A_574 = tpu.vector_load %arg7[%swap3A_573] {strides = array<i32>} : memref<4096xf32, #tpu.memory_space<vmem>>, vector<16xf32>,
      tpu.vector_store %arg7[%swap3A_573], %get3A_572 {strides = array<i32>} : memref<4096xf32, #tpu.memory_space<vmem>>, vector<16xf32>,
      %get3A_575 = arith.constant 43 : i32
      %get3A_576 = arith.index_cast %get3A_575 : i32 to index
      %get3A_577 = arith.constant 0 : index
      %get3A_578 = tpu.vector_load %arg9[%get3A_576, %get3A_577] {strides = array<i32>} : memref<64x128xf32, #tpu.memory_space<vmem>>, vector<16xf32>,
      %swap3A_579 = arith.constant 1376 : index
      %swap3A_580 = tpu.vector_load %arg7[%swap3A_579] {strides = array<i32>} : memref<4096xf32, #tpu.memory_space<vmem>>, vector<16xf32>,
      tpu.vector_store %arg7[%swap3A_579], %get3A_578 {strides = array<i32>} : memref<4096xf32, #tpu.memory_space<vmem>>, vector<16xf32>,
      %get3A_581 = arith.constant 43 : i32
      %get3A_582 = arith.index_cast %get3A_581 : i32 to index
      %get3A_583 = arith.constant 16 : index
      %get3A_584 = tpu.vector_load %arg9[%get3A_582, %get3A_583] {strides = array<i32>} : memref<64x128xf32, #tpu.memory_space<vmem>>, vector<16xf32>,
      %swap3A_585 = arith.constant 1392 : index
      %swap3A_586 = tpu.vector_load %arg7[%swap3A_585] {strides = array<i32>} : memref<4096xf32, #tpu.memory_space<vmem>>, vector<16xf32>,
      tpu.vector_store %arg7[%swap3A_585], %get3A_584 {strides = array<i32>} : memref<4096xf32, #tpu.memory_space<vmem>>, vector<16xf32>,
      %get3A_587 = arith.constant 44 : i32
      %get3A_588 = arith.index_cast %get3A_587 : i32 to index
      %get3A_589 = arith.constant 0 : index
      %get3A_590 = tpu.vector_load %arg9[%get3A_588, %get3A_589] {strides = array<i32>} : memref<64x128xf32, #tpu.memory_space<vmem>>, vector<16xf32>,
      %swap3A_591 = arith.constant 1408 : index
      %swap3A_592 = tpu.vector_load %arg7[%swap3A_591] {strides = array<i32>} : memref<4096xf32, #tpu.memory_space<vmem>>, vector<16xf32>,
      tpu.vector_store %arg7[%swap3A_591], %get3A_590 {strides = array<i32>} : memref<4096xf32, #tpu.memory_space<vmem>>, vector<16xf32>,
      %get3A_593 = arith.constant 44 : i32
      %get3A_594 = arith.index_cast %get3A_593 : i32 to index
      %get3A_595 = arith.constant 16 : index
      %get3A_596 = tpu.vector_load %arg9[%get3A_594, %get3A_595] {strides = array<i32>} : memref<64x128xf32, #tpu.memory_space<vmem>>, vector<16xf32>,
      %swap3A_597 = arith.constant 1424 : index
      %swap3A_598 = tpu.vector_load %arg7[%swap3A_597] {strides = array<i32>} : memref<4096xf32, #tpu.memory_space<vmem>>, vector<16xf32>,
      tpu.vector_store %arg7[%swap3A_597], %get3A_596 {strides = array<i32>} : memref<4096xf32, #tpu.memory_space<vmem>>, vector<16xf32>,
      %get3A_599 = arith.constant 45 : i32
      %get3A_600 = arith.index_cast %get3A_599 : i32 to index
      %get3A_601 = arith.constant 0 : index
      %get3A_602 = tpu.vector_load %arg9[%get3A_600, %get3A_601] {strides = array<i32>} : memref<64x128xf32, #tpu.memory_space<vmem>>, vector<16xf32>,
      %swap3A_603 = arith.constant 1440 : index
      %swap3A_604 = tpu.vector_load %arg7[%swap3A_603] {strides = array<i32>} : memref<4096xf32, #tpu.memory_space<vmem>>, vector<16xf32>,
      tpu.vector_store %arg7[%swap3A_603], %get3A_602 {strides = array<i32>} : memref<4096xf32, #tpu.memory_space<vmem>>, vector<16xf32>,
      %get3A_605 = arith.constant 45 : i32
      %get3A_606 = arith.index_cast %get3A_605 : i32 to index
      %get3A_607 = arith.constant 16 : index
      %get3A_608 = tpu.vector_load %arg9[%get3A_606, %get3A_607] {strides = array<i32>} : memref<64x128xf32, #tpu.memory_space<vmem>>, vector<16xf32>,
      %swap3A_609 = arith.constant 1456 : index
      %swap3A_610 = tpu.vector_load %arg7[%swap3A_609] {strides = array<i32>} : memref<4096xf32, #tpu.memory_space<vmem>>, vector<16xf32>,
      tpu.vector_store %arg7[%swap3A_609], %get3A_608 {strides = array<i32>} : memref<4096xf32, #tpu.memory_space<vmem>>, vector<16xf32>,
      %get3A_611 = arith.constant 46 : i32
      %get3A_612 = arith.index_cast %get3A_611 : i32 to index
      %get3A_613 = arith.constant 0 : index
      %get3A_614 = tpu.vector_load %arg9[%get3A_612, %get3A_613] {strides = array<i32>} : memref<64x128xf32, #tpu.memory_space<vmem>>, vector<16xf32>,
      %swap3A_615 = arith.constant 1472 : index
      %swap3A_616 = tpu.vector_load %arg7[%swap3A_615] {strides = array<i32>} : memref<4096xf32, #tpu.memory_space<vmem>>, vector<16xf32>,
      tpu.vector_store %arg7[%swap3A_615], %get3A_614 {strides = array<i32>} : memref<4096xf32, #tpu.memory_space<vmem>>, vector<16xf32>,
      %get3A_617 = arith.constant 46 : i32
      %get3A_618 = arith.index_cast %get3A_617 : i32 to index
      %get3A_619 = arith.constant 16 : index
      %get3A_620 = tpu.vector_load %arg9[%get3A_618, %get3A_619] {strides = array<i32>} : memref<64x128xf32, #tpu.memory_space<vmem>>, vector<16xf32>,
      %swap3A_621 = arith.constant 1488 : index
      %swap3A_622 = tpu.vector_load %arg7[%swap3A_621] {strides = array<i32>} : memref<4096xf32, #tpu.memory_space<vmem>>, vector<16xf32>,
      tpu.vector_store %arg7[%swap3A_621], %get3A_620 {strides = array<i32>} : memref<4096xf32, #tpu.memory_space<vmem>>, vector<16xf32>,
      %get3A_623 = arith.constant 47 : i32
      %get3A_624 = arith.index_cast %get3A_623 : i32 to index
      %get3A_625 = arith.constant 0 : index
      %get3A_626 = tpu.vector_load %arg9[%get3A_624, %get3A_625] {strides = array<i32>} : memref<64x128xf32, #tpu.memory_space<vmem>>, vector<16xf32>,
      %swap3A_627 = arith.constant 1504 : index
      %swap3A_628 = tpu.vector_load %arg7[%swap3A_627] {strides = array<i32>} : memref<4096xf32, #tpu.memory_space<vmem>>, vector<16xf32>,
      tpu.vector_store %arg7[%swap3A_627], %get3A_626 {strides = array<i32>} : memref<4096xf32, #tpu.memory_space<vmem>>, vector<16xf32>,
      %get3A_629 = arith.constant 47 : i32
      %get3A_630 = arith.index_cast %get3A_629 : i32 to index
      %get3A_631 = arith.constant 16 : index
      %get3A_632 = tpu.vector_load %arg9[%get3A_630, %get3A_631] {strides = array<i32>} : memref<64x128xf32, #tpu.memory_space<vmem>>, vector<16xf32>,
      %swap3A_633 = arith.constant 1520 : index
      %swap3A_634 = tpu.vector_load %arg7[%swap3A_633] {strides = array<i32>} : memref<4096xf32, #tpu.memory_space<vmem>>, vector<16xf32>,
      tpu.vector_store %arg7[%swap3A_633], %get3A_632 {strides = array<i32>} : memref<4096xf32, #tpu.memory_space<vmem>>, vector<16xf32>,
      %get3A_635 = arith.constant 48 : i32
      %get3A_636 = arith.index_cast %get3A_635 : i32 to index
      %get3A_637 = arith.constant 0 : index
      %get3A_638 = tpu.vector_load %arg9[%get3A_636, %get3A_637] {strides = array<i32>} : memref<64x128xf32, #tpu.memory_space<vmem>>, vector<16xf32>,
      %swap3A_639 = arith.constant 1536 : index
      %swap3A_640 = tpu.vector_load %arg7[%swap3A_639] {strides = array<i32>} : memref<4096xf32, #tpu.memory_space<vmem>>, vector<16xf32>,
      tpu.vector_store %arg7[%swap3A_639], %get3A_638 {strides = array<i32>} : memref<4096xf32, #tpu.memory_space<vmem>>, vector<16xf32>,
      %get3A_641 = arith.constant 48 : i32
      %get3A_642 = arith.index_cast %get3A_641 : i32 to index
      %get3A_643 = arith.constant 16 : index
      %get3A_644 = tpu.vector_load %arg9[%get3A_642, %get3A_643] {strides = array<i32>} : memref<64x128xf32, #tpu.memory_space<vmem>>, vector<16xf32>,
      %swap3A_645 = arith.constant 1552 : index
      %swap3A_646 = tpu.vector_load %arg7[%swap3A_645] {strides = array<i32>} : memref<4096xf32, #tpu.memory_space<vmem>>, vector<16xf32>,
      tpu.vector_store %arg7[%swap3A_645], %get3A_644 {strides = array<i32>} : memref<4096xf32, #tpu.memory_space<vmem>>, vector<16xf32>,
      %get3A_647 = arith.constant 49 : i32
      %get3A_648 = arith.index_cast %get3A_647 : i32 to index
      %get3A_649 = arith.constant 0 : index
      %get3A_650 = tpu.vector_load %arg9[%get3A_648, %get3A_649] {strides = array<i32>} : memref<64x128xf32, #tpu.memory_space<vmem>>, vector<16xf32>,
      %swap3A_651 = arith.constant 1568 : index
      %swap3A_652 = tpu.vector_load %arg7[%swap3A_651] {strides = array<i32>} : memref<4096xf32, #tpu.memory_space<vmem>>, vector<16xf32>,
      tpu.vector_store %arg7[%swap3A_651], %get3A_650 {strides = array<i32>} : memref<4096xf32, #tpu.memory_space<vmem>>, vector<16xf32>,
      %get3A_653 = arith.constant 49 : i32
      %get3A_654 = arith.index_cast %get3A_653 : i32 to index
      %get3A_655 = arith.constant 16 : index
      %get3A_656 = tpu.vector_load %arg9[%get3A_654, %get3A_655] {strides = array<i32>} : memref<64x128xf32, #tpu.memory_space<vmem>>, vector<16xf32>,
      %swap3A_657 = arith.constant 1584 : index
      %swap3A_658 = tpu.vector_load %arg7[%swap3A_657] {strides = array<i32>} : memref<4096xf32, #tpu.memory_space<vmem>>, vector<16xf32>,
      tpu.vector_store %arg7[%swap3A_657], %get3A_656 {strides = array<i32>} : memref<4096xf32, #tpu.memory_space<vmem>>, vector<16xf32>,
      %get3A_659 = arith.constant 50 : i32
      %get3A_660 = arith.index_cast %get3A_659 : i32 to index
      %get3A_661 = arith.constant 0 : index
      %get3A_662 = tpu.vector_load %arg9[%get3A_660, %get3A_661] {strides = array<i32>} : memref<64x128xf32, #tpu.memory_space<vmem>>, vector<16xf32>,
      %swap3A_663 = arith.constant 1600 : index
      %swap3A_664 = tpu.vector_load %arg7[%swap3A_663] {strides = array<i32>} : memref<4096xf32, #tpu.memory_space<vmem>>, vector<16xf32>,
      tpu.vector_store %arg7[%swap3A_663], %get3A_662 {strides = array<i32>} : memref<4096xf32, #tpu.memory_space<vmem>>, vector<16xf32>,
      %get3A_665 = arith.constant 50 : i32
      %get3A_666 = arith.index_cast %get3A_665 : i32 to index
      %get3A_667 = arith.constant 16 : index
      %get3A_668 = tpu.vector_load %arg9[%get3A_666, %get3A_667] {strides = array<i32>} : memref<64x128xf32, #tpu.memory_space<vmem>>, vector<16xf32>,
      %swap3A_669 = arith.constant 1616 : index
      %swap3A_670 = tpu.vector_load %arg7[%swap3A_669] {strides = array<i32>} : memref<4096xf32, #tpu.memory_space<vmem>>, vector<16xf32>,
      tpu.vector_store %arg7[%swap3A_669], %get3A_668 {strides = array<i32>} : memref<4096xf32, #tpu.memory_space<vmem>>, vector<16xf32>,
      %get3A_671 = arith.constant 51 : i32
      %get3A_672 = arith.index_cast %get3A_671 : i32 to index
      %get3A_673 = arith.constant 0 : index
      %get3A_674 = tpu.vector_load %arg9[%get3A_672, %get3A_673] {strides = array<i32>} : memref<64x128xf32, #tpu.memory_space<vmem>>, vector<16xf32>,
      %swap3A_675 = arith.constant 1632 : index
      %swap3A_676 = tpu.vector_load %arg7[%swap3A_675] {strides = array<i32>} : memref<4096xf32, #tpu.memory_space<vmem>>, vector<16xf32>,
      tpu.vector_store %arg7[%swap3A_675], %get3A_674 {strides = array<i32>} : memref<4096xf32, #tpu.memory_space<vmem>>, vector<16xf32>,
      %get3A_677 = arith.constant 51 : i32
      %get3A_678 = arith.index_cast %get3A_677 : i32 to index
      %get3A_679 = arith.constant 16 : index
      %get3A_680 = tpu.vector_load %arg9[%get3A_678, %get3A_679] {strides = array<i32>} : memref<64x128xf32, #tpu.memory_space<vmem>>, vector<16xf32>,
      %swap3A_681 = arith.constant 1648 : index
      %swap3A_682 = tpu.vector_load %arg7[%swap3A_681] {strides = array<i32>} : memref<4096xf32, #tpu.memory_space<vmem>>, vector<16xf32>,
      tpu.vector_store %arg7[%swap3A_681], %get3A_680 {strides = array<i32>} : memref<4096xf32, #tpu.memory_space<vmem>>, vector<16xf32>,
      %get3A_683 = arith.constant 52 : i32
      %get3A_684 = arith.index_cast %get3A_683 : i32 to index
      %get3A_685 = arith.constant 0 : index
      %get3A_686 = tpu.vector_load %arg9[%get3A_684, %get3A_685] {strides = array<i32>} : memref<64x128xf32, #tpu.memory_space<vmem>>, vector<16xf32>,
      %swap3A_687 = arith.constant 1664 : index
      %swap3A_688 = tpu.vector_load %arg7[%swap3A_687] {strides = array<i32>} : memref<4096xf32, #tpu.memory_space<vmem>>, vector<16xf32>,
      tpu.vector_store %arg7[%swap3A_687], %get3A_686 {strides = array<i32>} : memref<4096xf32, #tpu.memory_space<vmem>>, vector<16xf32>,
      %get3A_689 = arith.constant 52 : i32
      %get3A_690 = arith.index_cast %get3A_689 : i32 to index
      %get3A_691 = arith.constant 16 : index
      %get3A_692 = tpu.vector_load %arg9[%get3A_690, %get3A_691] {strides = array<i32>} : memref<64x128xf32, #tpu.memory_space<vmem>>, vector<16xf32>,
      %swap3A_693 = arith.constant 1680 : index
      %swap3A_694 = tpu.vector_load %arg7[%swap3A_693] {strides = array<i32>} : memref<4096xf32, #tpu.memory_space<vmem>>, vector<16xf32>,
      tpu.vector_store %arg7[%swap3A_693], %get3A_692 {strides = array<i32>} : memref<4096xf32, #tpu.memory_space<vmem>>, vector<16xf32>,
      %get3A_695 = arith.constant 53 : i32
      %get3A_696 = arith.index_cast %get3A_695 : i32 to index
      %get3A_697 = arith.constant 0 : index
      %get3A_698 = tpu.vector_load %arg9[%get3A_696, %get3A_697] {strides = array<i32>} : memref<64x128xf32, #tpu.memory_space<vmem>>, vector<16xf32>,
      %swap3A_699 = arith.constant 1696 : index
      %swap3A_700 = tpu.vector_load %arg7[%swap3A_699] {strides = array<i32>} : memref<4096xf32, #tpu.memory_space<vmem>>, vector<16xf32>,
      tpu.vector_store %arg7[%swap3A_699], %get3A_698 {strides = array<i32>} : memref<4096xf32, #tpu.memory_space<vmem>>, vector<16xf32>,
      %get3A_701 = arith.constant 53 : i32
      %get3A_702 = arith.index_cast %get3A_701 : i32 to index
      %get3A_703 = arith.constant 16 : index
      %get3A_704 = tpu.vector_load %arg9[%get3A_702, %get3A_703] {strides = array<i32>} : memref<64x128xf32, #tpu.memory_space<vmem>>, vector<16xf32>,
      %swap3A_705 = arith.constant 1712 : index
      %swap3A_706 = tpu.vector_load %arg7[%swap3A_705] {strides = array<i32>} : memref<4096xf32, #tpu.memory_space<vmem>>, vector<16xf32>,
      tpu.vector_store %arg7[%swap3A_705], %get3A_704 {strides = array<i32>} : memref<4096xf32, #tpu.memory_space<vmem>>, vector<16xf32>,
      %get3A_707 = arith.constant 54 : i32
      %get3A_708 = arith.index_cast %get3A_707 : i32 to index
      %get3A_709 = arith.constant 0 : index
      %get3A_710 = tpu.vector_load %arg9[%get3A_708, %get3A_709] {strides = array<i32>} : memref<64x128xf32, #tpu.memory_space<vmem>>, vector<16xf32>,
      %swap3A_711 = arith.constant 1728 : index
      %swap3A_712 = tpu.vector_load %arg7[%swap3A_711] {strides = array<i32>} : memref<4096xf32, #tpu.memory_space<vmem>>, vector<16xf32>,
      tpu.vector_store %arg7[%swap3A_711], %get3A_710 {strides = array<i32>} : memref<4096xf32, #tpu.memory_space<vmem>>, vector<16xf32>,
      %get3A_713 = arith.constant 54 : i32
      %get3A_714 = arith.index_cast %get3A_713 : i32 to index
      %get3A_715 = arith.constant 16 : index
      %get3A_716 = tpu.vector_load %arg9[%get3A_714, %get3A_715] {strides = array<i32>} : memref<64x128xf32, #tpu.memory_space<vmem>>, vector<16xf32>,
      %swap3A_717 = arith.constant 1744 : index
      %swap3A_718 = tpu.vector_load %arg7[%swap3A_717] {strides = array<i32>} : memref<4096xf32, #tpu.memory_space<vmem>>, vector<16xf32>,
      tpu.vector_store %arg7[%swap3A_717], %get3A_716 {strides = array<i32>} : memref<4096xf32, #tpu.memory_space<vmem>>, vector<16xf32>,
      %get3A_719 = arith.constant 55 : i32
      %get3A_720 = arith.index_cast %get3A_719 : i32 to index
      %get3A_721 = arith.constant 0 : index
      %get3A_722 = tpu.vector_load %arg9[%get3A_720, %get3A_721] {strides = array<i32>} : memref<64x128xf32, #tpu.memory_space<vmem>>, vector<16xf32>,
      %swap3A_723 = arith.constant 1760 : index
      %swap3A_724 = tpu.vector_load %arg7[%swap3A_723] {strides = array<i32>} : memref<4096xf32, #tpu.memory_space<vmem>>, vector<16xf32>,
      tpu.vector_store %arg7[%swap3A_723], %get3A_722 {strides = array<i32>} : memref<4096xf32, #tpu.memory_space<vmem>>, vector<16xf32>,
      %get3A_725 = arith.constant 55 : i32
      %get3A_726 = arith.index_cast %get3A_725 : i32 to index
      %get3A_727 = arith.constant 16 : index
      %get3A_728 = tpu.vector_load %arg9[%get3A_726, %get3A_727] {strides = array<i32>} : memref<64x128xf32, #tpu.memory_space<vmem>>, vector<16xf32>,
      %swap3A_729 = arith.constant 1776 : index
      %swap3A_730 = tpu.vector_load %arg7[%swap3A_729] {strides = array<i32>} : memref<4096xf32, #tpu.memory_space<vmem>>, vector<16xf32>,
      tpu.vector_store %arg7[%swap3A_729], %get3A_728 {strides = array<i32>} : memref<4096xf32, #tpu.memory_space<vmem>>, vector<16xf32>,
      %get3A_731 = arith.constant 56 : i32
      %get3A_732 = arith.index_cast %get3A_731 : i32 to index
      %get3A_733 = arith.constant 0 : index
      %get3A_734 = tpu.vector_load %arg9[%get3A_732, %get3A_733] {strides = array<i32>} : memref<64x128xf32, #tpu.memory_space<vmem>>, vector<16xf32>,
      %swap3A_735 = arith.constant 1792 : index
      %swap3A_736 = tpu.vector_load %arg7[%swap3A_735] {strides = array<i32>} : memref<4096xf32, #tpu.memory_space<vmem>>, vector<16xf32>,
      tpu.vector_store %arg7[%swap3A_735], %get3A_734 {strides = array<i32>} : memref<4096xf32, #tpu.memory_space<vmem>>, vector<16xf32>,
      %get3A_737 = arith.constant 56 : i32
      %get3A_738 = arith.index_cast %get3A_737 : i32 to index
      %get3A_739 = arith.constant 16 : index
      %get3A_740 = tpu.vector_load %arg9[%get3A_738, %get3A_739] {strides = array<i32>} : memref<64x128xf32, #tpu.memory_space<vmem>>, vector<16xf32>,
      %swap3A_741 = arith.constant 1808 : index
      %swap3A_742 = tpu.vector_load %arg7[%swap3A_741] {strides = array<i32>} : memref<4096xf32, #tpu.memory_space<vmem>>, vector<16xf32>,
      tpu.vector_store %arg7[%swap3A_741], %get3A_740 {strides = array<i32>} : memref<4096xf32, #tpu.memory_space<vmem>>, vector<16xf32>,
      %get3A_743 = arith.constant 57 : i32
      %get3A_744 = arith.index_cast %get3A_743 : i32 to index
      %get3A_745 = arith.constant 0 : index
      %get3A_746 = tpu.vector_load %arg9[%get3A_744, %get3A_745] {strides = array<i32>} : memref<64x128xf32, #tpu.memory_space<vmem>>, vector<16xf32>,
      %swap3A_747 = arith.constant 1824 : index
      %swap3A_748 = tpu.vector_load %arg7[%swap3A_747] {strides = array<i32>} : memref<4096xf32, #tpu.memory_space<vmem>>, vector<16xf32>,
      tpu.vector_store %arg7[%swap3A_747], %get3A_746 {strides = array<i32>} : memref<4096xf32, #tpu.memory_space<vmem>>, vector<16xf32>,
      %get3A_749 = arith.constant 57 : i32
      %get3A_750 = arith.index_cast %get3A_749 : i32 to index
      %get3A_751 = arith.constant 16 : index
      %get3A_752 = tpu.vector_load %arg9[%get3A_750, %get3A_751] {strides = array<i32>} : memref<64x128xf32, #tpu.memory_space<vmem>>, vector<16xf32>,
      %swap3A_753 = arith.constant 1840 : index
      %swap3A_754 = tpu.vector_load %arg7[%swap3A_753] {strides = array<i32>} : memref<4096xf32, #tpu.memory_space<vmem>>, vector<16xf32>,
      tpu.vector_store %arg7[%swap3A_753], %get3A_752 {strides = array<i32>} : memref<4096xf32, #tpu.memory_space<vmem>>, vector<16xf32>,
      %get3A_755 = arith.constant 58 : i32
      %get3A_756 = arith.index_cast %get3A_755 : i32 to index
      %get3A_757 = arith.constant 0 : index
      %get3A_758 = tpu.vector_load %arg9[%get3A_756, %get3A_757] {strides = array<i32>} : memref<64x128xf32, #tpu.memory_space<vmem>>, vector<16xf32>,
      %swap3A_759 = arith.constant 1856 : index
      %swap3A_760 = tpu.vector_load %arg7[%swap3A_759] {strides = array<i32>} : memref<4096xf32, #tpu.memory_space<vmem>>, vector<16xf32>,
      tpu.vector_store %arg7[%swap3A_759], %get3A_758 {strides = array<i32>} : memref<4096xf32, #tpu.memory_space<vmem>>, vector<16xf32>,
      %get3A_761 = arith.constant 58 : i32
      %get3A_762 = arith.index_cast %get3A_761 : i32 to index
      %get3A_763 = arith.constant 16 : index
      %get3A_764 = tpu.vector_load %arg9[%get3A_762, %get3A_763] {strides = array<i32>} : memref<64x128xf32, #tpu.memory_space<vmem>>, vector<16xf32>,
      %swap3A_765 = arith.constant 1872 : index
      %swap3A_766 = tpu.vector_load %arg7[%swap3A_765] {strides = array<i32>} : memref<4096xf32, #tpu.memory_space<vmem>>, vector<16xf32>,
      tpu.vector_store %arg7[%swap3A_765], %get3A_764 {strides = array<i32>} : memref<4096xf32, #tpu.memory_space<vmem>>, vector<16xf32>,
      %get3A_767 = arith.constant 59 : i32
      %get3A_768 = arith.index_cast %get3A_767 : i32 to index
      %get3A_769 = arith.constant 0 : index
      %get3A_770 = tpu.vector_load %arg9[%get3A_768, %get3A_769] {strides = array<i32>} : memref<64x128xf32, #tpu.memory_space<vmem>>, vector<16xf32>,
      %swap3A_771 = arith.constant 1888 : index
      %swap3A_772 = tpu.vector_load %arg7[%swap3A_771] {strides = array<i32>} : memref<4096xf32, #tpu.memory_space<vmem>>, vector<16xf32>,
      tpu.vector_store %arg7[%swap3A_771], %get3A_770 {strides = array<i32>} : memref<4096xf32, #tpu.memory_space<vmem>>, vector<16xf32>,
      %get3A_773 = arith.constant 59 : i32
      %get3A_774 = arith.index_cast %get3A_773 : i32 to index
      %get3A_775 = arith.constant 16 : index
      %get3A_776 = tpu.vector_load %arg9[%get3A_774, %get3A_775] {strides = array<i32>} : memref<64x128xf32, #tpu.memory_space<vmem>>, vector<16xf32>,
      %swap3A_777 = arith.constant 1904 : index
      %swap3A_778 = tpu.vector_load %arg7[%swap3A_777] {strides = array<i32>} : memref<4096xf32, #tpu.memory_space<vmem>>, vector<16xf32>,
      tpu.vector_store %arg7[%swap3A_777], %get3A_776 {strides = array<i32>} : memref<4096xf32, #tpu.memory_space<vmem>>, vector<16xf32>,
      %get3A_779 = arith.constant 60 : i32
      %get3A_780 = arith.index_cast %get3A_779 : i32 to index
      %get3A_781 = arith.constant 0 : index
      %get3A_782 = tpu.vector_load %arg9[%get3A_780, %get3A_781] {strides = array<i32>} : memref<64x128xf32, #tpu.memory_space<vmem>>, vector<16xf32>,
      %swap3A_783 = arith.constant 1920 : index
      %swap3A_784 = tpu.vector_load %arg7[%swap3A_783] {strides = array<i32>} : memref<4096xf32, #tpu.memory_space<vmem>>, vector<16xf32>,
      tpu.vector_store %arg7[%swap3A_783], %get3A_782 {strides = array<i32>} : memref<4096xf32, #tpu.memory_space<vmem>>, vector<16xf32>,
      %get3A_785 = arith.constant 60 : i32
      %get3A_786 = arith.index_cast %get3A_785 : i32 to index
      %get3A_787 = arith.constant 16 : index
      %get3A_788 = tpu.vector_load %arg9[%get3A_786, %get3A_787] {strides = array<i32>} : memref<64x128xf32, #tpu.memory_space<vmem>>, vector<16xf32>,
      %swap3A_789 = arith.constant 1936 : index
      %swap3A_790 = tpu.vector_load %arg7[%swap3A_789] {strides = array<i32>} : memref<4096xf32, #tpu.memory_space<vmem>>, vector<16xf32>,
      tpu.vector_store %arg7[%swap3A_789], %get3A_788 {strides = array<i32>} : memref<4096xf32, #tpu.memory_space<vmem>>, vector<16xf32>,
      %get3A_791 = arith.constant 61 : i32
      %get3A_792 = arith.index_cast %get3A_791 : i32 to index
      %get3A_793 = arith.constant 0 : index
      %get3A_794 = tpu.vector_load %arg9[%get3A_792, %get3A_793] {strides = array<i32>} : memref<64x128xf32, #tpu.memory_space<vmem>>, vector<16xf32>,
      %swap3A_795 = arith.constant 1952 : index
      %swap3A_796 = tpu.vector_load %arg7[%swap3A_795] {strides = array<i32>} : memref<4096xf32, #tpu.memory_space<vmem>>, vector<16xf32>,
      tpu.vector_store %arg7[%swap3A_795], %get3A_794 {strides = array<i32>} : memref<4096xf32, #tpu.memory_space<vmem>>, vector<16xf32>,
      %get3A_797 = arith.constant 61 : i32
      %get3A_798 = arith.index_cast %get3A_797 : i32 to index
      %get3A_799 = arith.constant 16 : index
      %get3A_800 = tpu.vector_load %arg9[%get3A_798, %get3A_799] {strides = array<i32>} : memref<64x128xf32, #tpu.memory_space<vmem>>, vector<16xf32>,
      %swap3A_801 = arith.constant 1968 : index
      %swap3A_802 = tpu.vector_load %arg7[%swap3A_801] {strides = array<i32>} : memref<4096xf32, #tpu.memory_space<vmem>>, vector<16xf32>,
      tpu.vector_store %arg7[%swap3A_801], %get3A_800 {strides = array<i32>} : memref<4096xf32, #tpu.memory_space<vmem>>, vector<16xf32>,
      %get3A_803 = arith.constant 62 : i32
      %get3A_804 = arith.index_cast %get3A_803 : i32 to index
      %get3A_805 = arith.constant 0 : index
      %get3A_806 = tpu.vector_load %arg9[%get3A_804, %get3A_805] {strides = array<i32>} : memref<64x128xf32, #tpu.memory_space<vmem>>, vector<16xf32>,
      %swap3A_807 = arith.constant 1984 : index
      %swap3A_808 = tpu.vector_load %arg7[%swap3A_807] {strides = array<i32>} : memref<4096xf32, #tpu.memory_space<vmem>>, vector<16xf32>,
      tpu.vector_store %arg7[%swap3A_807], %get3A_806 {strides = array<i32>} : memref<4096xf32, #tpu.memory_space<vmem>>, vector<16xf32>,
      %get3A_809 = arith.constant 62 : i32
      %get3A_810 = arith.index_cast %get3A_809 : i32 to index
      %get3A_811 = arith.constant 16 : index
      %get3A_812 = tpu.vector_load %arg9[%get3A_810, %get3A_811] {strides = array<i32>} : memref<64x128xf32, #tpu.memory_space<vmem>>, vector<16xf32>,
      %swap3A_813 = arith.constant 2000 : index
      %swap3A_814 = tpu.vector_load %arg7[%swap3A_813] {strides = array<i32>} : memref<4096xf32, #tpu.memory_space<vmem>>, vector<16xf32>,
      tpu.vector_store %arg7[%swap3A_813], %get3A_812 {strides = array<i32>} : memref<4096xf32, #tpu.memory_space<vmem>>, vector<16xf32>,
      %get3A_815 = arith.constant 63 : i32
      %get3A_816 = arith.index_cast %get3A_815 : i32 to index
      %get3A_817 = arith.constant 0 : index
      %get3A_818 = tpu.vector_load %arg9[%get3A_816, %get3A_817] {strides = array<i32>} : memref<64x128xf32, #tpu.memory_space<vmem>>, vector<16xf32>,
      %swap3A_819 = arith.constant 2016 : index
      %swap3A_820 = tpu.vector_load %arg7[%swap3A_819] {strides = array<i32>} : memref<4096xf32, #tpu.memory_space<vmem>>, vector<16xf32>,
      tpu.vector_store %arg7[%swap3A_819], %get3A_818 {strides = array<i32>} : memref<4096xf32, #tpu.memory_space<vmem>>, vector<16xf32>,
      %get3A_821 = arith.constant 63 : i32
      %get3A_822 = arith.index_cast %get3A_821 : i32 to index
      %get3A_823 = arith.constant 16 : index
      %get3A_824 = tpu.vector_load %arg9[%get3A_822, %get3A_823] {strides = array<i32>} : memref<64x128xf32, #tpu.memory_space<vmem>>, vector<16xf32>,
      %swap3A_825 = arith.constant 2032 : index
      %swap3A_826 = tpu.vector_load %arg7[%swap3A_825] {strides = array<i32>} : memref<4096xf32, #tpu.memory_space<vmem>>, vector<16xf32>,
      tpu.vector_store %arg7[%swap3A_825], %get3A_824 {strides = array<i32>} : memref<4096xf32, #tpu.memory_space<vmem>>, vector<16xf32>,
      "tpu.region"() ({
        %run_scoped3A = tpu.sem_alloc : memref<!tpu.dma_semaphore, #tpu.memory_space<semaphore_mem>>
        %dma_start3A_827 = arith.constant 0 : i32
        %dma_start3A_828 = tpu.memref_slice %arg7[%dma_start3A_827] : memref<4096xf32, #tpu.memory_space<vmem>> -> memref<2048xf32, #tpu.memory_space<vmem>>
        %dma_start3A_829 = arith.constant 31997952 : i32
        %dma_start3A_830 = tpu.memref_slice %arg4[%dma_start3A_829] : memref<32000000xf32, #tpu.memory_space<hbm>> -> memref<2048xf32, #tpu.memory_space<hbm>>
        %dma_start3A_831 = arith.constant 31997952 : i32
        %dma_start3A_832 = tpu.memref_slice %arg4[%dma_start3A_831] : memref<32000000xf32, #tpu.memory_space<hbm>> -> memref<2048xf32, #tpu.memory_space<hbm>>
        %dma_start3A_833 = arith.constant 0 : i32
        %dma_start3A_834 = tpu.memref_slice %arg7[%dma_start3A_833] : memref<4096xf32, #tpu.memory_space<vmem>> -> memref<2048xf32, #tpu.memory_space<vmem>>
        tpu.enqueue_dma source(%dma_start3A_834 : memref<2048xf32, #tpu.memory_space<vmem>>) target(%dma_start3A_832 : memref<2048xf32, #tpu.memory_space<hbm>>) target_semaphore(%run_scoped3A : memref<!tpu.dma_semaphore, #tpu.memory_space<semaphore_mem>>)
        %dma_wait3A_835 = arith.constant 0 : i32
        %dma_wait3A_836 = tpu.memref_slice %arg7[%dma_wait3A_835] : memref<4096xf32, #tpu.memory_space<vmem>> -> memref<2048xf32, #tpu.memory_space<vmem>>
        %dma_wait3A_837 = arith.constant 31997952 : i32
        %dma_wait3A_838 = tpu.memref_slice %arg4[%dma_wait3A_837] : memref<32000000xf32, #tpu.memory_space<hbm>> -> memref<2048xf32, #tpu.memory_space<hbm>>
        %dma_wait3A_839 = arith.constant 31997952 : i32
        %dma_wait3A_840 = tpu.memref_slice %arg4[%dma_wait3A_839] : memref<32000000xf32, #tpu.memory_space<hbm>> -> memref<2048xf32, #tpu.memory_space<hbm>>
        %dma_wait3A_841 = arith.constant 0 : i32
        %dma_wait3A_842 = tpu.memref_slice %arg7[%dma_wait3A_841] : memref<4096xf32, #tpu.memory_space<vmem>> -> memref<2048xf32, #tpu.memory_space<vmem>>
        tpu.wait_dma2 semaphore(%run_scoped3A : memref<!tpu.dma_semaphore, #tpu.memory_space<semaphore_mem>>) src(%dma_wait3A_842 : memref<2048xf32, #tpu.memory_space<vmem>>) dst(%dma_wait3A_840 : memref<2048xf32, #tpu.memory_space<hbm>>)
        tpu.yield
      }) : () -> ()
    } else {
    }
    return
  }
}

#map = affine_map<(d0, d1) -> (0, 0)>
module attributes {stable_mosaic.version = 14 : i64} {
  func.func @_embed_body(%arg0: i32, %arg1: i32, %arg2: memref<2560x128xi32, #tpu.memory_space<hbm>>, %arg3: memref<1000000x32xf32, #tpu.memory_space<hbm>>, %arg4: memref<16384x32xf32, #tpu.memory_space<hbm>>, %arg5: memref<80x128xi32, #tpu.memory_space<vmem>>, %arg6: memref<2560x32xf32, #tpu.memory_space<vmem>>, %arg7: memref<128x32xf32, #tpu.memory_space<vmem>>, %arg8: memref<!tpu.dma_semaphore, #tpu.memory_space<semaphore_mem>>) attributes {dimension_semantics = [#tpu.dimension_semantics<core_parallel>, #tpu.dimension_semantics<subcore_parallel>], iteration_bounds = array<i64: 2, 16>, scalar_prefetch = 0 : i64, scratch_operands = 4 : i64, tpu.core_type = #tpu.core_type<sc_vector_subcore>, window_params = [{transform_indices = #map}, {transform_indices = #map}, {transform_indices = #map}]} {
    %mul3A = arith.constant 2 : i32
    %mul3A_0 = arith.muli %arg1, %mul3A : i32
    %add3A = arith.addi %mul3A_0, %arg0 : i32
    %mul3A_1 = arith.constant 512 : i32
    %mul3A_2 = arith.muli %add3A, %mul3A_1 : i32
    %mul3A_3 = arith.constant 80 : i32
    %mul3A_4 = arith.muli %add3A, %mul3A_3 : i32
    "tpu.region"() ({
      %run_scoped3A = tpu.sem_alloc : memref<!tpu.dma_semaphore, #tpu.memory_space<semaphore_mem>>
      %dma_start3A = arith.constant 0 : i32
      %dma_start3A_10 = tpu.memref_slice %arg2[%mul3A_4, %dma_start3A] : memref<2560x128xi32, #tpu.memory_space<hbm>> -> memref<80x128xi32, #tpu.memory_space<hbm>>
      %dma_start3A_11 = arith.constant 0 : i32
      %dma_start3A_12 = tpu.memref_slice %arg2[%mul3A_4, %dma_start3A_11] : memref<2560x128xi32, #tpu.memory_space<hbm>> -> memref<80x128xi32, #tpu.memory_space<hbm>>
      tpu.enqueue_dma source(%dma_start3A_12 : memref<80x128xi32, #tpu.memory_space<hbm>>) target(%arg5 : memref<80x128xi32, #tpu.memory_space<vmem>>) target_semaphore(%run_scoped3A : memref<!tpu.dma_semaphore, #tpu.memory_space<semaphore_mem>>)
      %dma_wait3A = arith.constant 0 : i32
      %dma_wait3A_13 = tpu.memref_slice %arg2[%mul3A_4, %dma_wait3A] : memref<2560x128xi32, #tpu.memory_space<hbm>> -> memref<80x128xi32, #tpu.memory_space<hbm>>
      %dma_wait3A_14 = arith.constant 0 : i32
      %dma_wait3A_15 = tpu.memref_slice %arg2[%mul3A_4, %dma_wait3A_14] : memref<2560x128xi32, #tpu.memory_space<hbm>> -> memref<80x128xi32, #tpu.memory_space<hbm>>
      tpu.wait_dma2 semaphore(%run_scoped3A : memref<!tpu.dma_semaphore, #tpu.memory_space<semaphore_mem>>) src(%dma_wait3A_15 : memref<80x128xi32, #tpu.memory_space<hbm>>) dst(%arg5 : memref<80x128xi32, #tpu.memory_space<vmem>>)
      tpu.yield
    }) : () -> ()
    %scan3A = arith.constant 0 : i32
    %scan3A_5 = arith.constant 0 : i32
    %scan3A_6 = arith.constant 4 : i32
    %scan3A_7 = arith.addi %scan3A_5, %scan3A_6 : i32
    %scan3A_8 = arith.constant 1 : i32
    scf.for %scan3A_10 = %scan3A_5 to %scan3A_7 step %scan3A_8  : i32 {
      %mul3A_11 = arith.constant 20 : i32
      %mul3A_12 = arith.muli %scan3A_10, %mul3A_11 : i32
      %add3A_13 = arith.constant 0 : i32
      %add3A_14 = arith.addi %mul3A_12, %add3A_13 : i32
      %dma_start3A = arith.constant 0 : i32
      %dma_start3A_15 = arith.constant 0 : i32
      %dma_start3A_16 = tpu.memref_slice %arg6[%dma_start3A, %dma_start3A_15] : memref<2560x32xf32, #tpu.memory_space<vmem>> -> memref<128x32xf32, #tpu.memory_space<vmem>>
      %dma_start3A_17 = arith.constant 0 : i32
      %dma_start3A_18 = tpu.memref_slice %arg5[%add3A_14, %dma_start3A_17] : memref<80x128xi32, #tpu.memory_space<vmem>> -> memref<1x128xi32, #tpu.memory_space<vmem>>
      %dma_start3A_19 = tpu.memref_squeeze %dma_start3A_18 : memref<1x128xi32, #tpu.memory_space<vmem>> -> memref<128xi32, #tpu.memory_space<vmem>>
      %dma_start3A_20 = arith.constant 0 : i32
      %dma_start3A_21 = arith.constant 0 : i32
      %dma_start3A_22 = tpu.memref_slice %arg3[%dma_start3A_20, %dma_start3A_21] : memref<1000000x32xf32, #tpu.memory_space<hbm>> -> memref<1000000x32xf32, #tpu.memory_space<hbm>>
      tpu.enqueue_indirect_dma source(%dma_start3A_22 : memref<1000000x32xf32, #tpu.memory_space<hbm>>) target(%dma_start3A_16 : memref<128x32xf32, #tpu.memory_space<vmem>>) offsets(%dma_start3A_19 : memref<128xi32, #tpu.memory_space<vmem>>) semaphore(%arg8 : memref<!tpu.dma_semaphore, #tpu.memory_space<semaphore_mem>>)
      %mul3A_23 = arith.constant 20 : i32
      %mul3A_24 = arith.muli %scan3A_10, %mul3A_23 : i32
      %add3A_25 = arith.constant 1 : i32
      %add3A_26 = arith.addi %mul3A_24, %add3A_25 : i32
      %dma_start3A_27 = arith.constant 128 : i32
      %dma_start3A_28 = arith.constant 0 : i32
      %dma_start3A_29 = tpu.memref_slice %arg6[%dma_start3A_27, %dma_start3A_28] : memref<2560x32xf32, #tpu.memory_space<vmem>> -> memref<128x32xf32, #tpu.memory_space<vmem>>
      %dma_start3A_30 = arith.constant 0 : i32
      %dma_start3A_31 = tpu.memref_slice %arg5[%add3A_26, %dma_start3A_30] : memref<80x128xi32, #tpu.memory_space<vmem>> -> memref<1x128xi32, #tpu.memory_space<vmem>>
      %dma_start3A_32 = tpu.memref_squeeze %dma_start3A_31 : memref<1x128xi32, #tpu.memory_space<vmem>> -> memref<128xi32, #tpu.memory_space<vmem>>
      %dma_start3A_33 = arith.constant 0 : i32
      %dma_start3A_34 = arith.constant 0 : i32
      %dma_start3A_35 = tpu.memref_slice %arg3[%dma_start3A_33, %dma_start3A_34] : memref<1000000x32xf32, #tpu.memory_space<hbm>> -> memref<1000000x32xf32, #tpu.memory_space<hbm>>
      tpu.enqueue_indirect_dma source(%dma_start3A_35 : memref<1000000x32xf32, #tpu.memory_space<hbm>>) target(%dma_start3A_29 : memref<128x32xf32, #tpu.memory_space<vmem>>) offsets(%dma_start3A_32 : memref<128xi32, #tpu.memory_space<vmem>>) semaphore(%arg8 : memref<!tpu.dma_semaphore, #tpu.memory_space<semaphore_mem>>)
      %mul3A_36 = arith.constant 20 : i32
      %mul3A_37 = arith.muli %scan3A_10, %mul3A_36 : i32
      %add3A_38 = arith.constant 2 : i32
      %add3A_39 = arith.addi %mul3A_37, %add3A_38 : i32
      %dma_start3A_40 = arith.constant 256 : i32
      %dma_start3A_41 = arith.constant 0 : i32
      %dma_start3A_42 = tpu.memref_slice %arg6[%dma_start3A_40, %dma_start3A_41] : memref<2560x32xf32, #tpu.memory_space<vmem>> -> memref<128x32xf32, #tpu.memory_space<vmem>>
      %dma_start3A_43 = arith.constant 0 : i32
      %dma_start3A_44 = tpu.memref_slice %arg5[%add3A_39, %dma_start3A_43] : memref<80x128xi32, #tpu.memory_space<vmem>> -> memref<1x128xi32, #tpu.memory_space<vmem>>
      %dma_start3A_45 = tpu.memref_squeeze %dma_start3A_44 : memref<1x128xi32, #tpu.memory_space<vmem>> -> memref<128xi32, #tpu.memory_space<vmem>>
      %dma_start3A_46 = arith.constant 0 : i32
      %dma_start3A_47 = arith.constant 0 : i32
      %dma_start3A_48 = tpu.memref_slice %arg3[%dma_start3A_46, %dma_start3A_47] : memref<1000000x32xf32, #tpu.memory_space<hbm>> -> memref<1000000x32xf32, #tpu.memory_space<hbm>>
      tpu.enqueue_indirect_dma source(%dma_start3A_48 : memref<1000000x32xf32, #tpu.memory_space<hbm>>) target(%dma_start3A_42 : memref<128x32xf32, #tpu.memory_space<vmem>>) offsets(%dma_start3A_45 : memref<128xi32, #tpu.memory_space<vmem>>) semaphore(%arg8 : memref<!tpu.dma_semaphore, #tpu.memory_space<semaphore_mem>>)
      %mul3A_49 = arith.constant 20 : i32
      %mul3A_50 = arith.muli %scan3A_10, %mul3A_49 : i32
      %add3A_51 = arith.constant 3 : i32
      %add3A_52 = arith.addi %mul3A_50, %add3A_51 : i32
      %dma_start3A_53 = arith.constant 384 : i32
      %dma_start3A_54 = arith.constant 0 : i32
      %dma_start3A_55 = tpu.memref_slice %arg6[%dma_start3A_53, %dma_start3A_54] : memref<2560x32xf32, #tpu.memory_space<vmem>> -> memref<128x32xf32, #tpu.memory_space<vmem>>
      %dma_start3A_56 = arith.constant 0 : i32
      %dma_start3A_57 = tpu.memref_slice %arg5[%add3A_52, %dma_start3A_56] : memref<80x128xi32, #tpu.memory_space<vmem>> -> memref<1x128xi32, #tpu.memory_space<vmem>>
      %dma_start3A_58 = tpu.memref_squeeze %dma_start3A_57 : memref<1x128xi32, #tpu.memory_space<vmem>> -> memref<128xi32, #tpu.memory_space<vmem>>
      %dma_start3A_59 = arith.constant 0 : i32
      %dma_start3A_60 = arith.constant 0 : i32
      %dma_start3A_61 = tpu.memref_slice %arg3[%dma_start3A_59, %dma_start3A_60] : memref<1000000x32xf32, #tpu.memory_space<hbm>> -> memref<1000000x32xf32, #tpu.memory_space<hbm>>
      tpu.enqueue_indirect_dma source(%dma_start3A_61 : memref<1000000x32xf32, #tpu.memory_space<hbm>>) target(%dma_start3A_55 : memref<128x32xf32, #tpu.memory_space<vmem>>) offsets(%dma_start3A_58 : memref<128xi32, #tpu.memory_space<vmem>>) semaphore(%arg8 : memref<!tpu.dma_semaphore, #tpu.memory_space<semaphore_mem>>)
      %mul3A_62 = arith.constant 20 : i32
      %mul3A_63 = arith.muli %scan3A_10, %mul3A_62 : i32
      %add3A_64 = arith.constant 4 : i32
      %add3A_65 = arith.addi %mul3A_63, %add3A_64 : i32
      %dma_start3A_66 = arith.constant 512 : i32
      %dma_start3A_67 = arith.constant 0 : i32
      %dma_start3A_68 = tpu.memref_slice %arg6[%dma_start3A_66, %dma_start3A_67] : memref<2560x32xf32, #tpu.memory_space<vmem>> -> memref<128x32xf32, #tpu.memory_space<vmem>>
      %dma_start3A_69 = arith.constant 0 : i32
      %dma_start3A_70 = tpu.memref_slice %arg5[%add3A_65, %dma_start3A_69] : memref<80x128xi32, #tpu.memory_space<vmem>> -> memref<1x128xi32, #tpu.memory_space<vmem>>
      %dma_start3A_71 = tpu.memref_squeeze %dma_start3A_70 : memref<1x128xi32, #tpu.memory_space<vmem>> -> memref<128xi32, #tpu.memory_space<vmem>>
      %dma_start3A_72 = arith.constant 0 : i32
      %dma_start3A_73 = arith.constant 0 : i32
      %dma_start3A_74 = tpu.memref_slice %arg3[%dma_start3A_72, %dma_start3A_73] : memref<1000000x32xf32, #tpu.memory_space<hbm>> -> memref<1000000x32xf32, #tpu.memory_space<hbm>>
      tpu.enqueue_indirect_dma source(%dma_start3A_74 : memref<1000000x32xf32, #tpu.memory_space<hbm>>) target(%dma_start3A_68 : memref<128x32xf32, #tpu.memory_space<vmem>>) offsets(%dma_start3A_71 : memref<128xi32, #tpu.memory_space<vmem>>) semaphore(%arg8 : memref<!tpu.dma_semaphore, #tpu.memory_space<semaphore_mem>>)
      %mul3A_75 = arith.constant 20 : i32
      %mul3A_76 = arith.muli %scan3A_10, %mul3A_75 : i32
      %add3A_77 = arith.constant 5 : i32
      %add3A_78 = arith.addi %mul3A_76, %add3A_77 : i32
      %dma_start3A_79 = arith.constant 640 : i32
      %dma_start3A_80 = arith.constant 0 : i32
      %dma_start3A_81 = tpu.memref_slice %arg6[%dma_start3A_79, %dma_start3A_80] : memref<2560x32xf32, #tpu.memory_space<vmem>> -> memref<128x32xf32, #tpu.memory_space<vmem>>
      %dma_start3A_82 = arith.constant 0 : i32
      %dma_start3A_83 = tpu.memref_slice %arg5[%add3A_78, %dma_start3A_82] : memref<80x128xi32, #tpu.memory_space<vmem>> -> memref<1x128xi32, #tpu.memory_space<vmem>>
      %dma_start3A_84 = tpu.memref_squeeze %dma_start3A_83 : memref<1x128xi32, #tpu.memory_space<vmem>> -> memref<128xi32, #tpu.memory_space<vmem>>
      %dma_start3A_85 = arith.constant 0 : i32
      %dma_start3A_86 = arith.constant 0 : i32
      %dma_start3A_87 = tpu.memref_slice %arg3[%dma_start3A_85, %dma_start3A_86] : memref<1000000x32xf32, #tpu.memory_space<hbm>> -> memref<1000000x32xf32, #tpu.memory_space<hbm>>
      tpu.enqueue_indirect_dma source(%dma_start3A_87 : memref<1000000x32xf32, #tpu.memory_space<hbm>>) target(%dma_start3A_81 : memref<128x32xf32, #tpu.memory_space<vmem>>) offsets(%dma_start3A_84 : memref<128xi32, #tpu.memory_space<vmem>>) semaphore(%arg8 : memref<!tpu.dma_semaphore, #tpu.memory_space<semaphore_mem>>)
      %mul3A_88 = arith.constant 20 : i32
      %mul3A_89 = arith.muli %scan3A_10, %mul3A_88 : i32
      %add3A_90 = arith.constant 6 : i32
      %add3A_91 = arith.addi %mul3A_89, %add3A_90 : i32
      %dma_start3A_92 = arith.constant 768 : i32
      %dma_start3A_93 = arith.constant 0 : i32
      %dma_start3A_94 = tpu.memref_slice %arg6[%dma_start3A_92, %dma_start3A_93] : memref<2560x32xf32, #tpu.memory_space<vmem>> -> memref<128x32xf32, #tpu.memory_space<vmem>>
      %dma_start3A_95 = arith.constant 0 : i32
      %dma_start3A_96 = tpu.memref_slice %arg5[%add3A_91, %dma_start3A_95] : memref<80x128xi32, #tpu.memory_space<vmem>> -> memref<1x128xi32, #tpu.memory_space<vmem>>
      %dma_start3A_97 = tpu.memref_squeeze %dma_start3A_96 : memref<1x128xi32, #tpu.memory_space<vmem>> -> memref<128xi32, #tpu.memory_space<vmem>>
      %dma_start3A_98 = arith.constant 0 : i32
      %dma_start3A_99 = arith.constant 0 : i32
      %dma_start3A_100 = tpu.memref_slice %arg3[%dma_start3A_98, %dma_start3A_99] : memref<1000000x32xf32, #tpu.memory_space<hbm>> -> memref<1000000x32xf32, #tpu.memory_space<hbm>>
      tpu.enqueue_indirect_dma source(%dma_start3A_100 : memref<1000000x32xf32, #tpu.memory_space<hbm>>) target(%dma_start3A_94 : memref<128x32xf32, #tpu.memory_space<vmem>>) offsets(%dma_start3A_97 : memref<128xi32, #tpu.memory_space<vmem>>) semaphore(%arg8 : memref<!tpu.dma_semaphore, #tpu.memory_space<semaphore_mem>>)
      %mul3A_101 = arith.constant 20 : i32
      %mul3A_102 = arith.muli %scan3A_10, %mul3A_101 : i32
      %add3A_103 = arith.constant 7 : i32
      %add3A_104 = arith.addi %mul3A_102, %add3A_103 : i32
      %dma_start3A_105 = arith.constant 896 : i32
      %dma_start3A_106 = arith.constant 0 : i32
      %dma_start3A_107 = tpu.memref_slice %arg6[%dma_start3A_105, %dma_start3A_106] : memref<2560x32xf32, #tpu.memory_space<vmem>> -> memref<128x32xf32, #tpu.memory_space<vmem>>
      %dma_start3A_108 = arith.constant 0 : i32
      %dma_start3A_109 = tpu.memref_slice %arg5[%add3A_104, %dma_start3A_108] : memref<80x128xi32, #tpu.memory_space<vmem>> -> memref<1x128xi32, #tpu.memory_space<vmem>>
      %dma_start3A_110 = tpu.memref_squeeze %dma_start3A_109 : memref<1x128xi32, #tpu.memory_space<vmem>> -> memref<128xi32, #tpu.memory_space<vmem>>
      %dma_start3A_111 = arith.constant 0 : i32
      %dma_start3A_112 = arith.constant 0 : i32
      %dma_start3A_113 = tpu.memref_slice %arg3[%dma_start3A_111, %dma_start3A_112] : memref<1000000x32xf32, #tpu.memory_space<hbm>> -> memref<1000000x32xf32, #tpu.memory_space<hbm>>
      tpu.enqueue_indirect_dma source(%dma_start3A_113 : memref<1000000x32xf32, #tpu.memory_space<hbm>>) target(%dma_start3A_107 : memref<128x32xf32, #tpu.memory_space<vmem>>) offsets(%dma_start3A_110 : memref<128xi32, #tpu.memory_space<vmem>>) semaphore(%arg8 : memref<!tpu.dma_semaphore, #tpu.memory_space<semaphore_mem>>)
      %mul3A_114 = arith.constant 20 : i32
      %mul3A_115 = arith.muli %scan3A_10, %mul3A_114 : i32
      %add3A_116 = arith.constant 8 : i32
      %add3A_117 = arith.addi %mul3A_115, %add3A_116 : i32
      %dma_start3A_118 = arith.constant 1024 : i32
      %dma_start3A_119 = arith.constant 0 : i32
      %dma_start3A_120 = tpu.memref_slice %arg6[%dma_start3A_118, %dma_start3A_119] : memref<2560x32xf32, #tpu.memory_space<vmem>> -> memref<128x32xf32, #tpu.memory_space<vmem>>
      %dma_start3A_121 = arith.constant 0 : i32
      %dma_start3A_122 = tpu.memref_slice %arg5[%add3A_117, %dma_start3A_121] : memref<80x128xi32, #tpu.memory_space<vmem>> -> memref<1x128xi32, #tpu.memory_space<vmem>>
      %dma_start3A_123 = tpu.memref_squeeze %dma_start3A_122 : memref<1x128xi32, #tpu.memory_space<vmem>> -> memref<128xi32, #tpu.memory_space<vmem>>
      %dma_start3A_124 = arith.constant 0 : i32
      %dma_start3A_125 = arith.constant 0 : i32
      %dma_start3A_126 = tpu.memref_slice %arg3[%dma_start3A_124, %dma_start3A_125] : memref<1000000x32xf32, #tpu.memory_space<hbm>> -> memref<1000000x32xf32, #tpu.memory_space<hbm>>
      tpu.enqueue_indirect_dma source(%dma_start3A_126 : memref<1000000x32xf32, #tpu.memory_space<hbm>>) target(%dma_start3A_120 : memref<128x32xf32, #tpu.memory_space<vmem>>) offsets(%dma_start3A_123 : memref<128xi32, #tpu.memory_space<vmem>>) semaphore(%arg8 : memref<!tpu.dma_semaphore, #tpu.memory_space<semaphore_mem>>)
      %mul3A_127 = arith.constant 20 : i32
      %mul3A_128 = arith.muli %scan3A_10, %mul3A_127 : i32
      %add3A_129 = arith.constant 9 : i32
      %add3A_130 = arith.addi %mul3A_128, %add3A_129 : i32
      %dma_start3A_131 = arith.constant 1152 : i32
      %dma_start3A_132 = arith.constant 0 : i32
      %dma_start3A_133 = tpu.memref_slice %arg6[%dma_start3A_131, %dma_start3A_132] : memref<2560x32xf32, #tpu.memory_space<vmem>> -> memref<128x32xf32, #tpu.memory_space<vmem>>
      %dma_start3A_134 = arith.constant 0 : i32
      %dma_start3A_135 = tpu.memref_slice %arg5[%add3A_130, %dma_start3A_134] : memref<80x128xi32, #tpu.memory_space<vmem>> -> memref<1x128xi32, #tpu.memory_space<vmem>>
      %dma_start3A_136 = tpu.memref_squeeze %dma_start3A_135 : memref<1x128xi32, #tpu.memory_space<vmem>> -> memref<128xi32, #tpu.memory_space<vmem>>
      %dma_start3A_137 = arith.constant 0 : i32
      %dma_start3A_138 = arith.constant 0 : i32
      %dma_start3A_139 = tpu.memref_slice %arg3[%dma_start3A_137, %dma_start3A_138] : memref<1000000x32xf32, #tpu.memory_space<hbm>> -> memref<1000000x32xf32, #tpu.memory_space<hbm>>
      tpu.enqueue_indirect_dma source(%dma_start3A_139 : memref<1000000x32xf32, #tpu.memory_space<hbm>>) target(%dma_start3A_133 : memref<128x32xf32, #tpu.memory_space<vmem>>) offsets(%dma_start3A_136 : memref<128xi32, #tpu.memory_space<vmem>>) semaphore(%arg8 : memref<!tpu.dma_semaphore, #tpu.memory_space<semaphore_mem>>)
      %mul3A_140 = arith.constant 20 : i32
      %mul3A_141 = arith.muli %scan3A_10, %mul3A_140 : i32
      %add3A_142 = arith.constant 10 : i32
      %add3A_143 = arith.addi %mul3A_141, %add3A_142 : i32
      %dma_start3A_144 = arith.constant 1280 : i32
      %dma_start3A_145 = arith.constant 0 : i32
      %dma_start3A_146 = tpu.memref_slice %arg6[%dma_start3A_144, %dma_start3A_145] : memref<2560x32xf32, #tpu.memory_space<vmem>> -> memref<128x32xf32, #tpu.memory_space<vmem>>
      %dma_start3A_147 = arith.constant 0 : i32
      %dma_start3A_148 = tpu.memref_slice %arg5[%add3A_143, %dma_start3A_147] : memref<80x128xi32, #tpu.memory_space<vmem>> -> memref<1x128xi32, #tpu.memory_space<vmem>>
      %dma_start3A_149 = tpu.memref_squeeze %dma_start3A_148 : memref<1x128xi32, #tpu.memory_space<vmem>> -> memref<128xi32, #tpu.memory_space<vmem>>
      %dma_start3A_150 = arith.constant 0 : i32
      %dma_start3A_151 = arith.constant 0 : i32
      %dma_start3A_152 = tpu.memref_slice %arg3[%dma_start3A_150, %dma_start3A_151] : memref<1000000x32xf32, #tpu.memory_space<hbm>> -> memref<1000000x32xf32, #tpu.memory_space<hbm>>
      tpu.enqueue_indirect_dma source(%dma_start3A_152 : memref<1000000x32xf32, #tpu.memory_space<hbm>>) target(%dma_start3A_146 : memref<128x32xf32, #tpu.memory_space<vmem>>) offsets(%dma_start3A_149 : memref<128xi32, #tpu.memory_space<vmem>>) semaphore(%arg8 : memref<!tpu.dma_semaphore, #tpu.memory_space<semaphore_mem>>)
      %mul3A_153 = arith.constant 20 : i32
      %mul3A_154 = arith.muli %scan3A_10, %mul3A_153 : i32
      %add3A_155 = arith.constant 11 : i32
      %add3A_156 = arith.addi %mul3A_154, %add3A_155 : i32
      %dma_start3A_157 = arith.constant 1408 : i32
      %dma_start3A_158 = arith.constant 0 : i32
      %dma_start3A_159 = tpu.memref_slice %arg6[%dma_start3A_157, %dma_start3A_158] : memref<2560x32xf32, #tpu.memory_space<vmem>> -> memref<128x32xf32, #tpu.memory_space<vmem>>
      %dma_start3A_160 = arith.constant 0 : i32
      %dma_start3A_161 = tpu.memref_slice %arg5[%add3A_156, %dma_start3A_160] : memref<80x128xi32, #tpu.memory_space<vmem>> -> memref<1x128xi32, #tpu.memory_space<vmem>>
      %dma_start3A_162 = tpu.memref_squeeze %dma_start3A_161 : memref<1x128xi32, #tpu.memory_space<vmem>> -> memref<128xi32, #tpu.memory_space<vmem>>
      %dma_start3A_163 = arith.constant 0 : i32
      %dma_start3A_164 = arith.constant 0 : i32
      %dma_start3A_165 = tpu.memref_slice %arg3[%dma_start3A_163, %dma_start3A_164] : memref<1000000x32xf32, #tpu.memory_space<hbm>> -> memref<1000000x32xf32, #tpu.memory_space<hbm>>
      tpu.enqueue_indirect_dma source(%dma_start3A_165 : memref<1000000x32xf32, #tpu.memory_space<hbm>>) target(%dma_start3A_159 : memref<128x32xf32, #tpu.memory_space<vmem>>) offsets(%dma_start3A_162 : memref<128xi32, #tpu.memory_space<vmem>>) semaphore(%arg8 : memref<!tpu.dma_semaphore, #tpu.memory_space<semaphore_mem>>)
      %mul3A_166 = arith.constant 20 : i32
      %mul3A_167 = arith.muli %scan3A_10, %mul3A_166 : i32
      %add3A_168 = arith.constant 12 : i32
      %add3A_169 = arith.addi %mul3A_167, %add3A_168 : i32
      %dma_start3A_170 = arith.constant 1536 : i32
      %dma_start3A_171 = arith.constant 0 : i32
      %dma_start3A_172 = tpu.memref_slice %arg6[%dma_start3A_170, %dma_start3A_171] : memref<2560x32xf32, #tpu.memory_space<vmem>> -> memref<128x32xf32, #tpu.memory_space<vmem>>
      %dma_start3A_173 = arith.constant 0 : i32
      %dma_start3A_174 = tpu.memref_slice %arg5[%add3A_169, %dma_start3A_173] : memref<80x128xi32, #tpu.memory_space<vmem>> -> memref<1x128xi32, #tpu.memory_space<vmem>>
      %dma_start3A_175 = tpu.memref_squeeze %dma_start3A_174 : memref<1x128xi32, #tpu.memory_space<vmem>> -> memref<128xi32, #tpu.memory_space<vmem>>
      %dma_start3A_176 = arith.constant 0 : i32
      %dma_start3A_177 = arith.constant 0 : i32
      %dma_start3A_178 = tpu.memref_slice %arg3[%dma_start3A_176, %dma_start3A_177] : memref<1000000x32xf32, #tpu.memory_space<hbm>> -> memref<1000000x32xf32, #tpu.memory_space<hbm>>
      tpu.enqueue_indirect_dma source(%dma_start3A_178 : memref<1000000x32xf32, #tpu.memory_space<hbm>>) target(%dma_start3A_172 : memref<128x32xf32, #tpu.memory_space<vmem>>) offsets(%dma_start3A_175 : memref<128xi32, #tpu.memory_space<vmem>>) semaphore(%arg8 : memref<!tpu.dma_semaphore, #tpu.memory_space<semaphore_mem>>)
      %mul3A_179 = arith.constant 20 : i32
      %mul3A_180 = arith.muli %scan3A_10, %mul3A_179 : i32
      %add3A_181 = arith.constant 13 : i32
      %add3A_182 = arith.addi %mul3A_180, %add3A_181 : i32
      %dma_start3A_183 = arith.constant 1664 : i32
      %dma_start3A_184 = arith.constant 0 : i32
      %dma_start3A_185 = tpu.memref_slice %arg6[%dma_start3A_183, %dma_start3A_184] : memref<2560x32xf32, #tpu.memory_space<vmem>> -> memref<128x32xf32, #tpu.memory_space<vmem>>
      %dma_start3A_186 = arith.constant 0 : i32
      %dma_start3A_187 = tpu.memref_slice %arg5[%add3A_182, %dma_start3A_186] : memref<80x128xi32, #tpu.memory_space<vmem>> -> memref<1x128xi32, #tpu.memory_space<vmem>>
      %dma_start3A_188 = tpu.memref_squeeze %dma_start3A_187 : memref<1x128xi32, #tpu.memory_space<vmem>> -> memref<128xi32, #tpu.memory_space<vmem>>
      %dma_start3A_189 = arith.constant 0 : i32
      %dma_start3A_190 = arith.constant 0 : i32
      %dma_start3A_191 = tpu.memref_slice %arg3[%dma_start3A_189, %dma_start3A_190] : memref<1000000x32xf32, #tpu.memory_space<hbm>> -> memref<1000000x32xf32, #tpu.memory_space<hbm>>
      tpu.enqueue_indirect_dma source(%dma_start3A_191 : memref<1000000x32xf32, #tpu.memory_space<hbm>>) target(%dma_start3A_185 : memref<128x32xf32, #tpu.memory_space<vmem>>) offsets(%dma_start3A_188 : memref<128xi32, #tpu.memory_space<vmem>>) semaphore(%arg8 : memref<!tpu.dma_semaphore, #tpu.memory_space<semaphore_mem>>)
      %mul3A_192 = arith.constant 20 : i32
      %mul3A_193 = arith.muli %scan3A_10, %mul3A_192 : i32
      %add3A_194 = arith.constant 14 : i32
      %add3A_195 = arith.addi %mul3A_193, %add3A_194 : i32
      %dma_start3A_196 = arith.constant 1792 : i32
      %dma_start3A_197 = arith.constant 0 : i32
      %dma_start3A_198 = tpu.memref_slice %arg6[%dma_start3A_196, %dma_start3A_197] : memref<2560x32xf32, #tpu.memory_space<vmem>> -> memref<128x32xf32, #tpu.memory_space<vmem>>
      %dma_start3A_199 = arith.constant 0 : i32
      %dma_start3A_200 = tpu.memref_slice %arg5[%add3A_195, %dma_start3A_199] : memref<80x128xi32, #tpu.memory_space<vmem>> -> memref<1x128xi32, #tpu.memory_space<vmem>>
      %dma_start3A_201 = tpu.memref_squeeze %dma_start3A_200 : memref<1x128xi32, #tpu.memory_space<vmem>> -> memref<128xi32, #tpu.memory_space<vmem>>
      %dma_start3A_202 = arith.constant 0 : i32
      %dma_start3A_203 = arith.constant 0 : i32
      %dma_start3A_204 = tpu.memref_slice %arg3[%dma_start3A_202, %dma_start3A_203] : memref<1000000x32xf32, #tpu.memory_space<hbm>> -> memref<1000000x32xf32, #tpu.memory_space<hbm>>
      tpu.enqueue_indirect_dma source(%dma_start3A_204 : memref<1000000x32xf32, #tpu.memory_space<hbm>>) target(%dma_start3A_198 : memref<128x32xf32, #tpu.memory_space<vmem>>) offsets(%dma_start3A_201 : memref<128xi32, #tpu.memory_space<vmem>>) semaphore(%arg8 : memref<!tpu.dma_semaphore, #tpu.memory_space<semaphore_mem>>)
      %mul3A_205 = arith.constant 20 : i32
      %mul3A_206 = arith.muli %scan3A_10, %mul3A_205 : i32
      %add3A_207 = arith.constant 15 : i32
      %add3A_208 = arith.addi %mul3A_206, %add3A_207 : i32
      %dma_start3A_209 = arith.constant 1920 : i32
      %dma_start3A_210 = arith.constant 0 : i32
      %dma_start3A_211 = tpu.memref_slice %arg6[%dma_start3A_209, %dma_start3A_210] : memref<2560x32xf32, #tpu.memory_space<vmem>> -> memref<128x32xf32, #tpu.memory_space<vmem>>
      %dma_start3A_212 = arith.constant 0 : i32
      %dma_start3A_213 = tpu.memref_slice %arg5[%add3A_208, %dma_start3A_212] : memref<80x128xi32, #tpu.memory_space<vmem>> -> memref<1x128xi32, #tpu.memory_space<vmem>>
      %dma_start3A_214 = tpu.memref_squeeze %dma_start3A_213 : memref<1x128xi32, #tpu.memory_space<vmem>> -> memref<128xi32, #tpu.memory_space<vmem>>
      %dma_start3A_215 = arith.constant 0 : i32
      %dma_start3A_216 = arith.constant 0 : i32
      %dma_start3A_217 = tpu.memref_slice %arg3[%dma_start3A_215, %dma_start3A_216] : memref<1000000x32xf32, #tpu.memory_space<hbm>> -> memref<1000000x32xf32, #tpu.memory_space<hbm>>
      tpu.enqueue_indirect_dma source(%dma_start3A_217 : memref<1000000x32xf32, #tpu.memory_space<hbm>>) target(%dma_start3A_211 : memref<128x32xf32, #tpu.memory_space<vmem>>) offsets(%dma_start3A_214 : memref<128xi32, #tpu.memory_space<vmem>>) semaphore(%arg8 : memref<!tpu.dma_semaphore, #tpu.memory_space<semaphore_mem>>)
      %mul3A_218 = arith.constant 20 : i32
      %mul3A_219 = arith.muli %scan3A_10, %mul3A_218 : i32
      %add3A_220 = arith.constant 16 : i32
      %add3A_221 = arith.addi %mul3A_219, %add3A_220 : i32
      %dma_start3A_222 = arith.constant 2048 : i32
      %dma_start3A_223 = arith.constant 0 : i32
      %dma_start3A_224 = tpu.memref_slice %arg6[%dma_start3A_222, %dma_start3A_223] : memref<2560x32xf32, #tpu.memory_space<vmem>> -> memref<128x32xf32, #tpu.memory_space<vmem>>
      %dma_start3A_225 = arith.constant 0 : i32
      %dma_start3A_226 = tpu.memref_slice %arg5[%add3A_221, %dma_start3A_225] : memref<80x128xi32, #tpu.memory_space<vmem>> -> memref<1x128xi32, #tpu.memory_space<vmem>>
      %dma_start3A_227 = tpu.memref_squeeze %dma_start3A_226 : memref<1x128xi32, #tpu.memory_space<vmem>> -> memref<128xi32, #tpu.memory_space<vmem>>
      %dma_start3A_228 = arith.constant 0 : i32
      %dma_start3A_229 = arith.constant 0 : i32
      %dma_start3A_230 = tpu.memref_slice %arg3[%dma_start3A_228, %dma_start3A_229] : memref<1000000x32xf32, #tpu.memory_space<hbm>> -> memref<1000000x32xf32, #tpu.memory_space<hbm>>
      tpu.enqueue_indirect_dma source(%dma_start3A_230 : memref<1000000x32xf32, #tpu.memory_space<hbm>>) target(%dma_start3A_224 : memref<128x32xf32, #tpu.memory_space<vmem>>) offsets(%dma_start3A_227 : memref<128xi32, #tpu.memory_space<vmem>>) semaphore(%arg8 : memref<!tpu.dma_semaphore, #tpu.memory_space<semaphore_mem>>)
      %mul3A_231 = arith.constant 20 : i32
      %mul3A_232 = arith.muli %scan3A_10, %mul3A_231 : i32
      %add3A_233 = arith.constant 17 : i32
      %add3A_234 = arith.addi %mul3A_232, %add3A_233 : i32
      %dma_start3A_235 = arith.constant 2176 : i32
      %dma_start3A_236 = arith.constant 0 : i32
      %dma_start3A_237 = tpu.memref_slice %arg6[%dma_start3A_235, %dma_start3A_236] : memref<2560x32xf32, #tpu.memory_space<vmem>> -> memref<128x32xf32, #tpu.memory_space<vmem>>
      %dma_start3A_238 = arith.constant 0 : i32
      %dma_start3A_239 = tpu.memref_slice %arg5[%add3A_234, %dma_start3A_238] : memref<80x128xi32, #tpu.memory_space<vmem>> -> memref<1x128xi32, #tpu.memory_space<vmem>>
      %dma_start3A_240 = tpu.memref_squeeze %dma_start3A_239 : memref<1x128xi32, #tpu.memory_space<vmem>> -> memref<128xi32, #tpu.memory_space<vmem>>
      %dma_start3A_241 = arith.constant 0 : i32
      %dma_start3A_242 = arith.constant 0 : i32
      %dma_start3A_243 = tpu.memref_slice %arg3[%dma_start3A_241, %dma_start3A_242] : memref<1000000x32xf32, #tpu.memory_space<hbm>> -> memref<1000000x32xf32, #tpu.memory_space<hbm>>
      tpu.enqueue_indirect_dma source(%dma_start3A_243 : memref<1000000x32xf32, #tpu.memory_space<hbm>>) target(%dma_start3A_237 : memref<128x32xf32, #tpu.memory_space<vmem>>) offsets(%dma_start3A_240 : memref<128xi32, #tpu.memory_space<vmem>>) semaphore(%arg8 : memref<!tpu.dma_semaphore, #tpu.memory_space<semaphore_mem>>)
      %mul3A_244 = arith.constant 20 : i32
      %mul3A_245 = arith.muli %scan3A_10, %mul3A_244 : i32
      %add3A_246 = arith.constant 18 : i32
      %add3A_247 = arith.addi %mul3A_245, %add3A_246 : i32
      %dma_start3A_248 = arith.constant 2304 : i32
      %dma_start3A_249 = arith.constant 0 : i32
      %dma_start3A_250 = tpu.memref_slice %arg6[%dma_start3A_248, %dma_start3A_249] : memref<2560x32xf32, #tpu.memory_space<vmem>> -> memref<128x32xf32, #tpu.memory_space<vmem>>
      %dma_start3A_251 = arith.constant 0 : i32
      %dma_start3A_252 = tpu.memref_slice %arg5[%add3A_247, %dma_start3A_251] : memref<80x128xi32, #tpu.memory_space<vmem>> -> memref<1x128xi32, #tpu.memory_space<vmem>>
      %dma_start3A_253 = tpu.memref_squeeze %dma_start3A_252 : memref<1x128xi32, #tpu.memory_space<vmem>> -> memref<128xi32, #tpu.memory_space<vmem>>
      %dma_start3A_254 = arith.constant 0 : i32
      %dma_start3A_255 = arith.constant 0 : i32
      %dma_start3A_256 = tpu.memref_slice %arg3[%dma_start3A_254, %dma_start3A_255] : memref<1000000x32xf32, #tpu.memory_space<hbm>> -> memref<1000000x32xf32, #tpu.memory_space<hbm>>
      tpu.enqueue_indirect_dma source(%dma_start3A_256 : memref<1000000x32xf32, #tpu.memory_space<hbm>>) target(%dma_start3A_250 : memref<128x32xf32, #tpu.memory_space<vmem>>) offsets(%dma_start3A_253 : memref<128xi32, #tpu.memory_space<vmem>>) semaphore(%arg8 : memref<!tpu.dma_semaphore, #tpu.memory_space<semaphore_mem>>)
      %mul3A_257 = arith.constant 20 : i32
      %mul3A_258 = arith.muli %scan3A_10, %mul3A_257 : i32
      %add3A_259 = arith.constant 19 : i32
      %add3A_260 = arith.addi %mul3A_258, %add3A_259 : i32
      %dma_start3A_261 = arith.constant 2432 : i32
      %dma_start3A_262 = arith.constant 0 : i32
      %dma_start3A_263 = tpu.memref_slice %arg6[%dma_start3A_261, %dma_start3A_262] : memref<2560x32xf32, #tpu.memory_space<vmem>> -> memref<128x32xf32, #tpu.memory_space<vmem>>
      %dma_start3A_264 = arith.constant 0 : i32
      %dma_start3A_265 = tpu.memref_slice %arg5[%add3A_260, %dma_start3A_264] : memref<80x128xi32, #tpu.memory_space<vmem>> -> memref<1x128xi32, #tpu.memory_space<vmem>>
      %dma_start3A_266 = tpu.memref_squeeze %dma_start3A_265 : memref<1x128xi32, #tpu.memory_space<vmem>> -> memref<128xi32, #tpu.memory_space<vmem>>
      %dma_start3A_267 = arith.constant 0 : i32
      %dma_start3A_268 = arith.constant 0 : i32
      %dma_start3A_269 = tpu.memref_slice %arg3[%dma_start3A_267, %dma_start3A_268] : memref<1000000x32xf32, #tpu.memory_space<hbm>> -> memref<1000000x32xf32, #tpu.memory_space<hbm>>
      tpu.enqueue_indirect_dma source(%dma_start3A_269 : memref<1000000x32xf32, #tpu.memory_space<hbm>>) target(%dma_start3A_263 : memref<128x32xf32, #tpu.memory_space<vmem>>) offsets(%dma_start3A_266 : memref<128xi32, #tpu.memory_space<vmem>>) semaphore(%arg8 : memref<!tpu.dma_semaphore, #tpu.memory_space<semaphore_mem>>)
      %dma_wait3A = arith.constant 0 : i32
      %dma_wait3A_270 = arith.constant 0 : i32
      %dma_wait3A_271 = tpu.memref_slice %arg6[%dma_wait3A, %dma_wait3A_270] : memref<2560x32xf32, #tpu.memory_space<vmem>> -> memref<128x32xf32, #tpu.memory_space<vmem>>
      %dma_wait3A_272 = arith.constant 0 : i32
      %dma_wait3A_273 = tpu.memref_slice %arg5[%add3A_14, %dma_wait3A_272] : memref<80x128xi32, #tpu.memory_space<vmem>> -> memref<1x128xi32, #tpu.memory_space<vmem>>
      %dma_wait3A_274 = tpu.memref_squeeze %dma_wait3A_273 : memref<1x128xi32, #tpu.memory_space<vmem>> -> memref<128xi32, #tpu.memory_space<vmem>>
      %dma_wait3A_275 = arith.constant 0 : i32
      %dma_wait3A_276 = arith.constant 0 : i32
      %dma_wait3A_277 = tpu.memref_slice %arg3[%dma_wait3A_275, %dma_wait3A_276] : memref<1000000x32xf32, #tpu.memory_space<hbm>> -> memref<1000000x32xf32, #tpu.memory_space<hbm>>
      tpu.wait_indirect_dma semaphore(%arg8 : memref<!tpu.dma_semaphore, #tpu.memory_space<semaphore_mem>>) src(%dma_wait3A_277 : memref<1000000x32xf32, #tpu.memory_space<hbm>>) dst(%dma_wait3A_271 : memref<128x32xf32, #tpu.memory_space<vmem>>)
      %dma_wait3A_278 = arith.constant 128 : i32
      %dma_wait3A_279 = arith.constant 0 : i32
      %dma_wait3A_280 = tpu.memref_slice %arg6[%dma_wait3A_278, %dma_wait3A_279] : memref<2560x32xf32, #tpu.memory_space<vmem>> -> memref<128x32xf32, #tpu.memory_space<vmem>>
      %dma_wait3A_281 = arith.constant 0 : i32
      %dma_wait3A_282 = tpu.memref_slice %arg5[%add3A_26, %dma_wait3A_281] : memref<80x128xi32, #tpu.memory_space<vmem>> -> memref<1x128xi32, #tpu.memory_space<vmem>>
      %dma_wait3A_283 = tpu.memref_squeeze %dma_wait3A_282 : memref<1x128xi32, #tpu.memory_space<vmem>> -> memref<128xi32, #tpu.memory_space<vmem>>
      %dma_wait3A_284 = arith.constant 0 : i32
      %dma_wait3A_285 = arith.constant 0 : i32
      %dma_wait3A_286 = tpu.memref_slice %arg3[%dma_wait3A_284, %dma_wait3A_285] : memref<1000000x32xf32, #tpu.memory_space<hbm>> -> memref<1000000x32xf32, #tpu.memory_space<hbm>>
      tpu.wait_indirect_dma semaphore(%arg8 : memref<!tpu.dma_semaphore, #tpu.memory_space<semaphore_mem>>) src(%dma_wait3A_286 : memref<1000000x32xf32, #tpu.memory_space<hbm>>) dst(%dma_wait3A_280 : memref<128x32xf32, #tpu.memory_space<vmem>>)
      %dma_wait3A_287 = arith.constant 256 : i32
      %dma_wait3A_288 = arith.constant 0 : i32
      %dma_wait3A_289 = tpu.memref_slice %arg6[%dma_wait3A_287, %dma_wait3A_288] : memref<2560x32xf32, #tpu.memory_space<vmem>> -> memref<128x32xf32, #tpu.memory_space<vmem>>
      %dma_wait3A_290 = arith.constant 0 : i32
      %dma_wait3A_291 = tpu.memref_slice %arg5[%add3A_39, %dma_wait3A_290] : memref<80x128xi32, #tpu.memory_space<vmem>> -> memref<1x128xi32, #tpu.memory_space<vmem>>
      %dma_wait3A_292 = tpu.memref_squeeze %dma_wait3A_291 : memref<1x128xi32, #tpu.memory_space<vmem>> -> memref<128xi32, #tpu.memory_space<vmem>>
      %dma_wait3A_293 = arith.constant 0 : i32
      %dma_wait3A_294 = arith.constant 0 : i32
      %dma_wait3A_295 = tpu.memref_slice %arg3[%dma_wait3A_293, %dma_wait3A_294] : memref<1000000x32xf32, #tpu.memory_space<hbm>> -> memref<1000000x32xf32, #tpu.memory_space<hbm>>
      tpu.wait_indirect_dma semaphore(%arg8 : memref<!tpu.dma_semaphore, #tpu.memory_space<semaphore_mem>>) src(%dma_wait3A_295 : memref<1000000x32xf32, #tpu.memory_space<hbm>>) dst(%dma_wait3A_289 : memref<128x32xf32, #tpu.memory_space<vmem>>)
      %dma_wait3A_296 = arith.constant 384 : i32
      %dma_wait3A_297 = arith.constant 0 : i32
      %dma_wait3A_298 = tpu.memref_slice %arg6[%dma_wait3A_296, %dma_wait3A_297] : memref<2560x32xf32, #tpu.memory_space<vmem>> -> memref<128x32xf32, #tpu.memory_space<vmem>>
      %dma_wait3A_299 = arith.constant 0 : i32
      %dma_wait3A_300 = tpu.memref_slice %arg5[%add3A_52, %dma_wait3A_299] : memref<80x128xi32, #tpu.memory_space<vmem>> -> memref<1x128xi32, #tpu.memory_space<vmem>>
      %dma_wait3A_301 = tpu.memref_squeeze %dma_wait3A_300 : memref<1x128xi32, #tpu.memory_space<vmem>> -> memref<128xi32, #tpu.memory_space<vmem>>
      %dma_wait3A_302 = arith.constant 0 : i32
      %dma_wait3A_303 = arith.constant 0 : i32
      %dma_wait3A_304 = tpu.memref_slice %arg3[%dma_wait3A_302, %dma_wait3A_303] : memref<1000000x32xf32, #tpu.memory_space<hbm>> -> memref<1000000x32xf32, #tpu.memory_space<hbm>>
      tpu.wait_indirect_dma semaphore(%arg8 : memref<!tpu.dma_semaphore, #tpu.memory_space<semaphore_mem>>) src(%dma_wait3A_304 : memref<1000000x32xf32, #tpu.memory_space<hbm>>) dst(%dma_wait3A_298 : memref<128x32xf32, #tpu.memory_space<vmem>>)
      %dma_wait3A_305 = arith.constant 512 : i32
      %dma_wait3A_306 = arith.constant 0 : i32
      %dma_wait3A_307 = tpu.memref_slice %arg6[%dma_wait3A_305, %dma_wait3A_306] : memref<2560x32xf32, #tpu.memory_space<vmem>> -> memref<128x32xf32, #tpu.memory_space<vmem>>
      %dma_wait3A_308 = arith.constant 0 : i32
      %dma_wait3A_309 = tpu.memref_slice %arg5[%add3A_65, %dma_wait3A_308] : memref<80x128xi32, #tpu.memory_space<vmem>> -> memref<1x128xi32, #tpu.memory_space<vmem>>
      %dma_wait3A_310 = tpu.memref_squeeze %dma_wait3A_309 : memref<1x128xi32, #tpu.memory_space<vmem>> -> memref<128xi32, #tpu.memory_space<vmem>>
      %dma_wait3A_311 = arith.constant 0 : i32
      %dma_wait3A_312 = arith.constant 0 : i32
      %dma_wait3A_313 = tpu.memref_slice %arg3[%dma_wait3A_311, %dma_wait3A_312] : memref<1000000x32xf32, #tpu.memory_space<hbm>> -> memref<1000000x32xf32, #tpu.memory_space<hbm>>
      tpu.wait_indirect_dma semaphore(%arg8 : memref<!tpu.dma_semaphore, #tpu.memory_space<semaphore_mem>>) src(%dma_wait3A_313 : memref<1000000x32xf32, #tpu.memory_space<hbm>>) dst(%dma_wait3A_307 : memref<128x32xf32, #tpu.memory_space<vmem>>)
      %dma_wait3A_314 = arith.constant 640 : i32
      %dma_wait3A_315 = arith.constant 0 : i32
      %dma_wait3A_316 = tpu.memref_slice %arg6[%dma_wait3A_314, %dma_wait3A_315] : memref<2560x32xf32, #tpu.memory_space<vmem>> -> memref<128x32xf32, #tpu.memory_space<vmem>>
      %dma_wait3A_317 = arith.constant 0 : i32
      %dma_wait3A_318 = tpu.memref_slice %arg5[%add3A_78, %dma_wait3A_317] : memref<80x128xi32, #tpu.memory_space<vmem>> -> memref<1x128xi32, #tpu.memory_space<vmem>>
      %dma_wait3A_319 = tpu.memref_squeeze %dma_wait3A_318 : memref<1x128xi32, #tpu.memory_space<vmem>> -> memref<128xi32, #tpu.memory_space<vmem>>
      %dma_wait3A_320 = arith.constant 0 : i32
      %dma_wait3A_321 = arith.constant 0 : i32
      %dma_wait3A_322 = tpu.memref_slice %arg3[%dma_wait3A_320, %dma_wait3A_321] : memref<1000000x32xf32, #tpu.memory_space<hbm>> -> memref<1000000x32xf32, #tpu.memory_space<hbm>>
      tpu.wait_indirect_dma semaphore(%arg8 : memref<!tpu.dma_semaphore, #tpu.memory_space<semaphore_mem>>) src(%dma_wait3A_322 : memref<1000000x32xf32, #tpu.memory_space<hbm>>) dst(%dma_wait3A_316 : memref<128x32xf32, #tpu.memory_space<vmem>>)
      %dma_wait3A_323 = arith.constant 768 : i32
      %dma_wait3A_324 = arith.constant 0 : i32
      %dma_wait3A_325 = tpu.memref_slice %arg6[%dma_wait3A_323, %dma_wait3A_324] : memref<2560x32xf32, #tpu.memory_space<vmem>> -> memref<128x32xf32, #tpu.memory_space<vmem>>
      %dma_wait3A_326 = arith.constant 0 : i32
      %dma_wait3A_327 = tpu.memref_slice %arg5[%add3A_91, %dma_wait3A_326] : memref<80x128xi32, #tpu.memory_space<vmem>> -> memref<1x128xi32, #tpu.memory_space<vmem>>
      %dma_wait3A_328 = tpu.memref_squeeze %dma_wait3A_327 : memref<1x128xi32, #tpu.memory_space<vmem>> -> memref<128xi32, #tpu.memory_space<vmem>>
      %dma_wait3A_329 = arith.constant 0 : i32
      %dma_wait3A_330 = arith.constant 0 : i32
      %dma_wait3A_331 = tpu.memref_slice %arg3[%dma_wait3A_329, %dma_wait3A_330] : memref<1000000x32xf32, #tpu.memory_space<hbm>> -> memref<1000000x32xf32, #tpu.memory_space<hbm>>
      tpu.wait_indirect_dma semaphore(%arg8 : memref<!tpu.dma_semaphore, #tpu.memory_space<semaphore_mem>>) src(%dma_wait3A_331 : memref<1000000x32xf32, #tpu.memory_space<hbm>>) dst(%dma_wait3A_325 : memref<128x32xf32, #tpu.memory_space<vmem>>)
      %dma_wait3A_332 = arith.constant 896 : i32
      %dma_wait3A_333 = arith.constant 0 : i32
      %dma_wait3A_334 = tpu.memref_slice %arg6[%dma_wait3A_332, %dma_wait3A_333] : memref<2560x32xf32, #tpu.memory_space<vmem>> -> memref<128x32xf32, #tpu.memory_space<vmem>>
      %dma_wait3A_335 = arith.constant 0 : i32
      %dma_wait3A_336 = tpu.memref_slice %arg5[%add3A_104, %dma_wait3A_335] : memref<80x128xi32, #tpu.memory_space<vmem>> -> memref<1x128xi32, #tpu.memory_space<vmem>>
      %dma_wait3A_337 = tpu.memref_squeeze %dma_wait3A_336 : memref<1x128xi32, #tpu.memory_space<vmem>> -> memref<128xi32, #tpu.memory_space<vmem>>
      %dma_wait3A_338 = arith.constant 0 : i32
      %dma_wait3A_339 = arith.constant 0 : i32
      %dma_wait3A_340 = tpu.memref_slice %arg3[%dma_wait3A_338, %dma_wait3A_339] : memref<1000000x32xf32, #tpu.memory_space<hbm>> -> memref<1000000x32xf32, #tpu.memory_space<hbm>>
      tpu.wait_indirect_dma semaphore(%arg8 : memref<!tpu.dma_semaphore, #tpu.memory_space<semaphore_mem>>) src(%dma_wait3A_340 : memref<1000000x32xf32, #tpu.memory_space<hbm>>) dst(%dma_wait3A_334 : memref<128x32xf32, #tpu.memory_space<vmem>>)
      %dma_wait3A_341 = arith.constant 1024 : i32
      %dma_wait3A_342 = arith.constant 0 : i32
      %dma_wait3A_343 = tpu.memref_slice %arg6[%dma_wait3A_341, %dma_wait3A_342] : memref<2560x32xf32, #tpu.memory_space<vmem>> -> memref<128x32xf32, #tpu.memory_space<vmem>>
      %dma_wait3A_344 = arith.constant 0 : i32
      %dma_wait3A_345 = tpu.memref_slice %arg5[%add3A_117, %dma_wait3A_344] : memref<80x128xi32, #tpu.memory_space<vmem>> -> memref<1x128xi32, #tpu.memory_space<vmem>>
      %dma_wait3A_346 = tpu.memref_squeeze %dma_wait3A_345 : memref<1x128xi32, #tpu.memory_space<vmem>> -> memref<128xi32, #tpu.memory_space<vmem>>
      %dma_wait3A_347 = arith.constant 0 : i32
      %dma_wait3A_348 = arith.constant 0 : i32
      %dma_wait3A_349 = tpu.memref_slice %arg3[%dma_wait3A_347, %dma_wait3A_348] : memref<1000000x32xf32, #tpu.memory_space<hbm>> -> memref<1000000x32xf32, #tpu.memory_space<hbm>>
      tpu.wait_indirect_dma semaphore(%arg8 : memref<!tpu.dma_semaphore, #tpu.memory_space<semaphore_mem>>) src(%dma_wait3A_349 : memref<1000000x32xf32, #tpu.memory_space<hbm>>) dst(%dma_wait3A_343 : memref<128x32xf32, #tpu.memory_space<vmem>>)
      %dma_wait3A_350 = arith.constant 1152 : i32
      %dma_wait3A_351 = arith.constant 0 : i32
      %dma_wait3A_352 = tpu.memref_slice %arg6[%dma_wait3A_350, %dma_wait3A_351] : memref<2560x32xf32, #tpu.memory_space<vmem>> -> memref<128x32xf32, #tpu.memory_space<vmem>>
      %dma_wait3A_353 = arith.constant 0 : i32
      %dma_wait3A_354 = tpu.memref_slice %arg5[%add3A_130, %dma_wait3A_353] : memref<80x128xi32, #tpu.memory_space<vmem>> -> memref<1x128xi32, #tpu.memory_space<vmem>>
      %dma_wait3A_355 = tpu.memref_squeeze %dma_wait3A_354 : memref<1x128xi32, #tpu.memory_space<vmem>> -> memref<128xi32, #tpu.memory_space<vmem>>
      %dma_wait3A_356 = arith.constant 0 : i32
      %dma_wait3A_357 = arith.constant 0 : i32
      %dma_wait3A_358 = tpu.memref_slice %arg3[%dma_wait3A_356, %dma_wait3A_357] : memref<1000000x32xf32, #tpu.memory_space<hbm>> -> memref<1000000x32xf32, #tpu.memory_space<hbm>>
      tpu.wait_indirect_dma semaphore(%arg8 : memref<!tpu.dma_semaphore, #tpu.memory_space<semaphore_mem>>) src(%dma_wait3A_358 : memref<1000000x32xf32, #tpu.memory_space<hbm>>) dst(%dma_wait3A_352 : memref<128x32xf32, #tpu.memory_space<vmem>>)
      %dma_wait3A_359 = arith.constant 1280 : i32
      %dma_wait3A_360 = arith.constant 0 : i32
      %dma_wait3A_361 = tpu.memref_slice %arg6[%dma_wait3A_359, %dma_wait3A_360] : memref<2560x32xf32, #tpu.memory_space<vmem>> -> memref<128x32xf32, #tpu.memory_space<vmem>>
      %dma_wait3A_362 = arith.constant 0 : i32
      %dma_wait3A_363 = tpu.memref_slice %arg5[%add3A_143, %dma_wait3A_362] : memref<80x128xi32, #tpu.memory_space<vmem>> -> memref<1x128xi32, #tpu.memory_space<vmem>>
      %dma_wait3A_364 = tpu.memref_squeeze %dma_wait3A_363 : memref<1x128xi32, #tpu.memory_space<vmem>> -> memref<128xi32, #tpu.memory_space<vmem>>
      %dma_wait3A_365 = arith.constant 0 : i32
      %dma_wait3A_366 = arith.constant 0 : i32
      %dma_wait3A_367 = tpu.memref_slice %arg3[%dma_wait3A_365, %dma_wait3A_366] : memref<1000000x32xf32, #tpu.memory_space<hbm>> -> memref<1000000x32xf32, #tpu.memory_space<hbm>>
      tpu.wait_indirect_dma semaphore(%arg8 : memref<!tpu.dma_semaphore, #tpu.memory_space<semaphore_mem>>) src(%dma_wait3A_367 : memref<1000000x32xf32, #tpu.memory_space<hbm>>) dst(%dma_wait3A_361 : memref<128x32xf32, #tpu.memory_space<vmem>>)
      %dma_wait3A_368 = arith.constant 1408 : i32
      %dma_wait3A_369 = arith.constant 0 : i32
      %dma_wait3A_370 = tpu.memref_slice %arg6[%dma_wait3A_368, %dma_wait3A_369] : memref<2560x32xf32, #tpu.memory_space<vmem>> -> memref<128x32xf32, #tpu.memory_space<vmem>>
      %dma_wait3A_371 = arith.constant 0 : i32
      %dma_wait3A_372 = tpu.memref_slice %arg5[%add3A_156, %dma_wait3A_371] : memref<80x128xi32, #tpu.memory_space<vmem>> -> memref<1x128xi32, #tpu.memory_space<vmem>>
      %dma_wait3A_373 = tpu.memref_squeeze %dma_wait3A_372 : memref<1x128xi32, #tpu.memory_space<vmem>> -> memref<128xi32, #tpu.memory_space<vmem>>
      %dma_wait3A_374 = arith.constant 0 : i32
      %dma_wait3A_375 = arith.constant 0 : i32
      %dma_wait3A_376 = tpu.memref_slice %arg3[%dma_wait3A_374, %dma_wait3A_375] : memref<1000000x32xf32, #tpu.memory_space<hbm>> -> memref<1000000x32xf32, #tpu.memory_space<hbm>>
      tpu.wait_indirect_dma semaphore(%arg8 : memref<!tpu.dma_semaphore, #tpu.memory_space<semaphore_mem>>) src(%dma_wait3A_376 : memref<1000000x32xf32, #tpu.memory_space<hbm>>) dst(%dma_wait3A_370 : memref<128x32xf32, #tpu.memory_space<vmem>>)
      %dma_wait3A_377 = arith.constant 1536 : i32
      %dma_wait3A_378 = arith.constant 0 : i32
      %dma_wait3A_379 = tpu.memref_slice %arg6[%dma_wait3A_377, %dma_wait3A_378] : memref<2560x32xf32, #tpu.memory_space<vmem>> -> memref<128x32xf32, #tpu.memory_space<vmem>>
      %dma_wait3A_380 = arith.constant 0 : i32
      %dma_wait3A_381 = tpu.memref_slice %arg5[%add3A_169, %dma_wait3A_380] : memref<80x128xi32, #tpu.memory_space<vmem>> -> memref<1x128xi32, #tpu.memory_space<vmem>>
      %dma_wait3A_382 = tpu.memref_squeeze %dma_wait3A_381 : memref<1x128xi32, #tpu.memory_space<vmem>> -> memref<128xi32, #tpu.memory_space<vmem>>
      %dma_wait3A_383 = arith.constant 0 : i32
      %dma_wait3A_384 = arith.constant 0 : i32
      %dma_wait3A_385 = tpu.memref_slice %arg3[%dma_wait3A_383, %dma_wait3A_384] : memref<1000000x32xf32, #tpu.memory_space<hbm>> -> memref<1000000x32xf32, #tpu.memory_space<hbm>>
      tpu.wait_indirect_dma semaphore(%arg8 : memref<!tpu.dma_semaphore, #tpu.memory_space<semaphore_mem>>) src(%dma_wait3A_385 : memref<1000000x32xf32, #tpu.memory_space<hbm>>) dst(%dma_wait3A_379 : memref<128x32xf32, #tpu.memory_space<vmem>>)
      %dma_wait3A_386 = arith.constant 1664 : i32
      %dma_wait3A_387 = arith.constant 0 : i32
      %dma_wait3A_388 = tpu.memref_slice %arg6[%dma_wait3A_386, %dma_wait3A_387] : memref<2560x32xf32, #tpu.memory_space<vmem>> -> memref<128x32xf32, #tpu.memory_space<vmem>>
      %dma_wait3A_389 = arith.constant 0 : i32
      %dma_wait3A_390 = tpu.memref_slice %arg5[%add3A_182, %dma_wait3A_389] : memref<80x128xi32, #tpu.memory_space<vmem>> -> memref<1x128xi32, #tpu.memory_space<vmem>>
      %dma_wait3A_391 = tpu.memref_squeeze %dma_wait3A_390 : memref<1x128xi32, #tpu.memory_space<vmem>> -> memref<128xi32, #tpu.memory_space<vmem>>
      %dma_wait3A_392 = arith.constant 0 : i32
      %dma_wait3A_393 = arith.constant 0 : i32
      %dma_wait3A_394 = tpu.memref_slice %arg3[%dma_wait3A_392, %dma_wait3A_393] : memref<1000000x32xf32, #tpu.memory_space<hbm>> -> memref<1000000x32xf32, #tpu.memory_space<hbm>>
      tpu.wait_indirect_dma semaphore(%arg8 : memref<!tpu.dma_semaphore, #tpu.memory_space<semaphore_mem>>) src(%dma_wait3A_394 : memref<1000000x32xf32, #tpu.memory_space<hbm>>) dst(%dma_wait3A_388 : memref<128x32xf32, #tpu.memory_space<vmem>>)
      %dma_wait3A_395 = arith.constant 1792 : i32
      %dma_wait3A_396 = arith.constant 0 : i32
      %dma_wait3A_397 = tpu.memref_slice %arg6[%dma_wait3A_395, %dma_wait3A_396] : memref<2560x32xf32, #tpu.memory_space<vmem>> -> memref<128x32xf32, #tpu.memory_space<vmem>>
      %dma_wait3A_398 = arith.constant 0 : i32
      %dma_wait3A_399 = tpu.memref_slice %arg5[%add3A_195, %dma_wait3A_398] : memref<80x128xi32, #tpu.memory_space<vmem>> -> memref<1x128xi32, #tpu.memory_space<vmem>>
      %dma_wait3A_400 = tpu.memref_squeeze %dma_wait3A_399 : memref<1x128xi32, #tpu.memory_space<vmem>> -> memref<128xi32, #tpu.memory_space<vmem>>
      %dma_wait3A_401 = arith.constant 0 : i32
      %dma_wait3A_402 = arith.constant 0 : i32
      %dma_wait3A_403 = tpu.memref_slice %arg3[%dma_wait3A_401, %dma_wait3A_402] : memref<1000000x32xf32, #tpu.memory_space<hbm>> -> memref<1000000x32xf32, #tpu.memory_space<hbm>>
      tpu.wait_indirect_dma semaphore(%arg8 : memref<!tpu.dma_semaphore, #tpu.memory_space<semaphore_mem>>) src(%dma_wait3A_403 : memref<1000000x32xf32, #tpu.memory_space<hbm>>) dst(%dma_wait3A_397 : memref<128x32xf32, #tpu.memory_space<vmem>>)
      %dma_wait3A_404 = arith.constant 1920 : i32
      %dma_wait3A_405 = arith.constant 0 : i32
      %dma_wait3A_406 = tpu.memref_slice %arg6[%dma_wait3A_404, %dma_wait3A_405] : memref<2560x32xf32, #tpu.memory_space<vmem>> -> memref<128x32xf32, #tpu.memory_space<vmem>>
      %dma_wait3A_407 = arith.constant 0 : i32
      %dma_wait3A_408 = tpu.memref_slice %arg5[%add3A_208, %dma_wait3A_407] : memref<80x128xi32, #tpu.memory_space<vmem>> -> memref<1x128xi32, #tpu.memory_space<vmem>>
      %dma_wait3A_409 = tpu.memref_squeeze %dma_wait3A_408 : memref<1x128xi32, #tpu.memory_space<vmem>> -> memref<128xi32, #tpu.memory_space<vmem>>
      %dma_wait3A_410 = arith.constant 0 : i32
      %dma_wait3A_411 = arith.constant 0 : i32
      %dma_wait3A_412 = tpu.memref_slice %arg3[%dma_wait3A_410, %dma_wait3A_411] : memref<1000000x32xf32, #tpu.memory_space<hbm>> -> memref<1000000x32xf32, #tpu.memory_space<hbm>>
      tpu.wait_indirect_dma semaphore(%arg8 : memref<!tpu.dma_semaphore, #tpu.memory_space<semaphore_mem>>) src(%dma_wait3A_412 : memref<1000000x32xf32, #tpu.memory_space<hbm>>) dst(%dma_wait3A_406 : memref<128x32xf32, #tpu.memory_space<vmem>>)
      %dma_wait3A_413 = arith.constant 2048 : i32
      %dma_wait3A_414 = arith.constant 0 : i32
      %dma_wait3A_415 = tpu.memref_slice %arg6[%dma_wait3A_413, %dma_wait3A_414] : memref<2560x32xf32, #tpu.memory_space<vmem>> -> memref<128x32xf32, #tpu.memory_space<vmem>>
      %dma_wait3A_416 = arith.constant 0 : i32
      %dma_wait3A_417 = tpu.memref_slice %arg5[%add3A_221, %dma_wait3A_416] : memref<80x128xi32, #tpu.memory_space<vmem>> -> memref<1x128xi32, #tpu.memory_space<vmem>>
      %dma_wait3A_418 = tpu.memref_squeeze %dma_wait3A_417 : memref<1x128xi32, #tpu.memory_space<vmem>> -> memref<128xi32, #tpu.memory_space<vmem>>
      %dma_wait3A_419 = arith.constant 0 : i32
      %dma_wait3A_420 = arith.constant 0 : i32
      %dma_wait3A_421 = tpu.memref_slice %arg3[%dma_wait3A_419, %dma_wait3A_420] : memref<1000000x32xf32, #tpu.memory_space<hbm>> -> memref<1000000x32xf32, #tpu.memory_space<hbm>>
      tpu.wait_indirect_dma semaphore(%arg8 : memref<!tpu.dma_semaphore, #tpu.memory_space<semaphore_mem>>) src(%dma_wait3A_421 : memref<1000000x32xf32, #tpu.memory_space<hbm>>) dst(%dma_wait3A_415 : memref<128x32xf32, #tpu.memory_space<vmem>>)
      %dma_wait3A_422 = arith.constant 2176 : i32
      %dma_wait3A_423 = arith.constant 0 : i32
      %dma_wait3A_424 = tpu.memref_slice %arg6[%dma_wait3A_422, %dma_wait3A_423] : memref<2560x32xf32, #tpu.memory_space<vmem>> -> memref<128x32xf32, #tpu.memory_space<vmem>>
      %dma_wait3A_425 = arith.constant 0 : i32
      %dma_wait3A_426 = tpu.memref_slice %arg5[%add3A_234, %dma_wait3A_425] : memref<80x128xi32, #tpu.memory_space<vmem>> -> memref<1x128xi32, #tpu.memory_space<vmem>>
      %dma_wait3A_427 = tpu.memref_squeeze %dma_wait3A_426 : memref<1x128xi32, #tpu.memory_space<vmem>> -> memref<128xi32, #tpu.memory_space<vmem>>
      %dma_wait3A_428 = arith.constant 0 : i32
      %dma_wait3A_429 = arith.constant 0 : i32
      %dma_wait3A_430 = tpu.memref_slice %arg3[%dma_wait3A_428, %dma_wait3A_429] : memref<1000000x32xf32, #tpu.memory_space<hbm>> -> memref<1000000x32xf32, #tpu.memory_space<hbm>>
      tpu.wait_indirect_dma semaphore(%arg8 : memref<!tpu.dma_semaphore, #tpu.memory_space<semaphore_mem>>) src(%dma_wait3A_430 : memref<1000000x32xf32, #tpu.memory_space<hbm>>) dst(%dma_wait3A_424 : memref<128x32xf32, #tpu.memory_space<vmem>>)
      %dma_wait3A_431 = arith.constant 2304 : i32
      %dma_wait3A_432 = arith.constant 0 : i32
      %dma_wait3A_433 = tpu.memref_slice %arg6[%dma_wait3A_431, %dma_wait3A_432] : memref<2560x32xf32, #tpu.memory_space<vmem>> -> memref<128x32xf32, #tpu.memory_space<vmem>>
      %dma_wait3A_434 = arith.constant 0 : i32
      %dma_wait3A_435 = tpu.memref_slice %arg5[%add3A_247, %dma_wait3A_434] : memref<80x128xi32, #tpu.memory_space<vmem>> -> memref<1x128xi32, #tpu.memory_space<vmem>>
      %dma_wait3A_436 = tpu.memref_squeeze %dma_wait3A_435 : memref<1x128xi32, #tpu.memory_space<vmem>> -> memref<128xi32, #tpu.memory_space<vmem>>
      %dma_wait3A_437 = arith.constant 0 : i32
      %dma_wait3A_438 = arith.constant 0 : i32
      %dma_wait3A_439 = tpu.memref_slice %arg3[%dma_wait3A_437, %dma_wait3A_438] : memref<1000000x32xf32, #tpu.memory_space<hbm>> -> memref<1000000x32xf32, #tpu.memory_space<hbm>>
      tpu.wait_indirect_dma semaphore(%arg8 : memref<!tpu.dma_semaphore, #tpu.memory_space<semaphore_mem>>) src(%dma_wait3A_439 : memref<1000000x32xf32, #tpu.memory_space<hbm>>) dst(%dma_wait3A_433 : memref<128x32xf32, #tpu.memory_space<vmem>>)
      %dma_wait3A_440 = arith.constant 2432 : i32
      %dma_wait3A_441 = arith.constant 0 : i32
      %dma_wait3A_442 = tpu.memref_slice %arg6[%dma_wait3A_440, %dma_wait3A_441] : memref<2560x32xf32, #tpu.memory_space<vmem>> -> memref<128x32xf32, #tpu.memory_space<vmem>>
      %dma_wait3A_443 = arith.constant 0 : i32
      %dma_wait3A_444 = tpu.memref_slice %arg5[%add3A_260, %dma_wait3A_443] : memref<80x128xi32, #tpu.memory_space<vmem>> -> memref<1x128xi32, #tpu.memory_space<vmem>>
      %dma_wait3A_445 = tpu.memref_squeeze %dma_wait3A_444 : memref<1x128xi32, #tpu.memory_space<vmem>> -> memref<128xi32, #tpu.memory_space<vmem>>
      %dma_wait3A_446 = arith.constant 0 : i32
      %dma_wait3A_447 = arith.constant 0 : i32
      %dma_wait3A_448 = tpu.memref_slice %arg3[%dma_wait3A_446, %dma_wait3A_447] : memref<1000000x32xf32, #tpu.memory_space<hbm>> -> memref<1000000x32xf32, #tpu.memory_space<hbm>>
      tpu.wait_indirect_dma semaphore(%arg8 : memref<!tpu.dma_semaphore, #tpu.memory_space<semaphore_mem>>) src(%dma_wait3A_448 : memref<1000000x32xf32, #tpu.memory_space<hbm>>) dst(%dma_wait3A_442 : memref<128x32xf32, #tpu.memory_space<vmem>>)
      %scan3A_449 = arith.constant 0 : i32
      %scan3A_450 = arith.constant 0 : i32
      %scan3A_451 = arith.constant 128 : i32
      %scan3A_452 = arith.addi %scan3A_450, %scan3A_451 : i32
      %scan3A_453 = arith.constant 1 : i32
      scf.for %scan3A_458 = %scan3A_450 to %scan3A_452 step %scan3A_453  : i32 {
        %mul3A_459 = arith.constant 20 : i32
        %mul3A_460 = arith.muli %scan3A_458, %mul3A_459 : i32
        %get3A = arith.index_cast %mul3A_460 : i32 to index
        %get3A_461 = arith.constant 0 : index
        %get3A_462 = tpu.vector_load %arg6[%get3A, %get3A_461] {strides = array<i32>} : memref<2560x32xf32, #tpu.memory_space<vmem>>, vector<1x16xf32>,
        %get3A_463 = vector.shape_cast %get3A_462 : vector<1x16xf32> to vector<16xf32>
        %mul3A_464 = arith.constant 20 : i32
        %mul3A_465 = arith.muli %scan3A_458, %mul3A_464 : i32
        %add3A_466 = arith.constant 1 : i32
        %add3A_467 = arith.addi %mul3A_465, %add3A_466 : i32
        %get3A_468 = arith.index_cast %add3A_467 : i32 to index
        %get3A_469 = arith.constant 0 : index
        %get3A_470 = tpu.vector_load %arg6[%get3A_468, %get3A_469] {strides = array<i32>} : memref<2560x32xf32, #tpu.memory_space<vmem>>, vector<1x16xf32>,
        %get3A_471 = vector.shape_cast %get3A_470 : vector<1x16xf32> to vector<16xf32>
        %add3A_472 = arith.addf %get3A_463, %get3A_471 : vector<16xf32>
        %mul3A_473 = arith.constant 20 : i32
        %mul3A_474 = arith.muli %scan3A_458, %mul3A_473 : i32
        %add3A_475 = arith.constant 2 : i32
        %add3A_476 = arith.addi %mul3A_474, %add3A_475 : i32
        %get3A_477 = arith.index_cast %add3A_476 : i32 to index
        %get3A_478 = arith.constant 0 : index
        %get3A_479 = tpu.vector_load %arg6[%get3A_477, %get3A_478] {strides = array<i32>} : memref<2560x32xf32, #tpu.memory_space<vmem>>, vector<1x16xf32>,
        %get3A_480 = vector.shape_cast %get3A_479 : vector<1x16xf32> to vector<16xf32>
        %add3A_481 = arith.addf %add3A_472, %get3A_480 : vector<16xf32>
        %mul3A_482 = arith.constant 20 : i32
        %mul3A_483 = arith.muli %scan3A_458, %mul3A_482 : i32
        %add3A_484 = arith.constant 3 : i32
        %add3A_485 = arith.addi %mul3A_483, %add3A_484 : i32
        %get3A_486 = arith.index_cast %add3A_485 : i32 to index
        %get3A_487 = arith.constant 0 : index
        %get3A_488 = tpu.vector_load %arg6[%get3A_486, %get3A_487] {strides = array<i32>} : memref<2560x32xf32, #tpu.memory_space<vmem>>, vector<1x16xf32>,
        %get3A_489 = vector.shape_cast %get3A_488 : vector<1x16xf32> to vector<16xf32>
        %add3A_490 = arith.addf %add3A_481, %get3A_489 : vector<16xf32>
        %mul3A_491 = arith.constant 20 : i32
        %mul3A_492 = arith.muli %scan3A_458, %mul3A_491 : i32
        %add3A_493 = arith.constant 4 : i32
        %add3A_494 = arith.addi %mul3A_492, %add3A_493 : i32
        %get3A_495 = arith.index_cast %add3A_494 : i32 to index
        %get3A_496 = arith.constant 0 : index
        %get3A_497 = tpu.vector_load %arg6[%get3A_495, %get3A_496] {strides = array<i32>} : memref<2560x32xf32, #tpu.memory_space<vmem>>, vector<1x16xf32>,
        %get3A_498 = vector.shape_cast %get3A_497 : vector<1x16xf32> to vector<16xf32>
        %add3A_499 = arith.addf %add3A_490, %get3A_498 : vector<16xf32>
        %mul3A_500 = arith.constant 20 : i32
        %mul3A_501 = arith.muli %scan3A_458, %mul3A_500 : i32
        %add3A_502 = arith.constant 5 : i32
        %add3A_503 = arith.addi %mul3A_501, %add3A_502 : i32
        %get3A_504 = arith.index_cast %add3A_503 : i32 to index
        %get3A_505 = arith.constant 0 : index
        %get3A_506 = tpu.vector_load %arg6[%get3A_504, %get3A_505] {strides = array<i32>} : memref<2560x32xf32, #tpu.memory_space<vmem>>, vector<1x16xf32>,
        %get3A_507 = vector.shape_cast %get3A_506 : vector<1x16xf32> to vector<16xf32>
        %add3A_508 = arith.addf %add3A_499, %get3A_507 : vector<16xf32>
        %mul3A_509 = arith.constant 20 : i32
        %mul3A_510 = arith.muli %scan3A_458, %mul3A_509 : i32
        %add3A_511 = arith.constant 6 : i32
        %add3A_512 = arith.addi %mul3A_510, %add3A_511 : i32
        %get3A_513 = arith.index_cast %add3A_512 : i32 to index
        %get3A_514 = arith.constant 0 : index
        %get3A_515 = tpu.vector_load %arg6[%get3A_513, %get3A_514] {strides = array<i32>} : memref<2560x32xf32, #tpu.memory_space<vmem>>, vector<1x16xf32>,
        %get3A_516 = vector.shape_cast %get3A_515 : vector<1x16xf32> to vector<16xf32>
        %add3A_517 = arith.addf %add3A_508, %get3A_516 : vector<16xf32>
        %mul3A_518 = arith.constant 20 : i32
        %mul3A_519 = arith.muli %scan3A_458, %mul3A_518 : i32
        %add3A_520 = arith.constant 7 : i32
        %add3A_521 = arith.addi %mul3A_519, %add3A_520 : i32
        %get3A_522 = arith.index_cast %add3A_521 : i32 to index
        %get3A_523 = arith.constant 0 : index
        %get3A_524 = tpu.vector_load %arg6[%get3A_522, %get3A_523] {strides = array<i32>} : memref<2560x32xf32, #tpu.memory_space<vmem>>, vector<1x16xf32>,
        %get3A_525 = vector.shape_cast %get3A_524 : vector<1x16xf32> to vector<16xf32>
        %add3A_526 = arith.addf %add3A_517, %get3A_525 : vector<16xf32>
        %mul3A_527 = arith.constant 20 : i32
        %mul3A_528 = arith.muli %scan3A_458, %mul3A_527 : i32
        %add3A_529 = arith.constant 8 : i32
        %add3A_530 = arith.addi %mul3A_528, %add3A_529 : i32
        %get3A_531 = arith.index_cast %add3A_530 : i32 to index
        %get3A_532 = arith.constant 0 : index
        %get3A_533 = tpu.vector_load %arg6[%get3A_531, %get3A_532] {strides = array<i32>} : memref<2560x32xf32, #tpu.memory_space<vmem>>, vector<1x16xf32>,
        %get3A_534 = vector.shape_cast %get3A_533 : vector<1x16xf32> to vector<16xf32>
        %add3A_535 = arith.addf %add3A_526, %get3A_534 : vector<16xf32>
        %mul3A_536 = arith.constant 20 : i32
        %mul3A_537 = arith.muli %scan3A_458, %mul3A_536 : i32
        %add3A_538 = arith.constant 9 : i32
        %add3A_539 = arith.addi %mul3A_537, %add3A_538 : i32
        %get3A_540 = arith.index_cast %add3A_539 : i32 to index
        %get3A_541 = arith.constant 0 : index
        %get3A_542 = tpu.vector_load %arg6[%get3A_540, %get3A_541] {strides = array<i32>} : memref<2560x32xf32, #tpu.memory_space<vmem>>, vector<1x16xf32>,
        %get3A_543 = vector.shape_cast %get3A_542 : vector<1x16xf32> to vector<16xf32>
        %add3A_544 = arith.addf %add3A_535, %get3A_543 : vector<16xf32>
        %mul3A_545 = arith.constant 20 : i32
        %mul3A_546 = arith.muli %scan3A_458, %mul3A_545 : i32
        %add3A_547 = arith.constant 10 : i32
        %add3A_548 = arith.addi %mul3A_546, %add3A_547 : i32
        %get3A_549 = arith.index_cast %add3A_548 : i32 to index
        %get3A_550 = arith.constant 0 : index
        %get3A_551 = tpu.vector_load %arg6[%get3A_549, %get3A_550] {strides = array<i32>} : memref<2560x32xf32, #tpu.memory_space<vmem>>, vector<1x16xf32>,
        %get3A_552 = vector.shape_cast %get3A_551 : vector<1x16xf32> to vector<16xf32>
        %add3A_553 = arith.addf %add3A_544, %get3A_552 : vector<16xf32>
        %mul3A_554 = arith.constant 20 : i32
        %mul3A_555 = arith.muli %scan3A_458, %mul3A_554 : i32
        %add3A_556 = arith.constant 11 : i32
        %add3A_557 = arith.addi %mul3A_555, %add3A_556 : i32
        %get3A_558 = arith.index_cast %add3A_557 : i32 to index
        %get3A_559 = arith.constant 0 : index
        %get3A_560 = tpu.vector_load %arg6[%get3A_558, %get3A_559] {strides = array<i32>} : memref<2560x32xf32, #tpu.memory_space<vmem>>, vector<1x16xf32>,
        %get3A_561 = vector.shape_cast %get3A_560 : vector<1x16xf32> to vector<16xf32>
        %add3A_562 = arith.addf %add3A_553, %get3A_561 : vector<16xf32>
        %mul3A_563 = arith.constant 20 : i32
        %mul3A_564 = arith.muli %scan3A_458, %mul3A_563 : i32
        %add3A_565 = arith.constant 12 : i32
        %add3A_566 = arith.addi %mul3A_564, %add3A_565 : i32
        %get3A_567 = arith.index_cast %add3A_566 : i32 to index
        %get3A_568 = arith.constant 0 : index
        %get3A_569 = tpu.vector_load %arg6[%get3A_567, %get3A_568] {strides = array<i32>} : memref<2560x32xf32, #tpu.memory_space<vmem>>, vector<1x16xf32>,
        %get3A_570 = vector.shape_cast %get3A_569 : vector<1x16xf32> to vector<16xf32>
        %add3A_571 = arith.addf %add3A_562, %get3A_570 : vector<16xf32>
        %mul3A_572 = arith.constant 20 : i32
        %mul3A_573 = arith.muli %scan3A_458, %mul3A_572 : i32
        %add3A_574 = arith.constant 13 : i32
        %add3A_575 = arith.addi %mul3A_573, %add3A_574 : i32
        %get3A_576 = arith.index_cast %add3A_575 : i32 to index
        %get3A_577 = arith.constant 0 : index
        %get3A_578 = tpu.vector_load %arg6[%get3A_576, %get3A_577] {strides = array<i32>} : memref<2560x32xf32, #tpu.memory_space<vmem>>, vector<1x16xf32>,
        %get3A_579 = vector.shape_cast %get3A_578 : vector<1x16xf32> to vector<16xf32>
        %add3A_580 = arith.addf %add3A_571, %get3A_579 : vector<16xf32>
        %mul3A_581 = arith.constant 20 : i32
        %mul3A_582 = arith.muli %scan3A_458, %mul3A_581 : i32
        %add3A_583 = arith.constant 14 : i32
        %add3A_584 = arith.addi %mul3A_582, %add3A_583 : i32
        %get3A_585 = arith.index_cast %add3A_584 : i32 to index
        %get3A_586 = arith.constant 0 : index
        %get3A_587 = tpu.vector_load %arg6[%get3A_585, %get3A_586] {strides = array<i32>} : memref<2560x32xf32, #tpu.memory_space<vmem>>, vector<1x16xf32>,
        %get3A_588 = vector.shape_cast %get3A_587 : vector<1x16xf32> to vector<16xf32>
        %add3A_589 = arith.addf %add3A_580, %get3A_588 : vector<16xf32>
        %mul3A_590 = arith.constant 20 : i32
        %mul3A_591 = arith.muli %scan3A_458, %mul3A_590 : i32
        %add3A_592 = arith.constant 15 : i32
        %add3A_593 = arith.addi %mul3A_591, %add3A_592 : i32
        %get3A_594 = arith.index_cast %add3A_593 : i32 to index
        %get3A_595 = arith.constant 0 : index
        %get3A_596 = tpu.vector_load %arg6[%get3A_594, %get3A_595] {strides = array<i32>} : memref<2560x32xf32, #tpu.memory_space<vmem>>, vector<1x16xf32>,
        %get3A_597 = vector.shape_cast %get3A_596 : vector<1x16xf32> to vector<16xf32>
        %add3A_598 = arith.addf %add3A_589, %get3A_597 : vector<16xf32>
        %mul3A_599 = arith.constant 20 : i32
        %mul3A_600 = arith.muli %scan3A_458, %mul3A_599 : i32
        %add3A_601 = arith.constant 16 : i32
        %add3A_602 = arith.addi %mul3A_600, %add3A_601 : i32
        %get3A_603 = arith.index_cast %add3A_602 : i32 to index
        %get3A_604 = arith.constant 0 : index
        %get3A_605 = tpu.vector_load %arg6[%get3A_603, %get3A_604] {strides = array<i32>} : memref<2560x32xf32, #tpu.memory_space<vmem>>, vector<1x16xf32>,
        %get3A_606 = vector.shape_cast %get3A_605 : vector<1x16xf32> to vector<16xf32>
        %add3A_607 = arith.addf %add3A_598, %get3A_606 : vector<16xf32>
        %mul3A_608 = arith.constant 20 : i32
        %mul3A_609 = arith.muli %scan3A_458, %mul3A_608 : i32
        %add3A_610 = arith.constant 17 : i32
        %add3A_611 = arith.addi %mul3A_609, %add3A_610 : i32
        %get3A_612 = arith.index_cast %add3A_611 : i32 to index
        %get3A_613 = arith.constant 0 : index
        %get3A_614 = tpu.vector_load %arg6[%get3A_612, %get3A_613] {strides = array<i32>} : memref<2560x32xf32, #tpu.memory_space<vmem>>, vector<1x16xf32>,
        %get3A_615 = vector.shape_cast %get3A_614 : vector<1x16xf32> to vector<16xf32>
        %add3A_616 = arith.addf %add3A_607, %get3A_615 : vector<16xf32>
        %mul3A_617 = arith.constant 20 : i32
        %mul3A_618 = arith.muli %scan3A_458, %mul3A_617 : i32
        %add3A_619 = arith.constant 18 : i32
        %add3A_620 = arith.addi %mul3A_618, %add3A_619 : i32
        %get3A_621 = arith.index_cast %add3A_620 : i32 to index
        %get3A_622 = arith.constant 0 : index
        %get3A_623 = tpu.vector_load %arg6[%get3A_621, %get3A_622] {strides = array<i32>} : memref<2560x32xf32, #tpu.memory_space<vmem>>, vector<1x16xf32>,
        %get3A_624 = vector.shape_cast %get3A_623 : vector<1x16xf32> to vector<16xf32>
        %add3A_625 = arith.addf %add3A_616, %get3A_624 : vector<16xf32>
        %mul3A_626 = arith.constant 20 : i32
        %mul3A_627 = arith.muli %scan3A_458, %mul3A_626 : i32
        %add3A_628 = arith.constant 19 : i32
        %add3A_629 = arith.addi %mul3A_627, %add3A_628 : i32
        %get3A_630 = arith.index_cast %add3A_629 : i32 to index
        %get3A_631 = arith.constant 0 : index
        %get3A_632 = tpu.vector_load %arg6[%get3A_630, %get3A_631] {strides = array<i32>} : memref<2560x32xf32, #tpu.memory_space<vmem>>, vector<1x16xf32>,
        %get3A_633 = vector.shape_cast %get3A_632 : vector<1x16xf32> to vector<16xf32>
        %add3A_634 = arith.addf %add3A_625, %get3A_633 : vector<16xf32>
        %mul3A_635 = arith.constant 5.000000e-02 : f32
        %mul3A_636 = vector.broadcast %mul3A_635 : f32 to vector<16xf32>
        %mul3A_637 = arith.mulf %add3A_634, %mul3A_636 : vector<16xf32>
        %swap3A = arith.index_cast %scan3A_458 : i32 to index
        %swap3A_638 = arith.constant 0 : index
        %swap3A_639 = tpu.vector_load %arg7[%swap3A, %swap3A_638] {strides = array<i32>} : memref<128x32xf32, #tpu.memory_space<vmem>>, vector<1x16xf32>,
        %swap3A_640 = vector.shape_cast %swap3A_639 : vector<1x16xf32> to vector<16xf32>
        %swap3A_641 = vector.shape_cast %mul3A_637 : vector<16xf32> to vector<1x16xf32>
        tpu.vector_store %arg7[%swap3A, %swap3A_638], %swap3A_641 {strides = array<i32>} : memref<128x32xf32, #tpu.memory_space<vmem>>, vector<1x16xf32>,
        %mul3A_642 = arith.constant 20 : i32
        %mul3A_643 = arith.muli %scan3A_458, %mul3A_642 : i32
        %get3A_644 = arith.index_cast %mul3A_643 : i32 to index
        %get3A_645 = arith.constant 16 : index
        %get3A_646 = tpu.vector_load %arg6[%get3A_644, %get3A_645] {strides = array<i32>} : memref<2560x32xf32, #tpu.memory_space<vmem>>, vector<1x16xf32>,
        %get3A_647 = vector.shape_cast %get3A_646 : vector<1x16xf32> to vector<16xf32>
        %mul3A_648 = arith.constant 20 : i32
        %mul3A_649 = arith.muli %scan3A_458, %mul3A_648 : i32
        %add3A_650 = arith.constant 1 : i32
        %add3A_651 = arith.addi %mul3A_649, %add3A_650 : i32
        %get3A_652 = arith.index_cast %add3A_651 : i32 to index
        %get3A_653 = arith.constant 16 : index
        %get3A_654 = tpu.vector_load %arg6[%get3A_652, %get3A_653] {strides = array<i32>} : memref<2560x32xf32, #tpu.memory_space<vmem>>, vector<1x16xf32>,
        %get3A_655 = vector.shape_cast %get3A_654 : vector<1x16xf32> to vector<16xf32>
        %add3A_656 = arith.addf %get3A_647, %get3A_655 : vector<16xf32>
        %mul3A_657 = arith.constant 20 : i32
        %mul3A_658 = arith.muli %scan3A_458, %mul3A_657 : i32
        %add3A_659 = arith.constant 2 : i32
        %add3A_660 = arith.addi %mul3A_658, %add3A_659 : i32
        %get3A_661 = arith.index_cast %add3A_660 : i32 to index
        %get3A_662 = arith.constant 16 : index
        %get3A_663 = tpu.vector_load %arg6[%get3A_661, %get3A_662] {strides = array<i32>} : memref<2560x32xf32, #tpu.memory_space<vmem>>, vector<1x16xf32>,
        %get3A_664 = vector.shape_cast %get3A_663 : vector<1x16xf32> to vector<16xf32>
        %add3A_665 = arith.addf %add3A_656, %get3A_664 : vector<16xf32>
        %mul3A_666 = arith.constant 20 : i32
        %mul3A_667 = arith.muli %scan3A_458, %mul3A_666 : i32
        %add3A_668 = arith.constant 3 : i32
        %add3A_669 = arith.addi %mul3A_667, %add3A_668 : i32
        %get3A_670 = arith.index_cast %add3A_669 : i32 to index
        %get3A_671 = arith.constant 16 : index
        %get3A_672 = tpu.vector_load %arg6[%get3A_670, %get3A_671] {strides = array<i32>} : memref<2560x32xf32, #tpu.memory_space<vmem>>, vector<1x16xf32>,
        %get3A_673 = vector.shape_cast %get3A_672 : vector<1x16xf32> to vector<16xf32>
        %add3A_674 = arith.addf %add3A_665, %get3A_673 : vector<16xf32>
        %mul3A_675 = arith.constant 20 : i32
        %mul3A_676 = arith.muli %scan3A_458, %mul3A_675 : i32
        %add3A_677 = arith.constant 4 : i32
        %add3A_678 = arith.addi %mul3A_676, %add3A_677 : i32
        %get3A_679 = arith.index_cast %add3A_678 : i32 to index
        %get3A_680 = arith.constant 16 : index
        %get3A_681 = tpu.vector_load %arg6[%get3A_679, %get3A_680] {strides = array<i32>} : memref<2560x32xf32, #tpu.memory_space<vmem>>, vector<1x16xf32>,
        %get3A_682 = vector.shape_cast %get3A_681 : vector<1x16xf32> to vector<16xf32>
        %add3A_683 = arith.addf %add3A_674, %get3A_682 : vector<16xf32>
        %mul3A_684 = arith.constant 20 : i32
        %mul3A_685 = arith.muli %scan3A_458, %mul3A_684 : i32
        %add3A_686 = arith.constant 5 : i32
        %add3A_687 = arith.addi %mul3A_685, %add3A_686 : i32
        %get3A_688 = arith.index_cast %add3A_687 : i32 to index
        %get3A_689 = arith.constant 16 : index
        %get3A_690 = tpu.vector_load %arg6[%get3A_688, %get3A_689] {strides = array<i32>} : memref<2560x32xf32, #tpu.memory_space<vmem>>, vector<1x16xf32>,
        %get3A_691 = vector.shape_cast %get3A_690 : vector<1x16xf32> to vector<16xf32>
        %add3A_692 = arith.addf %add3A_683, %get3A_691 : vector<16xf32>
        %mul3A_693 = arith.constant 20 : i32
        %mul3A_694 = arith.muli %scan3A_458, %mul3A_693 : i32
        %add3A_695 = arith.constant 6 : i32
        %add3A_696 = arith.addi %mul3A_694, %add3A_695 : i32
        %get3A_697 = arith.index_cast %add3A_696 : i32 to index
        %get3A_698 = arith.constant 16 : index
        %get3A_699 = tpu.vector_load %arg6[%get3A_697, %get3A_698] {strides = array<i32>} : memref<2560x32xf32, #tpu.memory_space<vmem>>, vector<1x16xf32>,
        %get3A_700 = vector.shape_cast %get3A_699 : vector<1x16xf32> to vector<16xf32>
        %add3A_701 = arith.addf %add3A_692, %get3A_700 : vector<16xf32>
        %mul3A_702 = arith.constant 20 : i32
        %mul3A_703 = arith.muli %scan3A_458, %mul3A_702 : i32
        %add3A_704 = arith.constant 7 : i32
        %add3A_705 = arith.addi %mul3A_703, %add3A_704 : i32
        %get3A_706 = arith.index_cast %add3A_705 : i32 to index
        %get3A_707 = arith.constant 16 : index
        %get3A_708 = tpu.vector_load %arg6[%get3A_706, %get3A_707] {strides = array<i32>} : memref<2560x32xf32, #tpu.memory_space<vmem>>, vector<1x16xf32>,
        %get3A_709 = vector.shape_cast %get3A_708 : vector<1x16xf32> to vector<16xf32>
        %add3A_710 = arith.addf %add3A_701, %get3A_709 : vector<16xf32>
        %mul3A_711 = arith.constant 20 : i32
        %mul3A_712 = arith.muli %scan3A_458, %mul3A_711 : i32
        %add3A_713 = arith.constant 8 : i32
        %add3A_714 = arith.addi %mul3A_712, %add3A_713 : i32
        %get3A_715 = arith.index_cast %add3A_714 : i32 to index
        %get3A_716 = arith.constant 16 : index
        %get3A_717 = tpu.vector_load %arg6[%get3A_715, %get3A_716] {strides = array<i32>} : memref<2560x32xf32, #tpu.memory_space<vmem>>, vector<1x16xf32>,
        %get3A_718 = vector.shape_cast %get3A_717 : vector<1x16xf32> to vector<16xf32>
        %add3A_719 = arith.addf %add3A_710, %get3A_718 : vector<16xf32>
        %mul3A_720 = arith.constant 20 : i32
        %mul3A_721 = arith.muli %scan3A_458, %mul3A_720 : i32
        %add3A_722 = arith.constant 9 : i32
        %add3A_723 = arith.addi %mul3A_721, %add3A_722 : i32
        %get3A_724 = arith.index_cast %add3A_723 : i32 to index
        %get3A_725 = arith.constant 16 : index
        %get3A_726 = tpu.vector_load %arg6[%get3A_724, %get3A_725] {strides = array<i32>} : memref<2560x32xf32, #tpu.memory_space<vmem>>, vector<1x16xf32>,
        %get3A_727 = vector.shape_cast %get3A_726 : vector<1x16xf32> to vector<16xf32>
        %add3A_728 = arith.addf %add3A_719, %get3A_727 : vector<16xf32>
        %mul3A_729 = arith.constant 20 : i32
        %mul3A_730 = arith.muli %scan3A_458, %mul3A_729 : i32
        %add3A_731 = arith.constant 10 : i32
        %add3A_732 = arith.addi %mul3A_730, %add3A_731 : i32
        %get3A_733 = arith.index_cast %add3A_732 : i32 to index
        %get3A_734 = arith.constant 16 : index
        %get3A_735 = tpu.vector_load %arg6[%get3A_733, %get3A_734] {strides = array<i32>} : memref<2560x32xf32, #tpu.memory_space<vmem>>, vector<1x16xf32>,
        %get3A_736 = vector.shape_cast %get3A_735 : vector<1x16xf32> to vector<16xf32>
        %add3A_737 = arith.addf %add3A_728, %get3A_736 : vector<16xf32>
        %mul3A_738 = arith.constant 20 : i32
        %mul3A_739 = arith.muli %scan3A_458, %mul3A_738 : i32
        %add3A_740 = arith.constant 11 : i32
        %add3A_741 = arith.addi %mul3A_739, %add3A_740 : i32
        %get3A_742 = arith.index_cast %add3A_741 : i32 to index
        %get3A_743 = arith.constant 16 : index
        %get3A_744 = tpu.vector_load %arg6[%get3A_742, %get3A_743] {strides = array<i32>} : memref<2560x32xf32, #tpu.memory_space<vmem>>, vector<1x16xf32>,
        %get3A_745 = vector.shape_cast %get3A_744 : vector<1x16xf32> to vector<16xf32>
        %add3A_746 = arith.addf %add3A_737, %get3A_745 : vector<16xf32>
        %mul3A_747 = arith.constant 20 : i32
        %mul3A_748 = arith.muli %scan3A_458, %mul3A_747 : i32
        %add3A_749 = arith.constant 12 : i32
        %add3A_750 = arith.addi %mul3A_748, %add3A_749 : i32
        %get3A_751 = arith.index_cast %add3A_750 : i32 to index
        %get3A_752 = arith.constant 16 : index
        %get3A_753 = tpu.vector_load %arg6[%get3A_751, %get3A_752] {strides = array<i32>} : memref<2560x32xf32, #tpu.memory_space<vmem>>, vector<1x16xf32>,
        %get3A_754 = vector.shape_cast %get3A_753 : vector<1x16xf32> to vector<16xf32>
        %add3A_755 = arith.addf %add3A_746, %get3A_754 : vector<16xf32>
        %mul3A_756 = arith.constant 20 : i32
        %mul3A_757 = arith.muli %scan3A_458, %mul3A_756 : i32
        %add3A_758 = arith.constant 13 : i32
        %add3A_759 = arith.addi %mul3A_757, %add3A_758 : i32
        %get3A_760 = arith.index_cast %add3A_759 : i32 to index
        %get3A_761 = arith.constant 16 : index
        %get3A_762 = tpu.vector_load %arg6[%get3A_760, %get3A_761] {strides = array<i32>} : memref<2560x32xf32, #tpu.memory_space<vmem>>, vector<1x16xf32>,
        %get3A_763 = vector.shape_cast %get3A_762 : vector<1x16xf32> to vector<16xf32>
        %add3A_764 = arith.addf %add3A_755, %get3A_763 : vector<16xf32>
        %mul3A_765 = arith.constant 20 : i32
        %mul3A_766 = arith.muli %scan3A_458, %mul3A_765 : i32
        %add3A_767 = arith.constant 14 : i32
        %add3A_768 = arith.addi %mul3A_766, %add3A_767 : i32
        %get3A_769 = arith.index_cast %add3A_768 : i32 to index
        %get3A_770 = arith.constant 16 : index
        %get3A_771 = tpu.vector_load %arg6[%get3A_769, %get3A_770] {strides = array<i32>} : memref<2560x32xf32, #tpu.memory_space<vmem>>, vector<1x16xf32>,
        %get3A_772 = vector.shape_cast %get3A_771 : vector<1x16xf32> to vector<16xf32>
        %add3A_773 = arith.addf %add3A_764, %get3A_772 : vector<16xf32>
        %mul3A_774 = arith.constant 20 : i32
        %mul3A_775 = arith.muli %scan3A_458, %mul3A_774 : i32
        %add3A_776 = arith.constant 15 : i32
        %add3A_777 = arith.addi %mul3A_775, %add3A_776 : i32
        %get3A_778 = arith.index_cast %add3A_777 : i32 to index
        %get3A_779 = arith.constant 16 : index
        %get3A_780 = tpu.vector_load %arg6[%get3A_778, %get3A_779] {strides = array<i32>} : memref<2560x32xf32, #tpu.memory_space<vmem>>, vector<1x16xf32>,
        %get3A_781 = vector.shape_cast %get3A_780 : vector<1x16xf32> to vector<16xf32>
        %add3A_782 = arith.addf %add3A_773, %get3A_781 : vector<16xf32>
        %mul3A_783 = arith.constant 20 : i32
        %mul3A_784 = arith.muli %scan3A_458, %mul3A_783 : i32
        %add3A_785 = arith.constant 16 : i32
        %add3A_786 = arith.addi %mul3A_784, %add3A_785 : i32
        %get3A_787 = arith.index_cast %add3A_786 : i32 to index
        %get3A_788 = arith.constant 16 : index
        %get3A_789 = tpu.vector_load %arg6[%get3A_787, %get3A_788] {strides = array<i32>} : memref<2560x32xf32, #tpu.memory_space<vmem>>, vector<1x16xf32>,
        %get3A_790 = vector.shape_cast %get3A_789 : vector<1x16xf32> to vector<16xf32>
        %add3A_791 = arith.addf %add3A_782, %get3A_790 : vector<16xf32>
        %mul3A_792 = arith.constant 20 : i32
        %mul3A_793 = arith.muli %scan3A_458, %mul3A_792 : i32
        %add3A_794 = arith.constant 17 : i32
        %add3A_795 = arith.addi %mul3A_793, %add3A_794 : i32
        %get3A_796 = arith.index_cast %add3A_795 : i32 to index
        %get3A_797 = arith.constant 16 : index
        %get3A_798 = tpu.vector_load %arg6[%get3A_796, %get3A_797] {strides = array<i32>} : memref<2560x32xf32, #tpu.memory_space<vmem>>, vector<1x16xf32>,
        %get3A_799 = vector.shape_cast %get3A_798 : vector<1x16xf32> to vector<16xf32>
        %add3A_800 = arith.addf %add3A_791, %get3A_799 : vector<16xf32>
        %mul3A_801 = arith.constant 20 : i32
        %mul3A_802 = arith.muli %scan3A_458, %mul3A_801 : i32
        %add3A_803 = arith.constant 18 : i32
        %add3A_804 = arith.addi %mul3A_802, %add3A_803 : i32
        %get3A_805 = arith.index_cast %add3A_804 : i32 to index
        %get3A_806 = arith.constant 16 : index
        %get3A_807 = tpu.vector_load %arg6[%get3A_805, %get3A_806] {strides = array<i32>} : memref<2560x32xf32, #tpu.memory_space<vmem>>, vector<1x16xf32>,
        %get3A_808 = vector.shape_cast %get3A_807 : vector<1x16xf32> to vector<16xf32>
        %add3A_809 = arith.addf %add3A_800, %get3A_808 : vector<16xf32>
        %mul3A_810 = arith.constant 20 : i32
        %mul3A_811 = arith.muli %scan3A_458, %mul3A_810 : i32
        %add3A_812 = arith.constant 19 : i32
        %add3A_813 = arith.addi %mul3A_811, %add3A_812 : i32
        %get3A_814 = arith.index_cast %add3A_813 : i32 to index
        %get3A_815 = arith.constant 16 : index
        %get3A_816 = tpu.vector_load %arg6[%get3A_814, %get3A_815] {strides = array<i32>} : memref<2560x32xf32, #tpu.memory_space<vmem>>, vector<1x16xf32>,
        %get3A_817 = vector.shape_cast %get3A_816 : vector<1x16xf32> to vector<16xf32>
        %add3A_818 = arith.addf %add3A_809, %get3A_817 : vector<16xf32>
        %mul3A_819 = arith.constant 5.000000e-02 : f32
        %mul3A_820 = vector.broadcast %mul3A_819 : f32 to vector<16xf32>
        %mul3A_821 = arith.mulf %add3A_818, %mul3A_820 : vector<16xf32>
        %swap3A_822 = arith.index_cast %scan3A_458 : i32 to index
        %swap3A_823 = arith.constant 16 : index
        %swap3A_824 = tpu.vector_load %arg7[%swap3A_822, %swap3A_823] {strides = array<i32>} : memref<128x32xf32, #tpu.memory_space<vmem>>, vector<1x16xf32>,
        %swap3A_825 = vector.shape_cast %swap3A_824 : vector<1x16xf32> to vector<16xf32>
        %swap3A_826 = vector.shape_cast %mul3A_821 : vector<16xf32> to vector<1x16xf32>
        tpu.vector_store %arg7[%swap3A_822, %swap3A_823], %swap3A_826 {strides = array<i32>} : memref<128x32xf32, #tpu.memory_space<vmem>>, vector<1x16xf32>,
      }
      %scan3A_454 = arith.constant 128 : i32
      %mul3A_455 = arith.constant 128 : i32
      %mul3A_456 = arith.muli %scan3A_10, %mul3A_455 : i32
      %add3A_457 = arith.addi %mul3A_2, %mul3A_456 : i32
      "tpu.region"() ({
        %run_scoped3A = tpu.sem_alloc : memref<!tpu.dma_semaphore, #tpu.memory_space<semaphore_mem>>
        %dma_start3A_458 = arith.constant 0 : i32
        %dma_start3A_459 = tpu.memref_slice %arg4[%add3A_457, %dma_start3A_458] : memref<16384x32xf32, #tpu.memory_space<hbm>> -> memref<128x32xf32, #tpu.memory_space<hbm>>
        %dma_start3A_460 = arith.constant 0 : i32
        %dma_start3A_461 = tpu.memref_slice %arg4[%add3A_457, %dma_start3A_460] : memref<16384x32xf32, #tpu.memory_space<hbm>> -> memref<128x32xf32, #tpu.memory_space<hbm>>
        tpu.enqueue_dma source(%arg7 : memref<128x32xf32, #tpu.memory_space<vmem>>) target(%dma_start3A_461 : memref<128x32xf32, #tpu.memory_space<hbm>>) target_semaphore(%run_scoped3A : memref<!tpu.dma_semaphore, #tpu.memory_space<semaphore_mem>>)
        %dma_wait3A_462 = arith.constant 0 : i32
        %dma_wait3A_463 = tpu.memref_slice %arg4[%add3A_457, %dma_wait3A_462] : memref<16384x32xf32, #tpu.memory_space<hbm>> -> memref<128x32xf32, #tpu.memory_space<hbm>>
        %dma_wait3A_464 = arith.constant 0 : i32
        %dma_wait3A_465 = tpu.memref_slice %arg4[%add3A_457, %dma_wait3A_464] : memref<16384x32xf32, #tpu.memory_space<hbm>> -> memref<128x32xf32, #tpu.memory_space<hbm>>
        tpu.wait_dma2 semaphore(%run_scoped3A : memref<!tpu.dma_semaphore, #tpu.memory_space<semaphore_mem>>) src(%arg7 : memref<128x32xf32, #tpu.memory_space<vmem>>) dst(%dma_wait3A_465 : memref<128x32xf32, #tpu.memory_space<hbm>>)
        tpu.yield
      }) : () -> ()
    }
    %scan3A_9 = arith.constant 4 : i32
    return
  }
}

</mosaic_0001>

<sc_bundles>
// kernel: kernel.4.cloned.1.call-start
scs
__scs_entry_jumppad:
0x0: {  	(pc) =	sbr.rel $0x88, $3  }
0x1: {  	(tag) =	ssettag $0x0;
	lr =	simm.s32 $0x1  }
0x2: {  	[smem:$0x3F9F] =	sst lr;
	_ =	strace $0xD0000000  }
0x3: {  	_ = 	snop  }
0x4: {  	_ = 	snop  }
0x5: {  	_ = 	snop  }
0x6: {  	_ = 	snop  }
0x7: {  	_ = 	snop  }
__scs_overlays_trampoline_lowered:
0x8: {  	[smem:$0x3FAE] =	sst s0  }
0x9: {  	[smem:$0x3FAF] =	sst s1  }
0xa: {  	[smem:$0x3FB0] =	sst s2  }
0xb: {  	[smem:$0x3FB1] =	sst s3  }
0xc: {  	[smem:$0x3FB2] =	sst s4  }
0xd: {  	[smem:$0x3FB3] =	sst s5  }
0xe: {  	[smem:$0x3FB4] =	sst s6  }
0xf: {  	[smem:$0x3FB5] =	sst s7  }
0x10: {  	[smem:$0x3FB6] =	sst s8  }
0x11: {  	[smem:$0x3FB7] =	sst s9;
	s0 =	simm.s32 @!p0 $0x0  }
0x12: {  	s1 =	sld [smem:$0x3F9D];
	s0 =	simm.s32 @p0 $0x1  }
0x13: {  	[smem:$0x3FB8] =	sst s0;
	s0 =	simm.s32 @!p1 $0x0  }
0x14: {  	s2 =	sld [smem:$0x3F9C];
	s0 =	simm.s32 @p1 $0x1  }
0x15: {  	[smem:$0x3FB9] =	sst s0;
	s0 =	simm.s32 @!p2 $0x0  }
0x16: {  	s3 =	sld [smem:$0x3FDB];
	s0 =	simm.s32 @p2 $0x1  }
0x17: {  	s4 =	simm.s32 $0x1BF5;
	[smem:$0x3FBB] =	sst s0  }
0x18: {  	s0 =	sld [smem:$0x3F9E];
	_ =	swait.ge [sflag:s4], $0x0  }
0x19: {  	s7 =	sld [smem:$0x3F9F]  }
0x1a: {  	s8 =	sadd.s32 $0xFFFFE003, lr  }
0x1b: {  	s9 =	sadd.s32 $0xFFFFFEF7, lr;
	s5 =	simm.s32 $0xFFFFFFFF;
	p2 =	slt.u32 s8, $0xFFFFF086  }
0x1c: {  	p1 =	slt.u32 s9, $0xF7A;
	s5 =	simm.s32 @!p2 $0x0  }
0x1d: {  	s5 =	simm.s32 @p1 $0x1;
	p0 =	seq.s32 s7, s2  }
0x1e: {  	s7 =	smul.u32 @!p0 $0xF7A, s2;
	p2 =	seq.s32 @!p0 s5, $0x0  }
0x1f: {  	s9 =	smul.u32 $0xF7A, s1;
	s8 =	simm.s32 @!p0 $0x1BF5;
	p2 =	por !p2, p0  }
0x20: {  	[sflag:s8] =	ssyncset.s32 @!p0 $0xFFFFF086;
	s6 =	sadd.s32 @!p0 s3, s7;
	s7 =	simm.s32 @!p0 $0x108  }
0x21: {  	s3 =	sadd.s32 s3, s9;
	s6 =	sadd.s32 @!p0 $0x88, s6;
	s7 =	simm.s32 @p2 $0x1082  }
0x22: {  	[simem:s7], [sflag:s8] =	dma.local @!p0 [hbm:s6], $0xF7A  }
0x23: {  	s9 =	sor.u32 $0xD0000000, s2;
	s6 =	simm.s32 $0x108;
	_ =	swait.ge @!p0 [sflag:s8], $0x0  }
0x24: {  	s3 =	sadd.s32 $0x88, s3;
	s6 =	simm.s32 @!p1 $0x1082;
	[sflag:s4] =	ssyncset.s32 $0xFFFFF086  }
0x25: {  	[simem:s6], [sflag:s4] =	dma.local [hbm:s3], $0xF7A  }
0x26: {  	[smem:$0x3F9F] =	sst s1;
	(tag) =	ssettag s2;
	_ =	strace s9  }
0x27: {  	s1 =	sld [smem:$0x3FAF]  }
0x28: {  	s2 =	sld [smem:$0x3FB0]  }
0x29: {  	s4 =	sld [smem:$0x3FB2]  }
0x2a: {  	p0 =	seq.s32 s5, $0x0;
	s5 =	sld [smem:$0x3FB3]  }
0x2b: {  	s6 =	sld [smem:$0x3FB4]  }
0x2c: {  	s7 =	sld [smem:$0x3FB5]  }
0x2d: {  	s3 =	simm.s32 $0x108;
	s8 =	sld [smem:$0x3FB6]  }
0x2e: {  	s3 =	simm.s32 @!p0 $0x1082;
	s9 =	sld [smem:$0x3FB7]  }
0x2f: {  	lr =	sadd.s32 s0, s3;
	s0 =	sld [smem:$0x3FAE]  }
0x30: {  	s3 =	sld [smem:$0x3FB1]  }
0x31: {  	[smem:$0x3FBA] =	sst s10  }
0x32: {  	s10 =	sld [smem:$0x3FB8];
	_ =	sdelay $0x3  }
0x33: {  	p0 =	seq.s32 s10, $0x1;
	s10 =	sld [smem:$0x3FBA];
	_ =	sdelay $0x3  }
0x34: {  	[smem:$0x3FBA] =	sst s10  }
0x35: {  	s10 =	sld [smem:$0x3FB9];
	_ =	sdelay $0x3  }
0x36: {  	p1 =	seq.s32 s10, $0x1;
	s10 =	sld [smem:$0x3FBA];
	_ =	sdelay $0x3  }
0x37: {  	[smem:$0x3FBA] =	sst s10  }
0x38: {  	s10 =	sld [smem:$0x3FBB]  }
0x39: {  	_ = 	snop;
	(pc) =	sbr.ind lr, $3  }
0x3a: {  	_ = 	snop  }
0x3b: {  	_ = 	snop  }
0x3c: {  	p2 =	seq.s32 s10, $0x1;
	s10 =	sld [smem:$0x3FBA]  }
0x3d: {  	_ =	shalt  }
0x3e: {  	_ =	shalt  }
0x3f: {  	_ =	shalt  }
0x40: {  	_ =	shalt  }
0x41: {  	_ =	shalt  }
0x42: {  	_ =	shalt  }
0x43: {  	_ =	shalt  }
0x44: {  	_ =	shalt  }
0x45: {  	_ =	shalt  }
0x46: {  	_ =	shalt  }
0x47: {  	_ =	shalt  }
0x48: {  	_ =	shalt  }
0x49: {  	_ =	shalt  }
0x4a: {  	_ =	shalt  }
0x4b: {  	_ =	shalt  }
0x4c: {  	_ =	shalt  }
0x4d: {  	_ =	shalt  }
0x4e: {  	_ =	shalt  }
0x4f: {  	_ =	shalt  }
0x50: {  	_ =	shalt  }
0x51: {  	_ =	shalt  }
0x52: {  	_ =	shalt  }
0x53: {  	_ =	shalt  }
0x54: {  	_ =	shalt  }
0x55: {  	_ =	shalt  }
0x56: {  	_ =	shalt  }
0x57: {  	_ =	shalt  }
0x58: {  	_ =	shalt  }
0x59: {  	_ =	shalt  }
0x5a: {  	_ =	shalt  }
0x5b: {  	_ =	shalt  }
0x5c: {  	_ =	shalt  }
0x5d: {  	_ =	shalt  }
0x5e: {  	_ =	shalt  }
0x5f: {  	_ =	shalt  }
0x60: {  	_ =	shalt  }
0x61: {  	_ =	shalt  }
0x62: {  	_ =	shalt  }
0x63: {  	_ =	shalt  }
0x64: {  	_ =	shalt  }
0x65: {  	_ =	shalt  }
0x66: {  	_ =	shalt  }
0x67: {  	_ =	shalt  }
0x68: {  	_ =	shalt  }
0x69: {  	_ =	shalt  }
0x6a: {  	_ =	shalt  }
0x6b: {  	_ =	shalt  }
0x6c: {  	_ =	shalt  }
0x6d: {  	_ =	shalt  }
0x6e: {  	_ =	shalt  }
0x6f: {  	_ =	shalt  }
0x70: {  	_ =	shalt  }
0x71: {  	_ =	shalt  }
0x72: {  	_ =	shalt  }
0x73: {  	_ =	shalt  }
0x74: {  	_ =	shalt  }
0x75: {  	_ =	shalt  }
0x76: {  	_ =	shalt  }
0x77: {  	_ =	shalt  }
0x78: {  	_ =	shalt  }
0x79: {  	_ =	shalt  }
0x7a: {  	_ =	shalt  }
0x7b: {  	_ =	shalt  }
0x7c: {  	_ =	shalt  }
0x7d: {  	_ =	shalt  }
0x7e: {  	_ =	shalt  }
0x7f: {  	_ =	shalt  }
0x80: {  	_ =	shalt  }
0x81: {  	_ =	shalt  }
0x82: {  	_ =	shalt  }
0x83: {  	_ =	shalt  }
0x84: {  	_ =	shalt  }
0x85: {  	_ =	shalt  }
0x86: {  	_ =	shalt  }
0x87: {  	_ =	shalt  }
.Lfunc_end0:
.L_simem_size_0:
called_computation_lowered:
.L_overlay_start_0:
0x88: {  	s2 =	sld [smem:$0x3FD9]  }
0x89: {  	s3 =	sld [smem:$0x3FFE];
	_ =	sdelay $0x1  }
0x8a: {  	s1 =	srdreg.scid  }
0x8b: {  	s0 =	sand.u32 $0x1, s1  }
0x8c: {  	s17 =	sshll.u32 s0, $0xA;
	s2 =	sadd.s32 s3, s2  }
0x8d: {  	s2 =	sadd.s32 s2, s17  }
0x8e: {  	[smem:$0x3FC6] =	sst s2  }
0x8f: {  	_ = 	snop  }
0x90: {  	s2 =	sld [smem:$0x3FC8]  }
0x91: {  	s18 =	sld [smem:$0x3FD0];
	(tm) =	ssettm $0x1  }
0x92: {  	s4 =	sld [smem:$0x3FFB];
	_ =	sdelay $0x3  }
0x93: {  	_ =	strace s4  }
0x94: {  	s4 =	sld [smem:$0x3FFC];
	_ =	sdelay $0x3  }
0x95: {  	_ =	strace s4  }
0x96: {  	s4 =	sld [smem:$0x3FFD];
	_ =	sdelay $0x3  }
0x97: {  	_ =	strace s4  }
0x98: {  	_ =	strace $0x8FFFFFFF  }
0x99: {  	s19 =	sld [smem:$0x3FDB];
	_ =	sdelay $0x1  }
0x9a: {  	s5 =	simm.s32 $_scs_section_size  }
0x9b: {  	s6 =	simm.s32 $_size__tile_overlayer_lowered;
	s7 =	simm.s32 $_tile_overlayer_lowered  }
0x9c: {  	s22 =	simm.s32 $0x1BFF;
	s21 =	sshll.u32 s7, $0x1;
	s4 =	sadd.s32 s5, s19  }
0x9d: {  	s8 =	simm.s32 $0x0;
	s20 =	sshll.u32 s6, $0x1;
	s6 =	sadd.s32 s21, s4  }
0x9e: {  	[timem:s8], [sflag:s22] =	dma.local [hbm:s6], s20  }
0x9f: {  	_ =	swait.ge [sflag:s22], s20  }
0xa0: {  	s5 =	ssub.s32 $0x0, s20;
	[sflag:s22] =	ssyncset.done $0x0  }
0xa1: {  	[sflag:s22] =	ssyncadd.s32 s5;
	_ =	sdelay $0x1  }
0xa2: {  	s23 =	simm.s32 $0x1B8B  }
0xa3: {  	_ =	swait.ge [sflag:s23], $0x1  }
0xa4: {  	[sflag:s23] =	ssyncset.done $0x0  }
0xa5: {  	s25 =	simm.s32 $0x1B8E;
	s24 =	sld [smem:$0x3FFE];
	[sflag:s23] =	ssyncadd.s32 $0xFFFFFFFF  }
0xa6: {  	s26 =	simm.s32 $execute0_lowered;
	[smem:$0x3FD2] =	sst s25  }
0xa7: {  	s6 =	sshll.u32 s26, $0x1;
	_ =	strace $0x80000046;
	[dreg:$0x1] =	wrdreg $0xFFFFFFFF  }
0xa8: {  	s28 =	simm.s32 $_size_execute0_lowered;
	s4 =	sadd.s32 s4, s6;
	[dreg:$0x0] =	wrdreg $0x0  }
0xa9: {  	s6 =	sshll.u32 s28, $0x1;
	[dreg:$0x2] =	wrdreg s4  }
0xaa: {  	[dreg:$0x3] =	wrdreg s6  }
0xab: {  	[dreg:$0x4] =	wrdreg $0xC0  }
0xac: {  	_ =	task [dreg:s8], $0x5FFFF  }
0xad: {  	[dreg:$0x1] =	wrdreg $0xFFFFFFFF  }
0xae: {  	[dreg:$0x0] =	wrdreg $0x60  }
0xaf: {  	[dreg:$0x2] =	wrdreg s2  }
0xb0: {  	[dreg:$0x3] =	wrdreg s18  }
0xb1: {  	[dreg:$0x4] =	wrdreg s24  }
0xb2: {  	[dreg:$0x5] =	wrdreg $0x9  }
0xb3: {  	_ =	task.clear_ibuf [dreg:s8], $0x6FFFF;
	_ =	strace $0x90000046  }
0xb4: {  	s29 =	simm.s32 $0x9;
	_ =	strace $0x80000048  }
0xb5: {  	_ =	swait.ge [sflag:s29], $0x1  }
0xb6: {  	[sflag:s29] =	ssyncadd.s32 $0xFFFFFFFF  }
0xb7: {  	_ =	strace $0x90000048  }
0xb8: {  	_ =	sfence  }
0xb9: {  	s30 =	sld [smem:$0x0];
	_ =	sdelay $0x2  }
0xba: {  	s31 =	sshll.u32 s1, $0xD;
	s1 =	sshrl.u32 s1, $0x2  }
0xbb: {  	s3 =	sand.u32 $0x4000, s31;
	s1 =	sadd.s32 s1, s30  }
0xbc: {  	s0 =	sor.u32 s3, s0;
	s1 =	sshll.u32 s1, $0x11  }
0xbd: {  	s0 =	sor.u32 s1, s0  }
0xbe: {  	s0 =	sadd.s32 $0x8F2B, s0  }
0xbf: {  	[sflag:s0] =	ssyncadd.remote.s32 $0x1  }
0xc0: {  	_ =	sfence.sel $0xFFFF  }
0xc1: {  	[dreg:$0x0] =	wrdreg $0xFFFFFFFF;
	(pc) =	sbr.abs _section_cstart, $3  }
0xc2: {  	[dreg:$0x1] =	wrdreg $0xFFFFFFFF  }
0xc3: {  	_ =	task.clear_ibuf [dreg:s8], $0x2FFFF;
	_ =	strace $0x9FFFFFFF  }
0xc4: {  	(tm) =	ssettm $0x7FFFFFFF  }
0xc5: {  	_ =	shalt  }
tec
execute0_lowered:
.L_overlay_start_1:
0x0: {  	(tag) =	ssettag $0x1  }
0x1: {  	s1 =	rddreg [dreg:$0x0]  }
0x2: {  	s0 =	rddreg [dreg:$0x2]  }
0x3: {  	s31 =	simm.s32 $0x0;
	s2 =	srdreg.scid;
	s4 =	stileid.u32  }
0x4: {  	s16 =	simm.s32 $0x1;
	s17 =	simm.s32 $0x2000;
	s18 =	simm.s32 $0x2  }
0x5: {  	s19 =	simm.s32 $0x3000;
	[smem:$0x7FF] =	sst s31;
	s3 =	sshll.u32 s4, $0x1  }
0x6: {  	s5 =	sadd.s32 $0xA00, s0;
	p0 =	seq.s32 s4, $0x0;
	s4 =	simm.s32 $0xF6  }
0x7: {  	s2 =	sand.u32 $0x1, s2;
	s0 =	sadd.s32 $0x3D1200, s0;
	_ =	strace $0x80000047  }
0x8: {  	s3 =	sor.u32 s2, s3;
	s2 =	ssub.s32 $0x2, s2;
	s4 =	simm.s32 @!p0 $0xF4  }
0x9: {  	[dreg:$0x7] =	wrdreg s0;
	s6 =	smul.u32 $0xF4, s3;
	s7 =	smin.u32 s3, $0x2  }
0xa: {  	s8 =	sshrl.u32 s2, $0x1;
	s29 =	sshrl.u32 s4, $0x1;
	s7 =	sshll.u32 s7, $0x1  }
.Ltmp0:
0xb: {  	s2 =	ssub.s32 s2, s8;
	s6 =	sadd.s32 s6, s7;
	(pc) =	sbr.rel .LBB2_1-.Ltmp0, $4  }
0xc: {  	[dreg:$0x5] =	wrdreg s29;
	s30 =	smax.u32 s2, $0x1;
	s26 =	sshll.u32 s6, $0x7  }
0xd: {  	v0 =	vlaneseq.u32;
	s10 =	smov.u32 s4;
	[dreg:$0x8] =	wrdreg s30;
	s28 =	sadd.s32 s1, s26  }
0xe: {  	v0 =	vmul.u32 $0x20, v0;
	s13 =	sadd.s32 $0xFFFFFFFE, s4;
	s1 =	sadd.s32 $0x80, s1;
	[dreg:$0x4] =	wrdreg s28  }
0xf: {  	p0 =	sne.s32 s3, $0x1F;
	s2 =	simm.s32 $0x0;
	[dreg:$0x6] =	wrdreg s1  }
.LBB2_9:
0x10: {  	s2 =	sadd.s32 $0x1, s2;
	s0 =	rddreg [dreg:$0x8]  }
0x11: {  	p1 =	sne.s32 s2, s0  }
.Ltmp1:
0x12: {  	_ = 	snop;
	(pc) =	sbr.rel @!p1 .LBB2_10-.Ltmp1, $1  }
0x13: {  	_ =	sdelay $0x3  }
.LBB2_1:
0x14: {  	[dreg:$0x9] =	wrdreg s2  }
0x15: {  	s0 =	rddreg [dreg:$0x4]  }
0x16: {  	s1 =	simm.s32 $0x400;
	s30 =	simm.s32 $0x7A1400;
	s25 =	simm.s32 $0x0  }
0x17: {  	[tilespmem:s31], [sflag:$0x1] =	stream.strided.gather [hbm4b:s0+s1], $0x1000, s30, s1, $0x38;
	[tilespmem:$0x6000] =	vst v63  }
.LBB2_2:
0x18: {  	s26 =	sshll.u32 s25, $0x1;
	s28 =	sshllo.u32 s25, $0x1;
	_ =	swait.ge [sflag:s16], $0x1000  }
0x19: {  	s30 =	simm.s32 $0x0;
	s21 =	simm.s32 $0x0;
	s22 =	simm.s32 $0x0  }
0x1a: {  	s29 =	sadd.s32 s6, s26;
	p1 =	sge.u32 s28, s10;
	[sflag:s16] =	ssyncset.done $0x0  }
0x1b: {  	s1 =	rddreg [dreg:$0x6];
	s11 =	sand.u32 $0x3FFFFFF0, s21;
	s0 =	sshll.u32 @!p1 s29, $0x7  }
0x1c: {  	[sflag:s16] =	ssyncadd.s32 $0xFFFFF000;
	s2 =	simm.s32 @!p1 $0x400;
	s0 =	sand.u32 @!p1 $0x1FFFFF00, s0  }
0x1d: {  	s3 =	simm.s32 @!p1 $0x7A1400;
	s8 =	simm.s32 @!p1 $0x1000;
	s0 =	sadd.s32 @!p1 s0, s1  }
0x1e: {  	[tilespmem:s8], [sflag:$0x2] =	stream.strided.gather @!p1 [hbm4b:s0+s2], $0x1000, s3, s2, $0x38;
	[tilespmem:$0x6000] =	vst v63  }
0x1f: {  	s31 =	sand.u32 $0xFFFFFE00, s22;
	p1 =	seq.s32 s25, $0x0;
	s8 =	sand.u32 $0x18, s30  }
0x20: {  	s0 =	simm.s32 @!p1 $0x3;
	s23 =	sor.u32 $0x7, s8;
	s12 =	sor.u32 $0x1, s8  }
0x21: {  	s20 =	sor.u32 $0x2, s8;
	s21 =	sor.u32 $0x3, s8;
	s3 =	sor.u32 $0x6, s8  }
0x22: {  	_ =	swait.ge @!p1 [sflag:s0], $0x1000;
	s24 =	sshll.u32 s23, $0x7;
	s14 =	sor.u32 s23, s31  }
0x23: {  	s23 =	sor.u32 $0x4, s8;
	s15 =	sshll.u32 s12, $0x7;
	[sflag:s0] =	ssyncset.done @!p1 $0x0  }
0x24: {  	s4 =	sshll.u32 s20, $0x7;
	s1 =	sadd.s32 s11, s24;
	[sflag:s0] =	ssyncadd.s32 @!p1 $0xFFFFF000  }
0x25: {  	s9 =	sshll.u32 s21, $0x7;
	s7 =	sshll.u32 s3, $0x7;
	v4 =	vor.u32 s14, v0;
	s22 =	sshll.u32 s23, $0x7;
	v1 =	vld [tilespmem:s1+$0x0]  }
0x26: {  	s24 =	sshll.u32 s8, $0x7;
	s15 =	sadd.s32 s11, s15;
	s4 =	sadd.s32 s11, s4  }
0x27: {  	s9 =	sadd.s32 s11, s9;
	s0 =	sor.u32 $0x5, s8;
	s2 =	sadd.s32 s11, s24  }
0x28: {  	s24 =	sor.u32 s12, s31;
	s1 =	sshll.u32 s0, $0x7;
	v2 =	vld [tilespmem:s15+$0x0];
	s15 =	sadd.s32 s11, s22  }
0x29: {  	s22 =	sadd.s32 s11, s7;
	v3 =	vld [tilespmem:s4+$0x0];
	s14 =	sadd.s32 s11, s1;
	s11 =	sor.u32 s8, s31  }
0x2a: {  	s12 =	sor.u32 s21, s31;
	v5 =	vor.u32 s24, v0;
	s8 =	sor.u32 s23, s31;
	[tilespmem:v4+s17+$0x0] =	vst.idx.msk $0xffff, v1;
	v1 =	vor.u32 s11, v0;
	s11 =	sor.u32 s20, s31;
	v4 =	vld [tilespmem:s9+$0x0]  }
.LBB2_3:
0x2b: {  	s30 =	sadd.s32 $0x8, s30;
	v6 =	vor.u32 s11, v0;
	v7 =	vor.u32 s12, v0;
	v8 =	vld [tilespmem:s15+$0x0];
	v9 =	vor.u32 s8, v0;
	s0 =	sor.u32 s0, s31;
	s1 =	sor.u32 s3, s31  }
0x2c: {  	s4 =	sand.u32 $0x18, s30;
	p2 =	slt.u32 s30, $0xF8;
	v10 =	vld [tilespmem:s14+$0x0];
	v11 =	vor.u32 s0, v0;
	v12 =	vor.u32 s1, v0;
	s0 =	sshrl.u32 s30, $0x1  }
0x2d: {  	s1 =	sshll.u32 s30, $0x4;
	s3 =	sor.u32 $0x7, s4;
	v13 =	vld [tilespmem:s22+$0x0];
	s7 =	sand.u32 $0x3FFFFFF0, s0  }
0x2e: {  	s31 =	sand.u32 $0xFFFFFE00, s1;
	s1 =	sor.u32 $0x1, s4;
	s0 =	sshll.u32 s3, $0x7;
	v14 =	vld [tilespmem:s2+$0x0]  }
0x2f: {  	s8 =	sor.u32 $0x2, s4;
	s2 =	sor.u32 s3, s31;
	s0 =	sadd.s32 s7, s0;
	[tilespmem:v5+s17+$0x0] =	vst.idx.msk $0xffff, v2  }
0x30: {  	s9 =	sor.u32 $0x3, s4;
	s20 =	sor.u32 $0x4, s4;
	s21 =	sshll.u32 s4, $0x7;
	v15 =	vor.u32 s2, v0;
	v5 =	vld [tilespmem:s0+$0x0];
	[tilespmem:v6+s17+$0x0] =	vst.idx.msk $0xffff, v3  }
0x31: {  	s3 =	sor.u32 $0x6, s4;
	s2 =	sshll.u32 s1, $0x7;
	s0 =	sor.u32 $0x5, s4;
	[tilespmem:v7+s17+$0x0] =	vst.idx.msk $0xffff, v4  }
0x32: {  	s11 =	sshll.u32 s8, $0x7;
	s12 =	sshll.u32 s9, $0x7;
	s14 =	sshll.u32 s20, $0x7;
	[tilespmem:v9+s17+$0x0] =	vst.idx.msk $0xffff, v8  }
.Ltmp2:
0x33: {  	s23 =	sshll.u32 s3, $0x7;
	s22 =	sshll.u32 s0, $0x7;
	[tilespmem:v11+s17+$0x0] =	vst.idx.msk $0xffff, v10;
	(pc) =	sbr.rel @p2 .LBB2_3-.Ltmp2, $4  }
0x34: {  	s11 =	sadd.s32 s7, s11;
	s12 =	sadd.s32 s7, s12;
	s2 =	sadd.s32 s7, s2;
	[tilespmem:v12+s17+$0x0] =	vst.idx.msk $0xffff, v13  }
0x35: {  	s15 =	sadd.s32 s7, s14;
	s14 =	sadd.s32 s7, s22;
	s22 =	sadd.s32 s7, s23;
	v2 =	vld [tilespmem:s2+$0x0];
	[tilespmem:v15+s17+$0x0] =	vst.idx.msk $0xffff, v5  }
0x36: {  	s1 =	sor.u32 s1, s31;
	s4 =	sor.u32 s4, s31;
	s2 =	sadd.s32 s7, s21;
	v3 =	vld [tilespmem:s11+$0x0];
	[tilespmem:v1+s17+$0x0] =	vst.idx.msk $0xffff, v14  }
0x37: {  	v5 =	vor.u32 s1, v0;
	v1 =	vor.u32 s4, v0;
	s11 =	sor.u32 s8, s31;
	s8 =	sor.u32 s20, s31;
	v4 =	vld [tilespmem:s12+$0x0];
	s12 =	sor.u32 s9, s31  }
0x38: {  	v6 =	vor.u32 s11, v0  }
0x39: {  	v7 =	vor.u32 s12, v0  }
0x3a: {  	v8 =	vld [tilespmem:s15+$0x0];
	v9 =	vor.u32 s8, v0;
	s0 =	sor.u32 s0, s31  }
0x3b: {  	s1 =	sor.u32 s3, s31;
	v10 =	vld [tilespmem:s14+$0x0];
	v11 =	vor.u32 s0, v0  }
0x3c: {  	v13 =	vld [tilespmem:s22+$0x0];
	v12 =	vor.u32 s1, v0;
	[tilespmem:v5+s17+$0x0] =	vst.idx.msk $0xffff, v2  }
0x3d: {  	v2 =	vld [tilespmem:s2+$0x0];
	[tilespmem:v6+s17+$0x0] =	vst.idx.msk $0xffff, v3  }
0x3e: {  	[tilespmem:v7+s17+$0x0] =	vst.idx.msk $0xffff, v4  }
0x3f: {  	[tilespmem:v9+s17+$0x0] =	vst.idx.msk $0xffff, v8  }
0x40: {  	s14 =	sshll.u32 s29, $0x9;
	[tilespmem:v11+s17+$0x0] =	vst.idx.msk $0xffff, v10  }
0x41: {  	s0 =	sand.u32 $0x1FFFFC00, s14;
	[tilespmem:v12+s17+$0x0] =	vst.idx.msk $0xffff, v13  }
0x42: {  	s31 =	simm.s32 $0x0;
	s28 =	sadd.s32 s6, s28;
	s0 =	sadd.s32 s5, s0;
	[tilespmem:v1+s17+$0x0] =	vst.idx.msk $0xffff, v2  }
0x43: {  	[hbm4b:s0+s31] =	stream.linear.scatter [tilespmem:s17], [sflag:$0x3], $0x1000, $0x38;
	[tilespmem:$0x6000] =	vst v63  }
0x44: {  	p2 =	sge.u32 s26, s13;
	s26 =	simm.s32 $0x0;
	_ =	swait.ge [sflag:s18], $0x1000  }
0x45: {  	s15 =	simm.s32 $0x0;
	s0 =	sshll.u32 @!p2 s28, $0x7;
	[sflag:s18] =	ssyncset.done $0x0  }
0x46: {  	s20 =	simm.s32 $0x0;
	s0 =	sand.u32 @!p2 $0x1FFFFF80, s0;
	s1 =	rddreg [dreg:$0x0]  }
0x47: {  	s3 =	simm.s32 @!p2 $0x0;
	s2 =	simm.s32 @!p2 $0x7A1400;
	s0 =	sadd.s32 @!p2 s1, s0  }
0x48: {  	[sflag:s18] =	ssyncadd.s32 $0xFFFFF000;
	s1 =	simm.s32 @!p2 $0x400;
	s0 =	sadd.s32 @!p2 $0x80, s0  }
0x49: {  	[tilespmem:s3], [sflag:$0x1] =	stream.strided.gather @!p2 [hbm4b:s0+s1], $0x1000, s2, s1, $0x38;
	[tilespmem:$0x6000] =	vst v63  }
0x4a: {  	s4 =	sand.u32 $0x3FFFFFF0, s15;
	s0 =	simm.s32 @!p1 $0x4;
	s1 =	sand.u32 $0x18, s26  }
0x4b: {  	s29 =	sand.u32 $0xFFFFFE00, s20;
	_ =	swait.ge @!p1 [sflag:s0], $0x1000;
	s21 =	sor.u32 $0x7, s1  }
0x4c: {  	s7 =	sor.u32 $0x1, s1;
	s9 =	sor.u32 $0x2, s1;
	s11 =	sor.u32 $0x3, s1  }
0x4d: {  	s20 =	sor.u32 $0x4, s1;
	s3 =	sor.u32 $0x6, s1;
	[sflag:s0] =	ssyncset.done @!p1 $0x0  }
0x4e: {  	s22 =	sshll.u32 s21, $0x7;
	s24 =	sor.u32 s21, s29;
	s30 =	sshll.u32 s7, $0x7  }
0x4f: {  	s8 =	sshll.u32 s9, $0x7;
	[sflag:s0] =	ssyncadd.s32 @!p1 $0xFFFFF000;
	s23 =	sadd.s32 s4, s22  }
0x50: {  	s14 =	sshll.u32 s11, $0x7;
	s15 =	sshll.u32 s20, $0x7;
	s21 =	sshll.u32 s1, $0x7;
	v4 =	vor.u32 s24, v0;
	v1 =	vld [tilespmem:s23+$0x1000]  }
0x51: {  	s0 =	sor.u32 $0x5, s1;
	s12 =	sadd.s32 s4, s30;
	s24 =	sadd.s32 s4, s8  }
0x52: {  	s30 =	sadd.s32 s4, s14;
	s15 =	sadd.s32 s4, s15;
	s2 =	sadd.s32 s4, s21  }
0x53: {  	s1 =	sor.u32 s1, s29;
	s22 =	sshll.u32 s0, $0x7;
	s23 =	sshll.u32 s3, $0x7;
	v2 =	vld [tilespmem:s12+$0x1000]  }
0x54: {  	v3 =	vld [tilespmem:s24+$0x1000];
	s14 =	sadd.s32 s4, s22;
	s22 =	sadd.s32 s4, s23;
	s23 =	sor.u32 s7, s29  }
0x55: {  	s8 =	sor.u32 s9, s29;
	s12 =	sor.u32 s11, s29;
	s11 =	sor.u32 s20, s29;
	v5 =	vor.u32 s23, v0;
	[tilespmem:v4+s19+$0x0] =	vst.idx.msk $0xffff, v1;
	v1 =	vor.u32 s1, v0;
	v4 =	vld [tilespmem:s30+$0x1000]  }
.LBB2_5:
0x56: {  	s26 =	sadd.s32 $0x8, s26;
	v6 =	vor.u32 s8, v0;
	v7 =	vor.u32 s12, v0;
	v8 =	vld [tilespmem:s15+$0x1000];
	v9 =	vor.u32 s11, v0;
	s0 =	sor.u32 s0, s29;
	s1 =	sor.u32 s3, s29  }
0x57: {  	s4 =	sand.u32 $0x18, s26;
	p1 =	slt.u32 s26, $0xF8;
	v10 =	vld [tilespmem:s14+$0x1000];
	v11 =	vor.u32 s0, v0;
	v12 =	vor.u32 s1, v0;
	s0 =	sshrl.u32 s26, $0x1  }
0x58: {  	s1 =	sshll.u32 s26, $0x4;
	s3 =	sor.u32 $0x7, s4;
	v13 =	vld [tilespmem:s22+$0x1000];
	s7 =	sand.u32 $0x3FFFFFF0, s0  }
0x59: {  	s29 =	sand.u32 $0xFFFFFE00, s1;
	s1 =	sor.u32 $0x1, s4;
	s0 =	sshll.u32 s3, $0x7;
	v14 =	vld [tilespmem:s2+$0x1000]  }
0x5a: {  	s8 =	sor.u32 $0x2, s4;
	s2 =	sor.u32 s3, s29;
	s0 =	sadd.s32 s7, s0;
	[tilespmem:v5+s19+$0x0] =	vst.idx.msk $0xffff, v2  }
0x5b: {  	s9 =	sor.u32 $0x3, s4;
	s11 =	sor.u32 $0x4, s4;
	s20 =	sshll.u32 s4, $0x7;
	v15 =	vor.u32 s2, v0;
	v5 =	vld [tilespmem:s0+$0x1000];
	[tilespmem:v6+s19+$0x0] =	vst.idx.msk $0xffff, v3  }
0x5c: {  	s3 =	sor.u32 $0x6, s4;
	s2 =	sshll.u32 s1, $0x7;
	s0 =	sor.u32 $0x5, s4;
	[tilespmem:v7+s19+$0x0] =	vst.idx.msk $0xffff, v4  }
0x5d: {  	s12 =	sshll.u32 s8, $0x7;
	s14 =	sshll.u32 s9, $0x7;
	s15 =	sshll.u32 s11, $0x7;
	[tilespmem:v9+s19+$0x0] =	vst.idx.msk $0xffff, v8  }
.Ltmp3:
0x5e: {  	s22 =	sshll.u32 s3, $0x7;
	s21 =	sshll.u32 s0, $0x7;
	[tilespmem:v11+s19+$0x0] =	vst.idx.msk $0xffff, v10;
	(pc) =	sbr.rel @p1 .LBB2_5-.Ltmp3, $4  }
0x5f: {  	s12 =	sadd.s32 s7, s12;
	s23 =	sadd.s32 s7, s14;
	s2 =	sadd.s32 s7, s2;
	[tilespmem:v12+s19+$0x0] =	vst.idx.msk $0xffff, v13  }
0x60: {  	s15 =	sadd.s32 s7, s15;
	s22 =	sadd.s32 s7, s22;
	s14 =	sadd.s32 s7, s21;
	v2 =	vld [tilespmem:s2+$0x1000];
	[tilespmem:v15+s19+$0x0] =	vst.idx.msk $0xffff, v5  }
0x61: {  	s1 =	sor.u32 s1, s29;
	s4 =	sor.u32 s4, s29;
	s2 =	sadd.s32 s7, s20;
	v3 =	vld [tilespmem:s12+$0x1000];
	[tilespmem:v1+s19+$0x0] =	vst.idx.msk $0xffff, v14  }
0x62: {  	s8 =	sor.u32 s8, s29;
	s11 =	sor.u32 s11, s29;
	v5 =	vor.u32 s1, v0;
	v1 =	vor.u32 s4, v0;
	s12 =	sor.u32 s9, s29;
	v4 =	vld [tilespmem:s23+$0x1000]  }
0x63: {  	v6 =	vor.u32 s8, v0  }
0x64: {  	v7 =	vor.u32 s12, v0  }
0x65: {  	v8 =	vld [tilespmem:s15+$0x1000];
	v9 =	vor.u32 s11, v0;
	s0 =	sor.u32 s0, s29  }
0x66: {  	s1 =	sor.u32 s3, s29;
	v10 =	vld [tilespmem:s14+$0x1000];
	v11 =	vor.u32 s0, v0  }
0x67: {  	v13 =	vld [tilespmem:s22+$0x1000];
	v12 =	vor.u32 s1, v0;
	[tilespmem:v5+s19+$0x0] =	vst.idx.msk $0xffff, v2  }
0x68: {  	v2 =	vld [tilespmem:s2+$0x1000];
	[tilespmem:v6+s19+$0x0] =	vst.idx.msk $0xffff, v3  }
0x69: {  	[tilespmem:v7+s19+$0x0] =	vst.idx.msk $0xffff, v4  }
0x6a: {  	[tilespmem:v9+s19+$0x0] =	vst.idx.msk $0xffff, v8  }
0x6b: {  	[tilespmem:v11+s19+$0x0] =	vst.idx.msk $0xffff, v10  }
0x6c: {  	[tilespmem:v12+s19+$0x0] =	vst.idx.msk $0xffff, v13  }
0x6d: {  	[tilespmem:v1+s19+$0x0] =	vst.idx.msk $0xffff, v2  }
0x6e: {  	s25 =	sadd.s32 $0x1, s25;
	s30 =	rddreg [dreg:$0x5]  }
0x6f: {  	p1 =	sne.s32 s25, s30  }
.Ltmp4:
0x70: {  	_ = 	snop;
	(pc) =	sbr.rel @p1 .LBB2_2-.Ltmp4, $4  }
0x71: {  	s29 =	sshll.u32 s28, $0x9  }
0x72: {  	s0 =	sand.u32 $0x1FFFFE00, s29  }
0x73: {  	s0 =	sadd.s32 s5, s0  }
0x74: {  	[hbm4b:s0+s31] =	stream.linear.scatter [tilespmem:s19], [sflag:$0x4], $0x1000, $0x38;
	[tilespmem:$0x6000] =	vst v63  }
0x75: {  	s0 =	simm.s32 $0x3  }
0x76: {  	_ =	swait.ge [sflag:s0], $0x1000  }
.Ltmp5:
0x77: {  	[sflag:s0] =	ssyncset.done $0x0;
	(pc) =	sbr.rel @p0 .LBB2_9-.Ltmp5, $4  }
0x78: {  	s30 =	simm.s32 $0x4;
	[sflag:s0] =	ssyncadd.s32 $0xFFFFF000  }
0x79: {  	_ =	swait.ge [sflag:s30], $0x1000  }
0x7a: {  	[sflag:s30] =	ssyncset.done $0x0  }
0x7b: {  	s2 =	rddreg [dreg:$0x9];
	[sflag:s30] =	ssyncadd.s32 $0xFFFFF000  }
0x7c: {  	s0 =	rddreg [dreg:$0x1];
	s1 =	simm.s32 $0x4000;
	s29 =	simm.s32 $0x5  }
0x7d: {  	[tilespmem:s1], [sflag:$0x5] =	stream.linear.gather [hbm4b:s0+s31], $0x2000, $0x38;
	[tilespmem:$0x6000] =	vst v63  }
0x7e: {  	_ =	swait.ge [sflag:s29], $0x2000  }
0x7f: {  	[sflag:s29] =	ssyncset.done $0x0  }
0x80: {  	[sflag:s29] =	ssyncadd.s32 $0xFFFFE000  }
0x81: {  	v1 =	vld [tilespmem:$0x4000]  }
0x82: {  	v2 =	vld [tilespmem:$0x4010]  }
0x83: {  	v3 =	vld [tilespmem:$0x4080]  }
0x84: {  	v4 =	vld [tilespmem:$0x4090]  }
0x85: {  	v5 =	vld [tilespmem:$0x4100]  }
0x86: {  	[tilespmem:$0x2000] =	vst v1;
	v1 =	vld [tilespmem:$0x4110]  }
0x87: {  	[tilespmem:$0x2010] =	vst v2;
	v2 =	vld [tilespmem:$0x4180]  }
0x88: {  	[tilespmem:$0x2020] =	vst v3;
	v3 =	vld [tilespmem:$0x4190]  }
0x89: {  	v16 =	vld [tilespmem:$0x4200];
	[tilespmem:$0x2030] =	vst v4  }
0x8a: {  	v17 =	vld [tilespmem:$0x4210];
	[tilespmem:$0x2040] =	vst v5  }
0x8b: {  	[tilespmem:$0x2050] =	vst v1;
	v1 =	vld [tilespmem:$0x4280]  }
0x8c: {  	[tilespmem:$0x2060] =	vst v2;
	v2 =	vld [tilespmem:$0x4290]  }
0x8d: {  	[tilespmem:$0x2070] =	vst v3;
	v3 =	vld [tilespmem:$0x4300]  }
0x8e: {  	v18 =	vld [tilespmem:$0x4310];
	[tilespmem:$0x2080] =	vst v16  }
0x8f: {  	v19 =	vld [tilespmem:$0x4380];
	[tilespmem:$0x2090] =	vst v17  }
0x90: {  	[tilespmem:$0x20A0] =	vst v1;
	v1 =	vld [tilespmem:$0x4390]  }
0x91: {  	[tilespmem:$0x20B0] =	vst v2;
	v2 =	vld [tilespmem:$0x4400]  }
0x92: {  	[tilespmem:$0x20C0] =	vst v3;
	v3 =	vld [tilespmem:$0x4410]  }
0x93: {  	v20 =	vld [tilespmem:$0x4480];
	[tilespmem:$0x20D0] =	vst v18  }
0x94: {  	v21 =	vld [tilespmem:$0x4490];
	[tilespmem:$0x20E0] =	vst v19  }
0x95: {  	[tilespmem:$0x20F0] =	vst v1;
	v1 =	vld [tilespmem:$0x4500]  }
0x96: {  	[tilespmem:$0x2100] =	vst v2;
	v2 =	vld [tilespmem:$0x4510]  }
0x97: {  	[tilespmem:$0x2110] =	vst v3;
	v3 =	vld [tilespmem:$0x4580]  }
0x98: {  	v22 =	vld [tilespmem:$0x4590];
	[tilespmem:$0x2120] =	vst v20  }
0x99: {  	v23 =	vld [tilespmem:$0x4600];
	[tilespmem:$0x2130] =	vst v21  }
0x9a: {  	[tilespmem:$0x2140] =	vst v1;
	v1 =	vld [tilespmem:$0x4610]  }
0x9b: {  	[tilespmem:$0x2150] =	vst v2;
	v2 =	vld [tilespmem:$0x4680]  }
0x9c: {  	[tilespmem:$0x2160] =	vst v3;
	v3 =	vld [tilespmem:$0x4690]  }
0x9d: {  	v24 =	vld [tilespmem:$0x4700];
	[tilespmem:$0x2170] =	vst v22  }
0x9e: {  	v25 =	vld [tilespmem:$0x4710];
	[tilespmem:$0x2180] =	vst v23  }
0x9f: {  	[tilespmem:$0x2190] =	vst v1;
	v1 =	vld [tilespmem:$0x4780]  }
0xa0: {  	[tilespmem:$0x21A0] =	vst v2;
	v2 =	vld [tilespmem:$0x4790]  }
0xa1: {  	[tilespmem:$0x21B0] =	vst v3;
	v3 =	vld [tilespmem:$0x4800]  }
0xa2: {  	v26 =	vld [tilespmem:$0x4810];
	[tilespmem:$0x21C0] =	vst v24  }
0xa3: {  	v27 =	vld [tilespmem:$0x4880];
	[tilespmem:$0x21D0] =	vst v25  }
0xa4: {  	[tilespmem:$0x21E0] =	vst v1;
	v1 =	vld [tilespmem:$0x4890]  }
0xa5: {  	[tilespmem:$0x21F0] =	vst v2;
	v2 =	vld [tilespmem:$0x4900]  }
0xa6: {  	[tilespmem:$0x2200] =	vst v3;
	v3 =	vld [tilespmem:$0x4910]  }
0xa7: {  	v28 =	vld [tilespmem:$0x4980];
	[tilespmem:$0x2210] =	vst v26  }
0xa8: {  	v29 =	vld [tilespmem:$0x4990];
	[tilespmem:$0x2220] =	vst v27  }
0xa9: {  	[tilespmem:$0x2230] =	vst v1;
	v1 =	vld [tilespmem:$0x4A00]  }
0xaa: {  	[tilespmem:$0x2240] =	vst v2;
	v2 =	vld [tilespmem:$0x4A10]  }
0xab: {  	[tilespmem:$0x2250] =	vst v3;
	v3 =	vld [tilespmem:$0x4A80]  }
0xac: {  	v30 =	vld [tilespmem:$0x4A90];
	[tilespmem:$0x2260] =	vst v28  }
0xad: {  	v31 =	vld [tilespmem:$0x4B00];
	[tilespmem:$0x2270] =	vst v29  }
0xae: {  	[tilespmem:$0x2280] =	vst v1;
	v1 =	vld [tilespmem:$0x4B10]  }
0xaf: {  	[tilespmem:$0x2290] =	vst v2;
	v2 =	vld [tilespmem:$0x4B80]  }
0xb0: {  	[tilespmem:$0x22A0] =	vst v3;
	v3 =	vld [tilespmem:$0x4B90]  }
0xb1: {  	v32 =	vld [tilespmem:$0x4C00];
	[tilespmem:$0x22B0] =	vst v30  }
0xb2: {  	v33 =	vld [tilespmem:$0x4C10];
	[tilespmem:$0x22C0] =	vst v31  }
0xb3: {  	[tilespmem:$0x22D0] =	vst v1;
	v1 =	vld [tilespmem:$0x4C80]  }
0xb4: {  	[tilespmem:$0x22E0] =	vst v2;
	v2 =	vld [tilespmem:$0x4C90]  }
0xb5: {  	[tilespmem:$0x22F0] =	vst v3;
	v3 =	vld [tilespmem:$0x4D00]  }
0xb6: {  	v34 =	vld [tilespmem:$0x4D10];
	[tilespmem:$0x2300] =	vst v32  }
0xb7: {  	v35 =	vld [tilespmem:$0x4D80];
	[tilespmem:$0x2310] =	vst v33  }
0xb8: {  	[tilespmem:$0x2320] =	vst v1;
	v1 =	vld [tilespmem:$0x4D90]  }
0xb9: {  	[tilespmem:$0x2330] =	vst v2;
	v2 =	vld [tilespmem:$0x4E00]  }
0xba: {  	[tilespmem:$0x2340] =	vst v3;
	v3 =	vld [tilespmem:$0x4E10]  }
0xbb: {  	v36 =	vld [tilespmem:$0x4E80];
	[tilespmem:$0x2350] =	vst v34  }
0xbc: {  	v37 =	vld [tilespmem:$0x4E90];
	[tilespmem:$0x2360] =	vst v35  }
0xbd: {  	[tilespmem:$0x2370] =	vst v1;
	v1 =	vld [tilespmem:$0x4F00]  }
0xbe: {  	[tilespmem:$0x2380] =	vst v2;
	v2 =	vld [tilespmem:$0x4F10]  }
0xbf: {  	[tilespmem:$0x2390] =	vst v3;
	v3 =	vld [tilespmem:$0x4F80]  }
0xc0: {  	v38 =	vld [tilespmem:$0x4F90];
	[tilespmem:$0x23A0] =	vst v36  }
0xc1: {  	v39 =	vld [tilespmem:$0x5000];
	[tilespmem:$0x23B0] =	vst v37  }
0xc2: {  	[tilespmem:$0x23C0] =	vst v1;
	v1 =	vld [tilespmem:$0x5010]  }
0xc3: {  	[tilespmem:$0x23D0] =	vst v2;
	v2 =	vld [tilespmem:$0x5080]  }
0xc4: {  	[tilespmem:$0x23E0] =	vst v3;
	v3 =	vld [tilespmem:$0x5090]  }
0xc5: {  	v40 =	vld [tilespmem:$0x5100];
	[tilespmem:$0x23F0] =	vst v38  }
0xc6: {  	v41 =	vld [tilespmem:$0x5110];
	[tilespmem:$0x2400] =	vst v39  }
0xc7: {  	[tilespmem:$0x2410] =	vst v1;
	v1 =	vld [tilespmem:$0x5180]  }
0xc8: {  	[tilespmem:$0x2420] =	vst v2;
	v2 =	vld [tilespmem:$0x5190]  }
0xc9: {  	[tilespmem:$0x2430] =	vst v3;
	v3 =	vld [tilespmem:$0x5200]  }
0xca: {  	v42 =	vld [tilespmem:$0x5210];
	[tilespmem:$0x2440] =	vst v40  }
0xcb: {  	v43 =	vld [tilespmem:$0x5280];
	[tilespmem:$0x2450] =	vst v41  }
0xcc: {  	[tilespmem:$0x2460] =	vst v1;
	v1 =	vld [tilespmem:$0x5290]  }
0xcd: {  	[tilespmem:$0x2470] =	vst v2;
	v2 =	vld [tilespmem:$0x5300]  }
0xce: {  	[tilespmem:$0x2480] =	vst v3;
	v3 =	vld [tilespmem:$0x5310]  }
0xcf: {  	v44 =	vld [tilespmem:$0x5380];
	[tilespmem:$0x2490] =	vst v42  }
0xd0: {  	v45 =	vld [tilespmem:$0x5390];
	[tilespmem:$0x24A0] =	vst v43  }
0xd1: {  	[tilespmem:$0x24B0] =	vst v1;
	v1 =	vld [tilespmem:$0x5400]  }
0xd2: {  	[tilespmem:$0x24C0] =	vst v2;
	v2 =	vld [tilespmem:$0x5410]  }
0xd3: {  	[tilespmem:$0x24D0] =	vst v3;
	v3 =	vld [tilespmem:$0x5480]  }
0xd4: {  	v46 =	vld [tilespmem:$0x5490];
	[tilespmem:$0x24E0] =	vst v44  }
0xd5: {  	v47 =	vld [tilespmem:$0x5500];
	[tilespmem:$0x24F0] =	vst v45  }
0xd6: {  	[tilespmem:$0x2500] =	vst v1;
	v1 =	vld [tilespmem:$0x5510]  }
0xd7: {  	[tilespmem:$0x2510] =	vst v2;
	v2 =	vld [tilespmem:$0x5580]  }
0xd8: {  	[tilespmem:$0x2520] =	vst v3;
	v3 =	vld [tilespmem:$0x5590]  }
0xd9: {  	v48 =	vld [tilespmem:$0x5600];
	[tilespmem:$0x2530] =	vst v46  }
0xda: {  	v49 =	vld [tilespmem:$0x5610];
	[tilespmem:$0x2540] =	vst v47  }
0xdb: {  	[tilespmem:$0x2550] =	vst v1;
	v1 =	vld [tilespmem:$0x5680]  }
0xdc: {  	[tilespmem:$0x2560] =	vst v2;
	v2 =	vld [tilespmem:$0x5690]  }
0xdd: {  	[tilespmem:$0x2570] =	vst v3;
	v3 =	vld [tilespmem:$0x5700]  }
0xde: {  	v50 =	vld [tilespmem:$0x5710];
	[tilespmem:$0x2580] =	vst v48  }
0xdf: {  	v51 =	vld [tilespmem:$0x5780];
	[tilespmem:$0x2590] =	vst v49  }
0xe0: {  	[tilespmem:$0x25A0] =	vst v1;
	v1 =	vld [tilespmem:$0x5790]  }
0xe1: {  	[tilespmem:$0x25B0] =	vst v2;
	v2 =	vld [tilespmem:$0x5800]  }
0xe2: {  	[tilespmem:$0x25C0] =	vst v3;
	v3 =	vld [tilespmem:$0x5810]  }
0xe3: {  	v52 =	vld [tilespmem:$0x5880];
	[tilespmem:$0x25D0] =	vst v50  }
0xe4: {  	v53 =	vld [tilespmem:$0x5890];
	[tilespmem:$0x25E0] =	vst v51  }
0xe5: {  	[tilespmem:$0x25F0] =	vst v1;
	v1 =	vld [tilespmem:$0x5900]  }
0xe6: {  	[tilespmem:$0x2600] =	vst v2;
	v2 =	vld [tilespmem:$0x5910]  }
0xe7: {  	[tilespmem:$0x2610] =	vst v3;
	v3 =	vld [tilespmem:$0x5980]  }
0xe8: {  	v54 =	vld [tilespmem:$0x5990];
	[tilespmem:$0x2620] =	vst v52  }
0xe9: {  	v55 =	vld [tilespmem:$0x5A00];
	[tilespmem:$0x2630] =	vst v53  }
0xea: {  	[tilespmem:$0x2640] =	vst v1;
	v1 =	vld [tilespmem:$0x5A10]  }
0xeb: {  	[tilespmem:$0x2650] =	vst v2;
	v2 =	vld [tilespmem:$0x5A80]  }
0xec: {  	[tilespmem:$0x2660] =	vst v3;
	v3 =	vld [tilespmem:$0x5A90]  }
0xed: {  	v56 =	vld [tilespmem:$0x5B00];
	[tilespmem:$0x2670] =	vst v54  }
0xee: {  	v57 =	vld [tilespmem:$0x5B10];
	[tilespmem:$0x2680] =	vst v55  }
0xef: {  	[tilespmem:$0x2690] =	vst v1;
	v1 =	vld [tilespmem:$0x5B80]  }
0xf0: {  	[tilespmem:$0x26A0] =	vst v2;
	v2 =	vld [tilespmem:$0x5B90]  }
0xf1: {  	[tilespmem:$0x26B0] =	vst v3;
	v3 =	vld [tilespmem:$0x5C00]  }
0xf2: {  	v58 =	vld [tilespmem:$0x5C10];
	[tilespmem:$0x26C0] =	vst v56  }
0xf3: {  	v59 =	vld [tilespmem:$0x5C80];
	[tilespmem:$0x26D0] =	vst v57  }
0xf4: {  	[tilespmem:$0x26E0] =	vst v1;
	v1 =	vld [tilespmem:$0x5C90]  }
0xf5: {  	[tilespmem:$0x26F0] =	vst v2;
	v2 =	vld [tilespmem:$0x5D00]  }
0xf6: {  	[tilespmem:$0x2700] =	vst v3;
	v3 =	vld [tilespmem:$0x5D10]  }
0xf7: {  	v60 =	vld [tilespmem:$0x5D80];
	[tilespmem:$0x2710] =	vst v58  }
0xf8: {  	v61 =	vld [tilespmem:$0x5D90];
	[tilespmem:$0x2720] =	vst v59  }
0xf9: {  	[tilespmem:$0x2730] =	vst v1;
	v1 =	vld [tilespmem:$0x5E00]  }
0xfa: {  	[tilespmem:$0x2740] =	vst v2;
	v2 =	vld [tilespmem:$0x5E10]  }
0xfb: {  	[tilespmem:$0x2750] =	vst v3;
	v3 =	vld [tilespmem:$0x5E80]  }
0xfc: {  	v62 =	vld [tilespmem:$0x5E90];
	[tilespmem:$0x2760] =	vst v60  }
0xfd: {  	v63 =	vld [tilespmem:$0x5F00];
	[tilespmem:$0x2770] =	vst v61  }
0xfe: {  	[tilespmem:$0x2780] =	vst v1;
	v1 =	vld [tilespmem:$0x5F10]  }
0xff: {  	[tilespmem:$0x2790] =	vst v2;
	v2 =	vld [tilespmem:$0x5F80]  }
0x100: {  	[tilespmem:$0x27A0] =	vst v3;
	v3 =	vld [tilespmem:$0x5F90]  }
0x101: {  	[tilespmem:$0x27B0] =	vst v62  }
0x102: {  	[tilespmem:$0x27C0] =	vst v63  }
0x103: {  	[tilespmem:$0x27D0] =	vst v1  }
0x104: {  	[tilespmem:$0x27E0] =	vst v2  }
.Ltmp6:
0x105: {  	s30 =	rddreg [dreg:$0x7];
	[tilespmem:$0x27F0] =	vst v3;
	(pc) =	sbr.rel .LBB2_9-.Ltmp6, $4  }
0x106: {  	[hbm4b:s30+s31] =	stream.linear.scatter [tilespmem:s17], [sflag:$0x5], $0x800, $0x38;
	[tilespmem:$0x6000] =	vst v63  }
0x107: {  	_ =	swait.ge [sflag:s29], $0x800  }
0x108: {  	[sflag:s29] =	ssyncset.done $0x0  }
0x109: {  	[sflag:s29] =	ssyncadd.s32 $0xFFFFF800  }
.LBB2_10:
0x10a: {  	_ =	sfence.sel $0x180000  }
0x10b: {  	[bflag:$0x0] =	sbarrier.arrive $0xFFFF  }
0x10c: {  	_ =	strace $0x90000047  }
0x10d: {  	s0 =	stileid.u32;
	[bflag:$0x2] =	sbarrier.arrive $0xFFFF  }
0x10e: {  	p0 =	sne.s32 s0, $0x0;
	s0 =	rddreg [dreg:$0x3]  }
0x10f: {  	s0 =	sadd.s32 @!p0 $0x100000, s0  }
0x110: {  	[sflag:s0] =	ssyncadd.tile.s32 @!p0 $0x1;
	_ =	shalt  }
.Lfunc_end2:
_tile_overlayer_lowered:
.L_overlay_start_2:
0x111: {  	(tag) =	ssettag $0x2  }
0x112: {  	s0 =	rddreg [dreg:$0x0];
	s2 =	stileid.u32  }
0x113: {  	s1 =	rddreg [dreg:$0x1];
	p0 =	sne.s32 s2, $0x0  }
0x114: {  	s3 =	rddreg [dreg:$0x2];
	[bflag:$0x3] =	sbarrier.arrive $0xFFFF;
	s2 =	simm.s32 @!p0 $0x1C05  }
0x115: {  	[timem:s3], [sflag:s2] =	dma.local @!p0 [hbm:s0], s1  }
0x116: {  	s0 =	simm.s32 @!p0 $0x5  }
0x117: {  	_ =	swait.ge @!p0 [sflag:s0], s1  }
0x118: {  	s1 =	ssub.s32 @!p0 $0x0, s1;
	[sflag:s0] =	ssyncset.done @!p0 $0x0  }
0x119: {  	[sflag:s0] =	ssyncadd.s32 @!p0 s1  }
0x11a: {  	[bflag:$0x3] =	sbarrier.arrive $0xFFFF  }
0x11b: {  	_ =	shalt  }

// kernel: kernel.7.cloned.1.call-start
scs
__scs_entry_jumppad:
0x0: {  	(pc) =	sbr.rel $0x88, $3  }
0x1: {  	(tag) =	ssettag $0x0;
	lr =	simm.s32 $0x1  }
0x2: {  	[smem:$0x3F9F] =	sst lr;
	_ =	strace $0xD0000000  }
0x3: {  	_ = 	snop  }
0x4: {  	_ = 	snop  }
0x5: {  	_ = 	snop  }
0x6: {  	_ = 	snop  }
0x7: {  	_ = 	snop  }
__scs_overlays_trampoline_lowered:
0x8: {  	[smem:$0x3FAE] =	sst s0  }
0x9: {  	[smem:$0x3FAF] =	sst s1  }
0xa: {  	[smem:$0x3FB0] =	sst s2  }
0xb: {  	[smem:$0x3FB1] =	sst s3  }
0xc: {  	[smem:$0x3FB2] =	sst s4  }
0xd: {  	[smem:$0x3FB3] =	sst s5  }
0xe: {  	[smem:$0x3FB4] =	sst s6  }
0xf: {  	[smem:$0x3FB5] =	sst s7  }
0x10: {  	[smem:$0x3FB6] =	sst s8  }
0x11: {  	[smem:$0x3FB7] =	sst s9;
	s0 =	simm.s32 @!p0 $0x0  }
0x12: {  	s1 =	sld [smem:$0x3F9D];
	s0 =	simm.s32 @p0 $0x1  }
0x13: {  	[smem:$0x3FB8] =	sst s0;
	s0 =	simm.s32 @!p1 $0x0  }
0x14: {  	s2 =	sld [smem:$0x3F9C];
	s0 =	simm.s32 @p1 $0x1  }
0x15: {  	[smem:$0x3FB9] =	sst s0;
	s0 =	simm.s32 @!p2 $0x0  }
0x16: {  	s3 =	sld [smem:$0x3FDB];
	s0 =	simm.s32 @p2 $0x1  }
0x17: {  	s4 =	simm.s32 $0x1BF5;
	[smem:$0x3FBB] =	sst s0  }
0x18: {  	s0 =	sld [smem:$0x3F9E];
	_ =	swait.ge [sflag:s4], $0x0  }
0x19: {  	s7 =	sld [smem:$0x3F9F]  }
0x1a: {  	s8 =	sadd.s32 $0xFFFFE003, lr  }
0x1b: {  	s9 =	sadd.s32 $0xFFFFFEF7, lr;
	s5 =	simm.s32 $0xFFFFFFFF;
	p2 =	slt.u32 s8, $0xFFFFF086  }
0x1c: {  	p1 =	slt.u32 s9, $0xF7A;
	s5 =	simm.s32 @!p2 $0x0  }
0x1d: {  	s5 =	simm.s32 @p1 $0x1;
	p0 =	seq.s32 s7, s2  }
0x1e: {  	s7 =	smul.u32 @!p0 $0xF7A, s2;
	p2 =	seq.s32 @!p0 s5, $0x0  }
0x1f: {  	s9 =	smul.u32 $0xF7A, s1;
	s8 =	simm.s32 @!p0 $0x1BF5;
	p2 =	por !p2, p0  }
0x20: {  	[sflag:s8] =	ssyncset.s32 @!p0 $0xFFFFF086;
	s6 =	sadd.s32 @!p0 s3, s7;
	s7 =	simm.s32 @!p0 $0x108  }
0x21: {  	s3 =	sadd.s32 s3, s9;
	s6 =	sadd.s32 @!p0 $0x88, s6;
	s7 =	simm.s32 @p2 $0x1082  }
0x22: {  	[simem:s7], [sflag:s8] =	dma.local @!p0 [hbm:s6], $0xF7A  }
0x23: {  	s9 =	sor.u32 $0xD0000000, s2;
	s6 =	simm.s32 $0x108;
	_ =	swait.ge @!p0 [sflag:s8], $0x0  }
0x24: {  	s3 =	sadd.s32 $0x88, s3;
	s6 =	simm.s32 @!p1 $0x1082;
	[sflag:s4] =	ssyncset.s32 $0xFFFFF086  }
0x25: {  	[simem:s6], [sflag:s4] =	dma.local [hbm:s3], $0xF7A  }
0x26: {  	[smem:$0x3F9F] =	sst s1;
	(tag) =	ssettag s2;
	_ =	strace s9  }
0x27: {  	s1 =	sld [smem:$0x3FAF]  }
0x28: {  	s2 =	sld [smem:$0x3FB0]  }
0x29: {  	s4 =	sld [smem:$0x3FB2]  }
0x2a: {  	p0 =	seq.s32 s5, $0x0;
	s5 =	sld [smem:$0x3FB3]  }
0x2b: {  	s6 =	sld [smem:$0x3FB4]  }
0x2c: {  	s7 =	sld [smem:$0x3FB5]  }
0x2d: {  	s3 =	simm.s32 $0x108;
	s8 =	sld [smem:$0x3FB6]  }
0x2e: {  	s3 =	simm.s32 @!p0 $0x1082;
	s9 =	sld [smem:$0x3FB7]  }
0x2f: {  	lr =	sadd.s32 s0, s3;
	s0 =	sld [smem:$0x3FAE]  }
0x30: {  	s3 =	sld [smem:$0x3FB1]  }
0x31: {  	[smem:$0x3FBA] =	sst s10  }
0x32: {  	s10 =	sld [smem:$0x3FB8];
	_ =	sdelay $0x3  }
0x33: {  	p0 =	seq.s32 s10, $0x1;
	s10 =	sld [smem:$0x3FBA];
	_ =	sdelay $0x3  }
0x34: {  	[smem:$0x3FBA] =	sst s10  }
0x35: {  	s10 =	sld [smem:$0x3FB9];
	_ =	sdelay $0x3  }
0x36: {  	p1 =	seq.s32 s10, $0x1;
	s10 =	sld [smem:$0x3FBA];
	_ =	sdelay $0x3  }
0x37: {  	[smem:$0x3FBA] =	sst s10  }
0x38: {  	s10 =	sld [smem:$0x3FBB]  }
0x39: {  	_ = 	snop;
	(pc) =	sbr.ind lr, $3  }
0x3a: {  	_ = 	snop  }
0x3b: {  	_ = 	snop  }
0x3c: {  	p2 =	seq.s32 s10, $0x1;
	s10 =	sld [smem:$0x3FBA]  }
0x3d: {  	_ =	shalt  }
0x3e: {  	_ =	shalt  }
0x3f: {  	_ =	shalt  }
0x40: {  	_ =	shalt  }
0x41: {  	_ =	shalt  }
0x42: {  	_ =	shalt  }
0x43: {  	_ =	shalt  }
0x44: {  	_ =	shalt  }
0x45: {  	_ =	shalt  }
0x46: {  	_ =	shalt  }
0x47: {  	_ =	shalt  }
0x48: {  	_ =	shalt  }
0x49: {  	_ =	shalt  }
0x4a: {  	_ =	shalt  }
0x4b: {  	_ =	shalt  }
0x4c: {  	_ =	shalt  }
0x4d: {  	_ =	shalt  }
0x4e: {  	_ =	shalt  }
0x4f: {  	_ =	shalt  }
0x50: {  	_ =	shalt  }
0x51: {  	_ =	shalt  }
0x52: {  	_ =	shalt  }
0x53: {  	_ =	shalt  }
0x54: {  	_ =	shalt  }
0x55: {  	_ =	shalt  }
0x56: {  	_ =	shalt  }
0x57: {  	_ =	shalt  }
0x58: {  	_ =	shalt  }
0x59: {  	_ =	shalt  }
0x5a: {  	_ =	shalt  }
0x5b: {  	_ =	shalt  }
0x5c: {  	_ =	shalt  }
0x5d: {  	_ =	shalt  }
0x5e: {  	_ =	shalt  }
0x5f: {  	_ =	shalt  }
0x60: {  	_ =	shalt  }
0x61: {  	_ =	shalt  }
0x62: {  	_ =	shalt  }
0x63: {  	_ =	shalt  }
0x64: {  	_ =	shalt  }
0x65: {  	_ =	shalt  }
0x66: {  	_ =	shalt  }
0x67: {  	_ =	shalt  }
0x68: {  	_ =	shalt  }
0x69: {  	_ =	shalt  }
0x6a: {  	_ =	shalt  }
0x6b: {  	_ =	shalt  }
0x6c: {  	_ =	shalt  }
0x6d: {  	_ =	shalt  }
0x6e: {  	_ =	shalt  }
0x6f: {  	_ =	shalt  }
0x70: {  	_ =	shalt  }
0x71: {  	_ =	shalt  }
0x72: {  	_ =	shalt  }
0x73: {  	_ =	shalt  }
0x74: {  	_ =	shalt  }
0x75: {  	_ =	shalt  }
0x76: {  	_ =	shalt  }
0x77: {  	_ =	shalt  }
0x78: {  	_ =	shalt  }
0x79: {  	_ =	shalt  }
0x7a: {  	_ =	shalt  }
0x7b: {  	_ =	shalt  }
0x7c: {  	_ =	shalt  }
0x7d: {  	_ =	shalt  }
0x7e: {  	_ =	shalt  }
0x7f: {  	_ =	shalt  }
0x80: {  	_ =	shalt  }
0x81: {  	_ =	shalt  }
0x82: {  	_ =	shalt  }
0x83: {  	_ =	shalt  }
0x84: {  	_ =	shalt  }
0x85: {  	_ =	shalt  }
0x86: {  	_ =	shalt  }
0x87: {  	_ =	shalt  }
.Lfunc_end0:
.L_simem_size_0:
called_computation.1_lowered:
.L_overlay_start_0:
0x88: {  	s2 =	sld [smem:$0x3FD9]  }
0x89: {  	s3 =	sld [smem:$0x3FFE];
	_ =	sdelay $0x1  }
0x8a: {  	s1 =	srdreg.scid  }
0x8b: {  	s0 =	sand.u32 $0x1, s1  }
0x8c: {  	s17 =	sshll.u32 s0, $0xA;
	s2 =	sadd.s32 s3, s2  }
0x8d: {  	s2 =	sadd.s32 s2, s17  }
0x8e: {  	[smem:$0x3FC6] =	sst s2  }
0x8f: {  	_ = 	snop  }
0x90: {  	s2 =	sld [smem:$0x3FD0];
	(tm) =	ssettm $0x1  }
0x91: {  	s18 =	sld [smem:$0x3FFB];
	_ =	sdelay $0x3  }
0x92: {  	_ =	strace s18  }
0x93: {  	s3 =	sld [smem:$0x3FFC];
	_ =	sdelay $0x3  }
0x94: {  	_ =	strace s3  }
0x95: {  	s3 =	sld [smem:$0x3FFD];
	_ =	sdelay $0x3  }
0x96: {  	_ =	strace s3  }
0x97: {  	_ =	strace $0x8FFFFFFF  }
0x98: {  	s19 =	sld [smem:$0x3FDB];
	_ =	sdelay $0x1  }
0x99: {  	s4 =	simm.s32 $_scs_section_size  }
0x9a: {  	s5 =	simm.s32 $_size__tile_overlayer_lowered;
	s6 =	simm.s32 $_tile_overlayer_lowered  }
0x9b: {  	s22 =	simm.s32 $0x1BFF;
	s21 =	sshll.u32 s6, $0x1;
	s3 =	sadd.s32 s4, s19  }
0x9c: {  	s7 =	simm.s32 $0x0;
	s20 =	sshll.u32 s5, $0x1;
	s5 =	sadd.s32 s21, s3  }
0x9d: {  	[timem:s7], [sflag:s22] =	dma.local [hbm:s5], s20  }
0x9e: {  	_ =	swait.ge [sflag:s22], s20  }
0x9f: {  	s4 =	ssub.s32 $0x0, s20;
	[sflag:s22] =	ssyncset.done $0x0  }
0xa0: {  	[sflag:s22] =	ssyncadd.s32 s4;
	_ =	sdelay $0x1  }
0xa1: {  	s23 =	simm.s32 $0x1B8B  }
0xa2: {  	_ =	swait.ge [sflag:s23], $0x1  }
0xa3: {  	[sflag:s23] =	ssyncset.done $0x0  }
0xa4: {  	s25 =	simm.s32 $0x1B8E;
	s24 =	sld [smem:$0x3FFE];
	[sflag:s23] =	ssyncadd.s32 $0xFFFFFFFF  }
0xa5: {  	s26 =	simm.s32 $execute0_lowered;
	[smem:$0x3FD2] =	sst s25  }
0xa6: {  	s5 =	sshll.u32 s26, $0x1;
	_ =	strace $0x80000049;
	[dreg:$0x1] =	wrdreg $0xFFFFFFFF  }
0xa7: {  	s28 =	simm.s32 $_size_execute0_lowered;
	s3 =	sadd.s32 s3, s5;
	[dreg:$0x0] =	wrdreg $0x0  }
0xa8: {  	s5 =	sshll.u32 s28, $0x1;
	[dreg:$0x2] =	wrdreg s3  }
0xa9: {  	[dreg:$0x3] =	wrdreg s5  }
0xaa: {  	[dreg:$0x4] =	wrdreg $0xC0  }
0xab: {  	_ =	task [dreg:s7], $0x5FFFF  }
0xac: {  	[dreg:$0x1] =	wrdreg $0xFFFFFFFF  }
0xad: {  	[dreg:$0x0] =	wrdreg $0x60  }
0xae: {  	[dreg:$0x2] =	wrdreg s24  }
0xaf: {  	[dreg:$0x3] =	wrdreg s2  }
0xb0: {  	[dreg:$0x4] =	wrdreg $0x9  }
0xb1: {  	_ =	task.clear_ibuf [dreg:s7], $0x5FFFF;
	_ =	strace $0x90000049  }
0xb2: {  	s29 =	simm.s32 $0x9;
	_ =	strace $0x8000004B  }
0xb3: {  	_ =	swait.ge [sflag:s29], $0x1  }
0xb4: {  	[sflag:s29] =	ssyncadd.s32 $0xFFFFFFFF  }
0xb5: {  	_ =	strace $0x9000004B  }
0xb6: {  	_ =	sfence  }
0xb7: {  	s30 =	sld [smem:$0x0];
	_ =	sdelay $0x2  }
0xb8: {  	s31 =	sshll.u32 s1, $0xD;
	s1 =	sshrl.u32 s1, $0x2  }
0xb9: {  	s3 =	sand.u32 $0x4000, s31;
	s1 =	sadd.s32 s1, s30  }
0xba: {  	s0 =	sor.u32 s3, s0;
	s1 =	sshll.u32 s1, $0x11  }
0xbb: {  	s0 =	sor.u32 s1, s0  }
0xbc: {  	s0 =	sadd.s32 $0x8F2B, s0  }
0xbd: {  	[sflag:s0] =	ssyncadd.remote.s32 $0x1  }
0xbe: {  	_ =	sfence.sel $0xFFFF  }
0xbf: {  	[dreg:$0x0] =	wrdreg $0xFFFFFFFF;
	(pc) =	sbr.abs _section_cstart, $3  }
0xc0: {  	[dreg:$0x1] =	wrdreg $0xFFFFFFFF  }
0xc1: {  	_ =	task.clear_ibuf [dreg:s7], $0x2FFFF;
	_ =	strace $0x9FFFFFFF  }
0xc2: {  	(tm) =	ssettm $0x7FFFFFFF  }
0xc3: {  	_ =	shalt  }
tec
execute0_lowered:
.L_overlay_start_1:
0x0: {  	(tag) =	ssettag $0x1  }
0x1: {  	s0 =	rddreg [dreg:$0x0];
	s1 =	srdreg.scid  }
0x2: {  	s3 =	stileid.u32;
	s2 =	rddreg [dreg:$0x1];
	s5 =	simm.s32 $0x0  }
0x3: {  	s7 =	simm.s32 $0x2;
	s8 =	simm.s32 $0x80;
	s9 =	simm.s32 $0x2800  }
0x4: {  	s10 =	simm.s32 $0x3800;
	s11 =	simm.s32 $0x4800;
	s12 =	simm.s32 $0x5800  }
0x5: {  	s13 =	simm.s32 $0x6800;
	s14 =	simm.s32 $0x7800;
	s15 =	simm.s32 $0x8800  }
0x6: {  	s16 =	simm.s32 $0x9800;
	s17 =	simm.s32 $0xA800;
	s18 =	simm.s32 $0xB800  }
0x7: {  	s19 =	simm.s32 $0xC800;
	s20 =	simm.s32 $0xD800;
	s21 =	simm.s32 $0xE800  }
0x8: {  	s22 =	simm.s32 $0xF800;
	s28 =	simm.s32 $0x14800;
	s29 =	simm.s32 $0x15800  }
0x9: {  	s30 =	simm.s32 $0x1;
	s1 =	sand.u32 $0x1, s1;
	s3 =	sshll.u32 s3, $0x1  }
0xa: {  	s31 =	simm.s32 $0x16800;
	[smem:$0x7FF] =	sst s5;
	s4 =	sor.u32 s1, s3  }
0xb: {  	s1 =	ssub.s32 $0x2, s1;
	s3 =	smul.u32 $0x500, s4;
	s25 =	sshll.u32 s4, $0xB  }
0xc: {  	_ =	strace $0x8000004A;
	s24 =	sshrl.u32 s1, $0x1;
	s5 =	sadd.s32 s2, s25  }
0xd: {  	s25 =	simm.s32 $0x12800;
	s23 =	sadd.s32 s3, s0;
	s3 =	sadd.s32 $0xA00, s0  }
0xe: {  	s0 =	ssub.s32 s1, s24;
	s24 =	simm.s32 $0x11800;
	s26 =	sadd.s32 $0x3D1400, s23  }
0xf: {  	s1 =	simm.s32 $0x0;
	s0 =	smax.u32 s0, $0x1;
	[dreg:$0x3] =	wrdreg s26  }
0x10: {  	s23 =	simm.s32 $0x10800;
	[dreg:$0x4] =	wrdreg s0;
	s26 =	simm.s32 $0x13800  }
.LBB2_1:
0x11: {  	[dreg:$0x5] =	wrdreg s1  }
0x12: {  	s0 =	simm.s32 $0x0;
	s6 =	rddreg [dreg:$0x3]  }
0x13: {  	[tilespmem:s0], [sflag:$0x2] =	stream.linear.gather [hbm4b:s6+s0], $0x2800, $0x38;
	[tilespmem:$0x17800] =	vst v63  }
0x14: {  	_ =	swait.ge [sflag:s7], $0x2800  }
0x15: {  	[sflag:s7] =	ssyncset.done $0x0  }
0x16: {  	s0 =	simm.s32 $0x0;
	[sflag:s7] =	ssyncadd.s32 $0xFFFFD800  }
.LBB2_2:
0x17: {  	s1 =	smul.u32 $0x2800, s0;
	_ =	sdelay $0x1  }
0x18: {  	s1 =	sshra.s32 s1, $0x2  }
0x19: {  	[tilespmem:s9], [sflag:$0x1] =	stream.indirect.gather [hbm4b:s3+s8], $0x20, s1, s8, $0xb8;
	[tilespmem:$0x17800] =	vst v63  }
0x1a: {  	s2 =	sor.u32 $0x80, s1  }
0x1b: {  	[tilespmem:s10], [sflag:$0x1] =	stream.indirect.gather [hbm4b:s3+s8], $0x20, s2, s8, $0xb8;
	[tilespmem:$0x17800] =	vst v63  }
0x1c: {  	s6 =	sor.u32 $0x100, s1  }
0x1d: {  	[tilespmem:s11], [sflag:$0x1] =	stream.indirect.gather [hbm4b:s3+s8], $0x20, s6, s8, $0xb8;
	[tilespmem:$0x17800] =	vst v63  }
0x1e: {  	s4 =	sor.u32 $0x180, s1  }
0x1f: {  	[tilespmem:s12], [sflag:$0x1] =	stream.indirect.gather [hbm4b:s3+s8], $0x20, s4, s8, $0xb8;
	[tilespmem:$0x17800] =	vst v63  }
0x20: {  	s6 =	sadd.s32 $0x200, s1  }
0x21: {  	[tilespmem:s13], [sflag:$0x1] =	stream.indirect.gather [hbm4b:s3+s8], $0x20, s6, s8, $0xb8;
	[tilespmem:$0x17800] =	vst v63  }
0x22: {  	s4 =	sadd.s32 $0x280, s1  }
0x23: {  	[tilespmem:s14], [sflag:$0x1] =	stream.indirect.gather [hbm4b:s3+s8], $0x20, s4, s8, $0xb8;
	[tilespmem:$0x17800] =	vst v63  }
0x24: {  	s6 =	sadd.s32 $0x300, s1  }
0x25: {  	[tilespmem:s15], [sflag:$0x1] =	stream.indirect.gather [hbm4b:s3+s8], $0x20, s6, s8, $0xb8;
	[tilespmem:$0x17800] =	vst v63  }
0x26: {  	s4 =	sadd.s32 $0x380, s1  }
0x27: {  	[tilespmem:s16], [sflag:$0x1] =	stream.indirect.gather [hbm4b:s3+s8], $0x20, s4, s8, $0xb8;
	[tilespmem:$0x17800] =	vst v63  }
0x28: {  	s6 =	sadd.s32 $0x400, s1  }
0x29: {  	[tilespmem:s17], [sflag:$0x1] =	stream.indirect.gather [hbm4b:s3+s8], $0x20, s6, s8, $0xb8;
	[tilespmem:$0x17800] =	vst v63  }
0x2a: {  	s4 =	sadd.s32 $0x480, s1  }
0x2b: {  	[tilespmem:s18], [sflag:$0x1] =	stream.indirect.gather [hbm4b:s3+s8], $0x20, s4, s8, $0xb8;
	[tilespmem:$0x17800] =	vst v63  }
0x2c: {  	s6 =	sadd.s32 $0x500, s1  }
0x2d: {  	[tilespmem:s19], [sflag:$0x1] =	stream.indirect.gather [hbm4b:s3+s8], $0x20, s6, s8, $0xb8;
	[tilespmem:$0x17800] =	vst v63  }
0x2e: {  	s4 =	sadd.s32 $0x580, s1  }
0x2f: {  	[tilespmem:s20], [sflag:$0x1] =	stream.indirect.gather [hbm4b:s3+s8], $0x20, s4, s8, $0xb8;
	[tilespmem:$0x17800] =	vst v63  }
0x30: {  	s6 =	sadd.s32 $0x600, s1  }
0x31: {  	[tilespmem:s21], [sflag:$0x1] =	stream.indirect.gather [hbm4b:s3+s8], $0x20, s6, s8, $0xb8;
	[tilespmem:$0x17800] =	vst v63  }
0x32: {  	s4 =	sadd.s32 $0x680, s1  }
0x33: {  	[tilespmem:s22], [sflag:$0x1] =	stream.indirect.gather [hbm4b:s3+s8], $0x20, s4, s8, $0xb8;
	[tilespmem:$0x17800] =	vst v63  }
0x34: {  	s6 =	sadd.s32 $0x700, s1  }
0x35: {  	[tilespmem:s23], [sflag:$0x1] =	stream.indirect.gather [hbm4b:s3+s8], $0x20, s6, s8, $0xb8;
	[tilespmem:$0x17800] =	vst v63  }
0x36: {  	s4 =	sadd.s32 $0x780, s1  }
0x37: {  	[tilespmem:s24], [sflag:$0x1] =	stream.indirect.gather [hbm4b:s3+s8], $0x20, s4, s8, $0xb8;
	[tilespmem:$0x17800] =	vst v63  }
0x38: {  	s6 =	sadd.s32 $0x800, s1  }
0x39: {  	[tilespmem:s25], [sflag:$0x1] =	stream.indirect.gather [hbm4b:s3+s8], $0x20, s6, s8, $0xb8;
	[tilespmem:$0x17800] =	vst v63  }
0x3a: {  	s4 =	sadd.s32 $0x880, s1  }
0x3b: {  	[tilespmem:s26], [sflag:$0x1] =	stream.indirect.gather [hbm4b:s3+s8], $0x20, s4, s8, $0xb8;
	[tilespmem:$0x17800] =	vst v63  }
0x3c: {  	s6 =	sadd.s32 $0x900, s1  }
0x3d: {  	[tilespmem:s28], [sflag:$0x1] =	stream.indirect.gather [hbm4b:s3+s8], $0x20, s6, s8, $0xb8;
	[tilespmem:$0x17800] =	vst v63  }
0x3e: {  	s1 =	sadd.s32 $0x980, s1  }
0x3f: {  	[tilespmem:s29], [sflag:$0x1] =	stream.indirect.gather [hbm4b:s3+s8], $0x20, s1, s8, $0xb8;
	[tilespmem:$0x17800] =	vst v63  }
0x40: {  	_ =	swait.ge [sflag:s30], $0x1000  }
0x41: {  	[sflag:s30] =	ssyncset.done $0x0  }
0x42: {  	[sflag:s30] =	ssyncadd.s32 $0xFFFFF000  }
0x43: {  	_ =	swait.ge [sflag:s30], $0x1000  }
0x44: {  	[sflag:s30] =	ssyncset.done $0x0  }
0x45: {  	[sflag:s30] =	ssyncadd.s32 $0xFFFFF000  }
0x46: {  	_ =	swait.ge [sflag:s30], $0x1000  }
0x47: {  	[sflag:s30] =	ssyncset.done $0x0  }
0x48: {  	[sflag:s30] =	ssyncadd.s32 $0xFFFFF000  }
0x49: {  	_ =	swait.ge [sflag:s30], $0x1000  }
0x4a: {  	[sflag:s30] =	ssyncset.done $0x0  }
0x4b: {  	[sflag:s30] =	ssyncadd.s32 $0xFFFFF000  }
0x4c: {  	_ =	swait.ge [sflag:s30], $0x1000  }
0x4d: {  	[sflag:s30] =	ssyncset.done $0x0  }
0x4e: {  	[sflag:s30] =	ssyncadd.s32 $0xFFFFF000  }
0x4f: {  	_ =	swait.ge [sflag:s30], $0x1000  }
0x50: {  	[sflag:s30] =	ssyncset.done $0x0  }
0x51: {  	[sflag:s30] =	ssyncadd.s32 $0xFFFFF000  }
0x52: {  	_ =	swait.ge [sflag:s30], $0x1000  }
0x53: {  	[sflag:s30] =	ssyncset.done $0x0  }
0x54: {  	[sflag:s30] =	ssyncadd.s32 $0xFFFFF000  }
0x55: {  	_ =	swait.ge [sflag:s30], $0x1000  }
0x56: {  	[sflag:s30] =	ssyncset.done $0x0  }
0x57: {  	[sflag:s30] =	ssyncadd.s32 $0xFFFFF000  }
0x58: {  	_ =	swait.ge [sflag:s30], $0x1000  }
0x59: {  	[sflag:s30] =	ssyncset.done $0x0  }
0x5a: {  	[sflag:s30] =	ssyncadd.s32 $0xFFFFF000  }
0x5b: {  	_ =	swait.ge [sflag:s30], $0x1000  }
0x5c: {  	[sflag:s30] =	ssyncset.done $0x0  }
0x5d: {  	[sflag:s30] =	ssyncadd.s32 $0xFFFFF000  }
0x5e: {  	_ =	swait.ge [sflag:s30], $0x1000  }
0x5f: {  	[sflag:s30] =	ssyncset.done $0x0  }
0x60: {  	[sflag:s30] =	ssyncadd.s32 $0xFFFFF000  }
0x61: {  	_ =	swait.ge [sflag:s30], $0x1000  }
0x62: {  	[sflag:s30] =	ssyncset.done $0x0  }
0x63: {  	[sflag:s30] =	ssyncadd.s32 $0xFFFFF000  }
0x64: {  	_ =	swait.ge [sflag:s30], $0x1000  }
0x65: {  	[sflag:s30] =	ssyncset.done $0x0  }
0x66: {  	[sflag:s30] =	ssyncadd.s32 $0xFFFFF000  }
0x67: {  	_ =	swait.ge [sflag:s30], $0x1000  }
0x68: {  	[sflag:s30] =	ssyncset.done $0x0  }
0x69: {  	[sflag:s30] =	ssyncadd.s32 $0xFFFFF000  }
0x6a: {  	_ =	swait.ge [sflag:s30], $0x1000  }
0x6b: {  	[sflag:s30] =	ssyncset.done $0x0  }
0x6c: {  	[sflag:s30] =	ssyncadd.s32 $0xFFFFF000  }
0x6d: {  	_ =	swait.ge [sflag:s30], $0x1000  }
0x6e: {  	[sflag:s30] =	ssyncset.done $0x0  }
0x6f: {  	[sflag:s30] =	ssyncadd.s32 $0xFFFFF000  }
0x70: {  	_ =	swait.ge [sflag:s30], $0x1000  }
0x71: {  	[sflag:s30] =	ssyncset.done $0x0  }
0x72: {  	[sflag:s30] =	ssyncadd.s32 $0xFFFFF000  }
0x73: {  	_ =	swait.ge [sflag:s30], $0x1000  }
0x74: {  	[sflag:s30] =	ssyncset.done $0x0  }
0x75: {  	[sflag:s30] =	ssyncadd.s32 $0xFFFFF000  }
0x76: {  	_ =	swait.ge [sflag:s30], $0x1000  }
0x77: {  	[sflag:s30] =	ssyncset.done $0x0  }
0x78: {  	[sflag:s30] =	ssyncadd.s32 $0xFFFFF000  }
0x79: {  	_ =	swait.ge [sflag:s30], $0x1000  }
0x7a: {  	[sflag:s30] =	ssyncset.done $0x0  }
0x7b: {  	s4 =	simm.s32 $0x2940;
	[sflag:s30] =	ssyncadd.s32 $0xFFFFF000  }
0x7c: {  	v0 =	vld [tilespmem:s4+$0xFFFFFEC0]  }
0x7d: {  	v1 =	vld [tilespmem:s4+$0xFFFFFEE0];
	_ =	sdelay $0x1  }
0x7e: {  	v2 =	vld [tilespmem:s4+$0xFFFFFF00];
	_ =	sdelay $0x1  }
0x7f: {  	v3 =	vld [tilespmem:s4+$0xFFFFFF20]  }
0x80: {  	v0 =	vadd.f32 v1, v0  }
0x81: {  	v1 =	vld [tilespmem:s4+$0xFFFFFF40]  }
0x82: {  	v0 =	vadd.f32 v2, v0  }
0x83: {  	v2 =	vld [tilespmem:s4+$0xFFFFFF60]  }
0x84: {  	v0 =	vadd.f32 v3, v0  }
0x85: {  	v3 =	vld [tilespmem:s4+$0xFFFFFF80]  }
0x86: {  	v0 =	vadd.f32 v1, v0  }
0x87: {  	v1 =	vld [tilespmem:s4+$0xFFFFFFA0]  }
0x88: {  	v0 =	vadd.f32 v2, v0  }
0x89: {  	v2 =	vld [tilespmem:s4+$0xFFFFFFC0]  }
0x8a: {  	v0 =	vadd.f32 v3, v0  }
0x8b: {  	v3 =	vld [tilespmem:s4+$0xFFFFFFE0]  }
0x8c: {  	v0 =	vadd.f32 v1, v0  }
0x8d: {  	v1 =	vld [tilespmem:s4+$0x0]  }
0x8e: {  	v0 =	vadd.f32 v2, v0  }
0x8f: {  	v2 =	vld [tilespmem:s4+$0x20]  }
0x90: {  	v0 =	vadd.f32 v3, v0  }
0x91: {  	v3 =	vld [tilespmem:s4+$0x40]  }
0x92: {  	v0 =	vadd.f32 v1, v0  }
0x93: {  	v1 =	vld [tilespmem:s4+$0x60]  }
0x94: {  	v0 =	vadd.f32 v2, v0  }
0x95: {  	v2 =	vld [tilespmem:s4+$0x80]  }
0x96: {  	v0 =	vadd.f32 v3, v0  }
0x97: {  	v3 =	vld [tilespmem:s4+$0xA0]  }
0x98: {  	v0 =	vadd.f32 v1, v0  }
0x99: {  	v1 =	vld [tilespmem:s4+$0xC0]  }
0x9a: {  	v0 =	vadd.f32 v2, v0  }
0x9b: {  	v2 =	vld [tilespmem:s4+$0xE0]  }
0x9c: {  	v0 =	vadd.f32 v3, v0  }
0x9d: {  	v3 =	vld [tilespmem:s4+$0x100]  }
0x9e: {  	v0 =	vadd.f32 v1, v0  }
0x9f: {  	v1 =	vld [tilespmem:s4+$0x120]  }
0xa0: {  	v0 =	vadd.f32 v2, v0;
	_ =	sdelay $0x1  }
0xa1: {  	v0 =	vadd.f32 v3, v0;
	_ =	sdelay $0x1  }
0xa2: {  	v0 =	vadd.f32 v1, v0;
	_ =	sdelay $0x1  }
0xa3: {  	v0 =	vmul.f32 $5.000000070e-02, v0  }
0xa4: {  	s1 =	simm.s32 $0x0  }
0xa5: {  	[tilespmem:s1+$0x16800] =	vst v0  }
0xa6: {  	v0 =	vld [tilespmem:s4+$0xFFFFFED0]  }
0xa7: {  	v1 =	vld [tilespmem:s4+$0xFFFFFEF0];
	_ =	sdelay $0x1  }
0xa8: {  	v2 =	vld [tilespmem:s4+$0xFFFFFF10];
	_ =	sdelay $0x1  }
0xa9: {  	v3 =	vld [tilespmem:s4+$0xFFFFFF30]  }
0xaa: {  	v0 =	vadd.f32 v1, v0  }
0xab: {  	v1 =	vld [tilespmem:s4+$0xFFFFFF50]  }
0xac: {  	v0 =	vadd.f32 v2, v0  }
0xad: {  	v2 =	vld [tilespmem:s4+$0xFFFFFF70]  }
0xae: {  	v0 =	vadd.f32 v3, v0  }
0xaf: {  	v3 =	vld [tilespmem:s4+$0xFFFFFF90]  }
0xb0: {  	v0 =	vadd.f32 v1, v0  }
0xb1: {  	v1 =	vld [tilespmem:s4+$0xFFFFFFB0]  }
0xb2: {  	v0 =	vadd.f32 v2, v0  }
0xb3: {  	v2 =	vld [tilespmem:s4+$0xFFFFFFD0]  }
0xb4: {  	v0 =	vadd.f32 v3, v0  }
0xb5: {  	v3 =	vld [tilespmem:s4+$0xFFFFFFF0]  }
0xb6: {  	v0 =	vadd.f32 v1, v0  }
0xb7: {  	v1 =	vld [tilespmem:s4+$0x10]  }
0xb8: {  	v0 =	vadd.f32 v2, v0  }
0xb9: {  	v2 =	vld [tilespmem:s4+$0x30]  }
0xba: {  	v0 =	vadd.f32 v3, v0  }
0xbb: {  	v3 =	vld [tilespmem:s4+$0x50]  }
0xbc: {  	v0 =	vadd.f32 v1, v0  }
0xbd: {  	v1 =	vld [tilespmem:s4+$0x70]  }
0xbe: {  	v0 =	vadd.f32 v2, v0  }
0xbf: {  	v2 =	vld [tilespmem:s4+$0x90]  }
0xc0: {  	v0 =	vadd.f32 v3, v0  }
0xc1: {  	v3 =	vld [tilespmem:s4+$0xB0]  }
0xc2: {  	v0 =	vadd.f32 v1, v0  }
0xc3: {  	v1 =	vld [tilespmem:s4+$0xD0]  }
0xc4: {  	v0 =	vadd.f32 v2, v0  }
0xc5: {  	v2 =	vld [tilespmem:s4+$0xF0]  }
0xc6: {  	v0 =	vadd.f32 v3, v0  }
0xc7: {  	v3 =	vld [tilespmem:s4+$0x110]  }
0xc8: {  	v0 =	vadd.f32 v1, v0  }
0xc9: {  	v1 =	vld [tilespmem:s4+$0x130]  }
0xca: {  	v0 =	vadd.f32 v2, v0;
	_ =	sdelay $0x1  }
0xcb: {  	v0 =	vadd.f32 v3, v0;
	_ =	sdelay $0x1  }
0xcc: {  	v0 =	vadd.f32 v1, v0;
	_ =	sdelay $0x1  }
0xcd: {  	s6 =	simm.s32 $0x80;
	v0 =	vmul.f32 $5.000000070e-02, v0  }
.LBB2_3:
0xce: {  	p0 =	sne.s32 s6, $0x3F80  }
0xcf: {  	s4 =	sadd.s32 $0x280, s4;
	s2 =	smov.u32 s6;
	s6 =	sadd.s32 $0x80, s6  }
0xd0: {  	[tilespmem:s1+$0x16810] =	vst v0  }
0xd1: {  	v0 =	vld [tilespmem:s4+$0xFFFFFEC0]  }
0xd2: {  	v1 =	vld [tilespmem:s4+$0xFFFFFEE0];
	_ =	sdelay $0x1  }
0xd3: {  	v2 =	vld [tilespmem:s4+$0xFFFFFF00];
	_ =	sdelay $0x1  }
0xd4: {  	v3 =	vld [tilespmem:s4+$0xFFFFFF20]  }
0xd5: {  	v0 =	vadd.f32 v1, v0  }
0xd6: {  	v1 =	vld [tilespmem:s4+$0xFFFFFF40]  }
0xd7: {  	v0 =	vadd.f32 v2, v0  }
0xd8: {  	v2 =	vld [tilespmem:s4+$0xFFFFFF60]  }
0xd9: {  	v0 =	vadd.f32 v3, v0  }
0xda: {  	v3 =	vld [tilespmem:s4+$0xFFFFFF80]  }
0xdb: {  	v0 =	vadd.f32 v1, v0  }
0xdc: {  	v1 =	vld [tilespmem:s4+$0xFFFFFFA0]  }
0xdd: {  	v0 =	vadd.f32 v2, v0  }
0xde: {  	v2 =	vld [tilespmem:s4+$0xFFFFFFC0]  }
0xdf: {  	v0 =	vadd.f32 v3, v0  }
0xe0: {  	v3 =	vld [tilespmem:s4+$0xFFFFFFE0]  }
0xe1: {  	v0 =	vadd.f32 v1, v0  }
0xe2: {  	v1 =	vld [tilespmem:s4+$0x0]  }
0xe3: {  	v0 =	vadd.f32 v2, v0  }
0xe4: {  	v2 =	vld [tilespmem:s4+$0x20]  }
0xe5: {  	v0 =	vadd.f32 v3, v0  }
0xe6: {  	v3 =	vld [tilespmem:s4+$0x40]  }
0xe7: {  	v0 =	vadd.f32 v1, v0  }
0xe8: {  	v1 =	vld [tilespmem:s4+$0x60]  }
0xe9: {  	v0 =	vadd.f32 v2, v0  }
0xea: {  	v2 =	vld [tilespmem:s4+$0x80]  }
0xeb: {  	v0 =	vadd.f32 v3, v0  }
0xec: {  	v3 =	vld [tilespmem:s4+$0xA0]  }
0xed: {  	v0 =	vadd.f32 v1, v0  }
0xee: {  	v1 =	vld [tilespmem:s4+$0xC0]  }
0xef: {  	v0 =	vadd.f32 v2, v0  }
0xf0: {  	v2 =	vld [tilespmem:s4+$0xE0]  }
0xf1: {  	v0 =	vadd.f32 v3, v0  }
0xf2: {  	v3 =	vld [tilespmem:s4+$0x100]  }
0xf3: {  	v0 =	vadd.f32 v1, v0  }
0xf4: {  	v1 =	vld [tilespmem:s4+$0x120]  }
0xf5: {  	v0 =	vadd.f32 v2, v0;
	_ =	sdelay $0x1  }
0xf6: {  	v0 =	vadd.f32 v3, v0;
	_ =	sdelay $0x1  }
0xf7: {  	v0 =	vadd.f32 v1, v0;
	_ =	sdelay $0x1  }
0xf8: {  	v0 =	vmul.f32 $5.000000070e-02, v0  }
0xf9: {  	s1 =	sshra.s32 s2, $0x2  }
0xfa: {  	[tilespmem:s1+$0x16800] =	vst v0  }
0xfb: {  	v0 =	vld [tilespmem:s4+$0xFFFFFED0]  }
0xfc: {  	v1 =	vld [tilespmem:s4+$0xFFFFFEF0]  }
0xfd: {  	v2 =	vld [tilespmem:s4+$0xFFFFFF10];
	_ =	sdelay $0x1  }
0xfe: {  	v3 =	vld [tilespmem:s4+$0xFFFFFF30];
	_ =	sdelay $0x1  }
0xff: {  	v0 =	vadd.f32 v1, v0;
	v1 =	vld [tilespmem:s4+$0xFFFFFF50];
	_ =	sdelay $0x1  }
0x100: {  	v0 =	vadd.f32 v2, v0;
	v2 =	vld [tilespmem:s4+$0xFFFFFF70];
	_ =	sdelay $0x1  }
0x101: {  	v0 =	vadd.f32 v3, v0;
	v3 =	vld [tilespmem:s4+$0xFFFFFF90];
	_ =	sdelay $0x1  }
0x102: {  	v0 =	vadd.f32 v1, v0;
	v1 =	vld [tilespmem:s4+$0xFFFFFFB0];
	_ =	sdelay $0x1  }
0x103: {  	v0 =	vadd.f32 v2, v0;
	v2 =	vld [tilespmem:s4+$0xFFFFFFD0];
	_ =	sdelay $0x1  }
0x104: {  	v0 =	vadd.f32 v3, v0;
	v3 =	vld [tilespmem:s4+$0xFFFFFFF0];
	_ =	sdelay $0x1  }
0x105: {  	v0 =	vadd.f32 v1, v0;
	v1 =	vld [tilespmem:s4+$0x10];
	_ =	sdelay $0x1  }
0x106: {  	v0 =	vadd.f32 v2, v0;
	v2 =	vld [tilespmem:s4+$0x30];
	_ =	sdelay $0x1  }
0x107: {  	v0 =	vadd.f32 v3, v0;
	v3 =	vld [tilespmem:s4+$0x50];
	_ =	sdelay $0x1  }
0x108: {  	v0 =	vadd.f32 v1, v0;
	v1 =	vld [tilespmem:s4+$0x70];
	_ =	sdelay $0x1  }
0x109: {  	v0 =	vadd.f32 v2, v0;
	v2 =	vld [tilespmem:s4+$0x90];
	_ =	sdelay $0x1  }
0x10a: {  	v0 =	vadd.f32 v3, v0;
	v3 =	vld [tilespmem:s4+$0xB0];
	_ =	sdelay $0x1  }
0x10b: {  	v0 =	vadd.f32 v1, v0;
	v1 =	vld [tilespmem:s4+$0xD0];
	_ =	sdelay $0x1  }
0x10c: {  	v0 =	vadd.f32 v2, v0;
	v2 =	vld [tilespmem:s4+$0xF0];
	_ =	sdelay $0x1  }
0x10d: {  	v0 =	vadd.f32 v3, v0;
	v3 =	vld [tilespmem:s4+$0x110];
	_ =	sdelay $0x1  }
0x10e: {  	v0 =	vadd.f32 v1, v0;
	v1 =	vld [tilespmem:s4+$0x130];
	_ =	sdelay $0x1  }
0x10f: {  	v0 =	vadd.f32 v2, v0;
	_ =	sdelay $0x1  }
.Ltmp0:
0x110: {  	v0 =	vadd.f32 v3, v0;
	(pc) =	sbr.rel @p0 .LBB2_3-.Ltmp0, $3  }
0x111: {  	_ = 	snop  }
0x112: {  	v0 =	vadd.f32 v1, v0;
	_ =	sdelay $0x1  }
0x113: {  	v0 =	vmul.f32 $5.000000070e-02, v0  }
0x114: {  	s2 =	sshll.u32 s0, $0x9;
	s0 =	sadd.s32 $0x1, s0  }
0x115: {  	p0 =	sne.s32 s0, $0x4  }
.Ltmp1:
0x116: {  	s6 =	simm.s32 $0x0;
	[tilespmem:s1+$0x16810] =	vst v0;
	s4 =	sadd.s32 s2, s5;
	(pc) =	sbr.rel @p0 .LBB2_2-.Ltmp1, $4  }
0x117: {  	[hbm4b:s4+s6] =	stream.linear.scatter [tilespmem:s31], [sflag:$0x2], $0x1000, $0x38;
	[tilespmem:$0x17800] =	vst v63  }
0x118: {  	_ =	swait.ge [sflag:s7], $0x1000  }
0x119: {  	[sflag:s7] =	ssyncset.done $0x0  }
0x11a: {  	[sflag:s7] =	ssyncadd.s32 $0xFFFFF000  }
0x11b: {  	s1 =	rddreg [dreg:$0x5]  }
0x11c: {  	s0 =	rddreg [dreg:$0x4];
	s1 =	sadd.s32 $0x1, s1  }
0x11d: {  	p0 =	sne.s32 s1, s0  }
.Ltmp2:
0x11e: {  	_ = 	snop;
	(pc) =	sbr.rel @p0 .LBB2_1-.Ltmp2, $1  }
0x11f: {  	_ =	sdelay $0x3  }
0x120: {  	_ =	sfence.sel $0x180000  }
0x121: {  	[bflag:$0x0] =	sbarrier.arrive $0xFFFF  }
0x122: {  	_ =	strace $0x9000004A  }
0x123: {  	s0 =	stileid.u32;
	[bflag:$0x2] =	sbarrier.arrive $0xFFFF  }
0x124: {  	p0 =	sne.s32 s0, $0x0;
	s0 =	rddreg [dreg:$0x2]  }
0x125: {  	s0 =	sadd.s32 @!p0 $0x100000, s0  }
0x126: {  	[sflag:s0] =	ssyncadd.tile.s32 @!p0 $0x1;
	_ =	shalt  }
.Lfunc_end2:
_tile_overlayer_lowered:
.L_overlay_start_2:
0x127: {  	(tag) =	ssettag $0x2  }
0x128: {  	s0 =	rddreg [dreg:$0x0];
	s2 =	stileid.u32  }
0x129: {  	s1 =	rddreg [dreg:$0x1];
	p0 =	sne.s32 s2, $0x0  }
0x12a: {  	s3 =	rddreg [dreg:$0x2];
	[bflag:$0x3] =	sbarrier.arrive $0xFFFF;
	s2 =	simm.s32 @!p0 $0x1C02  }
0x12b: {  	[timem:s3], [sflag:s2] =	dma.local @!p0 [hbm:s0], s1  }
0x12c: {  	s0 =	simm.s32 @!p0 $0x2  }
0x12d: {  	_ =	swait.ge @!p0 [sflag:s0], s1  }
0x12e: {  	s1 =	ssub.s32 @!p0 $0x0, s1;
	[sflag:s0] =	ssyncset.done @!p0 $0x0  }
0x12f: {  	[sflag:s0] =	ssyncadd.s32 @!p0 s1  }
0x130: {  	[bflag:$0x3] =	sbarrier.arrive $0xFFFF  }
0x131: {  	_ =	shalt  }

</sc_bundles>
